<compile_context>
chip_gen: v7x
topology: tpu7x:2x2x1
jax: 0.10.2.dev20260603
libtpu: 0.0.44.dev20260713+nightly
codegen_flags: <defaults>
</compile_context>

<pallas_src>
import functools

import jax
import jax.numpy as jnp
from jax import lax
from jax.experimental import pallas as pl
from jax.experimental.pallas import tpu as pltpu
from jax.experimental.pallas import tpu_sc as plsc

NC = 2
NS = 16
NW = NC * NS
CHUNK = 256


@functools.lru_cache(maxsize=None)
def _build_sc_gather(B, WIN, V, D):
    n_ctx = B * WIN
    b_per_tile = B // NW
    n_chunks = b_per_tile // CHUNK
    f32 = jnp.float32

    mesh = plsc.VectorSubcoreMesh(
        core_axis_name="c", subcore_axis_name="s", num_cores=NC, num_subcores=NS
    )

    @functools.partial(
        pl.kernel,
        out_type=[
            jax.ShapeDtypeStruct((B // 2, 2 * D), f32),
            jax.ShapeDtypeStruct((B // 2, 2 * D), f32),
            jax.ShapeDtypeStruct((B,), f32),
            jax.ShapeDtypeStruct((n_ctx // 2, 2 * D), f32),
            jax.ShapeDtypeStruct((n_ctx // 2, 2 * D), f32),
            jax.ShapeDtypeStruct((n_ctx,), f32),
            jax.ShapeDtypeStruct((n_ctx // 2, 2 * D), f32),
            jax.ShapeDtypeStruct((n_ctx,), f32),
        ],
        mesh=mesh,
        compiler_params=pltpu.CompilerParams(use_tc_tiling_on_sc=False),
        scratch_types=[
            pltpu.VMEM((2, CHUNK), jnp.int32),
            pltpu.VMEM((2, CHUNK, D), f32),
            pltpu.VMEM((2, CHUNK, D), f32),
            pltpu.VMEM((2, CHUNK), f32),
            pltpu.SemaphoreType.DMA,
            pltpu.SemaphoreType.DMA,
            pltpu.SemaphoreType.DMA,
            pltpu.SemaphoreType.DMA,
            pltpu.SemaphoreType.DMA,
            pltpu.SemaphoreType.DMA,
        ],
    )
    def sc_gather(center_hbm, ctx_hbm, neg_hbm, emb_mu_hbm, lsig_hbm, enc_hbm,
                  enc_c_out, mu_c_out, ls_c_out, enc_ctx_out, mu_ctx_out,
                  ls_ctx_out, mu_neg_out, ls_neg_out,
                  idx_v, rows_enc, rows_mu, ls_v,
                  sem_e0, sem_m0, sem_l0, sem_e1, sem_m1, sem_l1):
        wid = lax.axis_index("s") * NC + lax.axis_index("c")

        H2 = B // 2
        sems = ((sem_e0, sem_m0, sem_l0), (sem_e1, sem_m1, sem_l1))

        def fire(buf, ids_hbm, base, do_enc):
            pltpu.sync_copy(ids_hbm.at[pl.ds(base, CHUNK)], idx_v.at[buf])
            se, sm, sl = sems[buf]
            cp_e = None
            if do_enc:
                cp_e = pltpu.async_copy(
                    enc_hbm.at[idx_v.at[buf]], rows_enc.at[buf], se)
            cp_m = pltpu.async_copy(
                emb_mu_hbm.at[idx_v.at[buf]], rows_mu.at[buf], sm)
            cp_l = pltpu.async_copy(
                lsig_hbm.at[idx_v.at[buf]], ls_v.at[buf], sl)
            return cp_e, cp_m, cp_l

        def drain(buf, cps, base, row, half, enc_out, mu_out, ls_out):
            cp_e, cp_m, cp_l = cps
            if cp_e is not None:
                cp_e.wait()
                pltpu.sync_copy(
                    rows_enc.at[buf],
                    enc_out.at[pl.ds(row, CHUNK), pl.ds(half * D, D)])
            cp_m.wait()
            pltpu.sync_copy(
                rows_mu.at[buf],
                mu_out.at[pl.ds(row, CHUNK), pl.ds(half * D, D)])
            cp_l.wait()
            pltpu.sync_copy(ls_v.at[buf], ls_out.at[pl.ds(base, CHUNK)])

        def do_pair(ids_hbm, base0, row0, base1, row1, half,
                    enc_out, mu_out, ls_out):
            cps0 = fire(0, ids_hbm, base0, enc_out is not None)
            cps1 = fire(1, ids_hbm, base1, enc_out is not None)
            drain(0, cps0, base0, row0, half, enc_out, mu_out, ls_out)
            drain(1, cps1, base1, row1, half, enc_out, mu_out, ls_out)

        b0 = wid * b_per_tile
        np2 = n_chunks // 2

        @pl.loop(0, np2)
        def _center(k):
            off = b0 + 2 * k * CHUNK
            do_pair(center_hbm, off, off % H2, off + CHUNK, off % H2 + CHUNK,
                    off // H2, enc_c_out, mu_c_out, ls_c_out)

        @pl.loop(0, WIN * np2)
        def _ctx(k):
            w = k // np2
            c = 2 * (k % np2)
            off = b0 + c * CHUNK
            do_pair(ctx_hbm, w * B + off, w * H2 + off % H2,
                    w * B + off + CHUNK, w * H2 + off % H2 + CHUNK,
                    off // H2, enc_ctx_out, mu_ctx_out, ls_ctx_out)

        @pl.loop(0, WIN * np2)
        def _neg(k):
            w = k // np2
            c = 2 * (k % np2)
            off = b0 + c * CHUNK
            do_pair(neg_hbm, w * B + off, w * H2 + off % H2,
                    w * B + off + CHUNK, w * H2 + off % H2 + CHUNK,
                    off // H2, None, mu_neg_out, ls_neg_out)

    return sc_gather


def _tc_body(WIN, LATENT, H,
             enc_c_ref, enc_ctx_ref, mu_c_ref, mu_ctx_ref, mu_neg_ref,
             ls_c2_ref, ls_ctx_ref, ls_neg_ref,
             wfc_ref, wfx_ref, bf_ref, wmu_ref, bmu_ref, wsig_ref, bsig_ref,
             bdp_ref, bd3_ref, t2_ref, kl_ref, hinge_ref):
    f32 = jnp.float32
    d = float(LATENT)
    W2 = 2 * WIN
    ecp = enc_c_ref[...]
    hc = jnp.dot(ecp, wfc_ref[...], preferred_element_type=f32) + bf_ref[...]
    h = jnp.zeros(hc.shape, f32)
    wfx = wfx_ref[...]
    for w in range(WIN):
        ew = enc_ctx_ref[w][...]
        hw = jnp.dot(ew, wfx, preferred_element_type=f32)
        h = h + jnp.maximum(hc + hw, 0.0)
    mu_q2p = (jnp.dot(h, wmu_ref[...], preferred_element_type=f32)
              + bmu_ref[...])
    sg2 = (jnp.dot(h, wsig_ref[...], preferred_element_type=f32)
           + bsig_ref[...])
    sigma2 = (jnp.maximum(sg2, 0.0)
              + jnp.log(1.0 + jnp.exp(-jnp.abs(sg2))) + 1e-6)
    lsq2 = jnp.log(sigma2)
    aq2 = d * sigma2 * sigma2

    def kl(sq, ls_t, lsq_x, aq_x):
        return (d * (ls_t - lsq_x)
                + (aq_x + sq) * (0.5 * jnp.exp(-2.0 * ls_t)) - 0.5 * d)

    dc = mu_q2p - mu_c_ref[...]
    sqc = jnp.dot(dc * dc, bdp_ref[...], preferred_element_type=f32)
    kl_part = jnp.sum(kl(sqc, ls_c2_ref[...], lsq2, aq2), keepdims=True)

    t2 = t2_ref[...]
    lsq40 = jnp.dot(lsq2, t2, preferred_element_type=f32)
    aq40 = jnp.dot(aq2, t2, preferred_element_type=f32)
    sqp = jnp.zeros((sqc.shape[0], W2), f32)
    sqn = jnp.zeros((sqc.shape[0], W2), f32)
    for w in range(WIN):
        bdw = bd3_ref[w][...]
        dp = mu_q2p - mu_ctx_ref[w][...]
        dn = mu_q2p - mu_neg_ref[w][...]
        sqp = sqp + jnp.dot(dp * dp, bdw, preferred_element_type=f32)
        sqn = sqn + jnp.dot(dn * dn, bdw, preferred_element_type=f32)
    klp = kl(sqp, ls_ctx_ref[...], lsq40, aq40)
    kln = kl(sqn, ls_neg_ref[...], lsq40, aq40)
    hinge_part = jnp.sum(jnp.maximum(klp - kln + 1.0, 0.0), keepdims=True)

    i = pl.program_id(0)

    @pl.when(i == 0)
    def _():
        kl_ref[...] = kl_part
        hinge_ref[...] = hinge_part

    @pl.when(i > 0)
    def _():
        kl_ref[...] += kl_part
        hinge_ref[...] += hinge_part


@functools.lru_cache(maxsize=None)
def _build_tc(B, WIN, D, LATENT, H, Bb):
    f32 = jnp.float32
    grid = (B // Bb,)
    body = functools.partial(_tc_body, WIN, LATENT, H)
    const = lambda *shape: pl.BlockSpec(shape, lambda i: (0,) * len(shape))
    return pl.pallas_call(
        body,
        grid=grid,
        in_specs=[
            pl.BlockSpec((Bb // 2, 2 * D), lambda i: (i, 0)),
            pl.BlockSpec((WIN, Bb // 2, 2 * D), lambda i: (0, i, 0)),
            pl.BlockSpec((Bb // 2, 2 * LATENT), lambda i: (i, 0)),
            pl.BlockSpec((WIN, Bb // 2, 2 * LATENT), lambda i: (0, i, 0)),
            pl.BlockSpec((WIN, Bb // 2, 2 * LATENT), lambda i: (0, i, 0)),
            pl.BlockSpec((Bb // 2, 2), lambda i: (i, 0)),
            pl.BlockSpec((Bb // 2, 2 * WIN), lambda i: (i, 0)),
            pl.BlockSpec((Bb // 2, 2 * WIN), lambda i: (i, 0)),
            const(2 * D, 2 * H),
            const(2 * D, 2 * H),
            const(1, 2 * H),
            const(2 * H, 2 * LATENT),
            const(1, 2 * LATENT),
            const(2 * H, 2),
            const(1, 2),
            const(2 * LATENT, 2),
            const(WIN, 2 * LATENT, 2 * WIN),
            const(2, 2 * WIN),
        ],
        out_specs=[const(1, 1), const(1, 1)],
        out_shape=[
            jax.ShapeDtypeStruct((1, 1), f32),
            jax.ShapeDtypeStruct((1, 1), f32),
        ],
    )


def kernel(center_ids, context_ids, neg_context_ids, emb_mu, emb_log_sigma,
           enc_emb, W_f, b_f, W_mu, b_mu, W_sig, b_sig):
    B = center_ids.shape[0]
    WIN = context_ids.shape[1]
    V, LATENT = emb_mu.shape
    D = enc_emb.shape[1]
    H = W_f.shape[1]

    c_ids = center_ids.astype(jnp.int32)
    ctx_ids = context_ids.astype(jnp.int32).T.reshape(-1)
    neg_ids = neg_context_ids.astype(jnp.int32).T.reshape(-1)
    lsig = emb_log_sigma.reshape(-1)

    sc = _build_sc_gather(B, WIN, V, D)
    (enc_c, mu_c, ls_c, enc_ctx, mu_ctx, ls_ctx, mu_neg, ls_neg) = sc(
        c_ids, ctx_ids, neg_ids, emb_mu, lsig, enc_emb)

    def il40(x):
        return (x.reshape(WIN, 2, B // 2).transpose(2, 0, 1)
                 .reshape(B // 2, 2 * WIN))

    j2 = jnp.arange(2 * LATENT, dtype=jnp.int32)
    cols = jnp.arange(2 * WIN, dtype=jnp.int32)
    bd3 = (cols[None, None, :] ==
           (2 * jnp.arange(WIN, dtype=jnp.int32)[:, None, None]
            + j2[None, :, None] // LATENT)).astype(jnp.float32)
    bdp = (j2[:, None] // LATENT ==
           jnp.arange(2, dtype=jnp.int32)[None, :]).astype(jnp.float32)
    t2 = (cols[None, :] % 2 ==
          jnp.arange(2, dtype=jnp.int32)[:, None]).astype(jnp.float32)

    def blkdiag(a):
        m, n = a.shape
        z = jnp.zeros((m, n), a.dtype)
        return jnp.concatenate(
            [jnp.concatenate([a, z], axis=1),
             jnp.concatenate([z, a], axis=1)], axis=0)

    wfc = blkdiag(W_f[:D])
    wfx = blkdiag(W_f[D:])
    wmu2 = blkdiag(W_mu)
    wsig2 = blkdiag(W_sig.reshape(H, 1))
    bf2 = jnp.concatenate([b_f.reshape(1, H)] * 2, axis=1)
    bmu2 = jnp.concatenate([b_mu.reshape(1, LATENT)] * 2, axis=1)
    bsig2 = jnp.concatenate([b_sig.reshape(1, 1)] * 2, axis=1)

    Bb = 512
    tc = _build_tc(B, WIN, D, LATENT, H, Bb)
    kl_sum, hinge_sum = tc(
        enc_c, enc_ctx.reshape(WIN, B // 2, 2 * D), mu_c,
        mu_ctx.reshape(WIN, B // 2, 2 * LATENT),
        mu_neg.reshape(WIN, B // 2, 2 * LATENT),
        ls_c.reshape(2, B // 2).transpose(1, 0), il40(ls_ctx), il40(ls_neg),
        wfc, wfx, bf2, wmu2, bmu2, wsig2, bsig2, bdp, bd3, t2)

    kl = kl_sum[0, 0] / B
    max_margin = hinge_sum[0, 0] / (B * WIN)
    return (kl, max_margin)

# --- scband reference (transcript-rebuilt; emitter-appended) ---
"""Pipeline reference for scband-vae-78013785965041 (READ-ONLY COPY).

The authoritative reference and input builder live on the scoring server;
editing this copy changes nothing except your own understanding.
"""

import jax, jax.numpy as jnp
import numpy as np

V = 100000
LATENT = 64
ENC_DIM = 64
HIDDEN = 128
B = 16384
WIN = 20


def compute_kl(mu_q, sigma_q, mu_p, sigma_p):
    # KL between spherical Gaussians N(mu_q, sigma_q^2 I) and N(mu_p, sigma_p^2 I)
    # sigma_q, sigma_p have trailing dim 1 (scalar std per row)
    d = mu_q.shape[-1]
    var_q = sigma_q ** 2
    var_p = sigma_p ** 2
    sq = jnp.sum((mu_q - mu_p) ** 2, axis=-1, keepdims=True)
    return d * (jnp.log(sigma_p) - jnp.log(sigma_q)) + (d * var_q + sq) / (2.0 * var_p) - 0.5 * d


def encoder_fwd(center_ids, context_ids, enc_emb, W_f, b_f, W_mu, b_mu, W_sig, b_sig):
    e_c = jnp.take(enc_emb, center_ids, axis=0)              # [B, d]
    e_ctx = jnp.take(enc_emb, context_ids, axis=0)           # [B, W, d]
    e_c_t = jnp.broadcast_to(e_c[:, None, :], e_ctx.shape)   # [B, W, d]
    h = jax.nn.relu(jnp.concatenate([e_c_t, e_ctx], axis=-1) @ W_f + b_f)  # [B, W, H]
    h = jnp.sum(h, axis=1)                                   # [B, H]
    mu_q = h @ W_mu + b_mu                                   # [B, latent]
    sigma_q = jax.nn.softplus(h @ W_sig + b_sig) + 1e-6      # [B, 1]
    return mu_q, sigma_q


def setup_inputs(seed: int = 0):
    key = jax.random.key(seed)
    ks = jax.random.split(key, 10)
    center_ids = jax.random.randint(ks[0], (B,), 0, V)
    context_ids = jax.random.randint(ks[1], (B, WIN), 0, V)
    neg_context_ids = jax.random.randint(ks[2], (B, WIN), 0, V)
    emb_mu = jax.random.normal(ks[3], (V, LATENT), dtype=jnp.float32) * 0.02
    emb_mu = emb_mu.at[0].set(0.0)  # padding_idx=0
    emb_log_sigma = jax.random.uniform(ks[4], (V, 1), minval=-3.5, maxval=-1.5, dtype=jnp.float32)
    enc_emb = jax.random.normal(ks[5], (V, ENC_DIM), dtype=jnp.float32) * 0.02
    W_f = jax.random.normal(ks[6], (2 * ENC_DIM, HIDDEN), dtype=jnp.float32) * (1.0 / np.sqrt(2 * ENC_DIM))
    b_f = jnp.zeros((HIDDEN,), dtype=jnp.float32)
    W_mu = jax.random.normal(ks[7], (HIDDEN, LATENT), dtype=jnp.float32) * (1.0 / np.sqrt(HIDDEN))
    b_mu = jnp.zeros((LATENT,), dtype=jnp.float32)
    W_sig = jax.random.normal(ks[8], (HIDDEN, 1), dtype=jnp.float32) * (1.0 / np.sqrt(HIDDEN))
    b_sig = jnp.zeros((1,), dtype=jnp.float32)
    return {"center_ids": center_ids, "context_ids": context_ids, "neg_context_ids": neg_context_ids,
            "emb_mu": emb_mu, "emb_log_sigma": emb_log_sigma, "enc_emb": enc_emb,
            "W_f": W_f, "b_f": b_f, "W_mu": W_mu, "b_mu": b_mu, "W_sig": W_sig, "b_sig": b_sig}


def reference(center_ids, context_ids, neg_context_ids, emb_mu, emb_log_sigma, enc_emb,
              W_f, b_f, W_mu, b_mu, W_sig, b_sig):
    mu_q, sigma_q = encoder_fwd(center_ids, context_ids, enc_emb, W_f, b_f, W_mu, b_mu, W_sig, b_sig)
    mu_p = jnp.take(emb_mu, center_ids, axis=0)
    sigma_p = jnp.exp(jnp.take(emb_log_sigma, center_ids, axis=0))
    pos_mu_p = jnp.take(emb_mu, context_ids, axis=0)          # [B, W, latent]
    pos_sigma_p = jnp.exp(jnp.take(emb_log_sigma, context_ids, axis=0))
    neg_mu_p = jnp.take(emb_mu, neg_context_ids, axis=0)
    neg_sigma_p = jnp.exp(jnp.take(emb_log_sigma, neg_context_ids, axis=0))

    kl = jnp.mean(compute_kl(mu_q, sigma_q, mu_p, sigma_p))

    n = pos_mu_p.shape[1]
    mu_q_flat = jnp.repeat(mu_q[:, None, :], n, axis=1).reshape(B * n, -1)
    sigma_q_flat = jnp.repeat(sigma_q[:, None, :], n, axis=1).reshape(B * n, -1)
    kl_pos = compute_kl(mu_q_flat, sigma_q_flat, pos_mu_p.reshape(B * n, -1), pos_sigma_p.reshape(B * n, -1)).reshape(B, -1)
    kl_neg = compute_kl(mu_q_flat, sigma_q_flat, neg_mu_p.reshape(B * n, -1), neg_sigma_p.reshape(B * n, -1)).reshape(B, -1)
    hinge = jnp.clip(kl_pos - kl_neg + 1.0, 0.0, None)
    max_margin = jnp.mean(hinge)
    return (kl, max_margin)

if __name__ == "__main__":
    import jax
    _d = setup_inputs()
    print(jax.jit(kernel)(*tuple(_d.values())))

</pallas_src>

<mosaic_0001>
#map = affine_map<(d0, d1) -> (0)>
#map1 = affine_map<(d0, d1) -> (0, 0)>
module attributes {stable_mosaic.version = 14 : i64} {
  func.func @sc_gather(%arg0: i32, %arg1: i32, %arg2: memref<16384xi32, #tpu.memory_space<hbm>>, %arg3: memref<327680xi32, #tpu.memory_space<hbm>>, %arg4: memref<327680xi32, #tpu.memory_space<hbm>>, %arg5: memref<100000x64xf32, #tpu.memory_space<hbm>>, %arg6: memref<100000xf32, #tpu.memory_space<hbm>>, %arg7: memref<100000x64xf32, #tpu.memory_space<hbm>>, %arg8: memref<8192x128xf32, #tpu.memory_space<hbm>>, %arg9: memref<8192x128xf32, #tpu.memory_space<hbm>>, %arg10: memref<16384xf32, #tpu.memory_space<hbm>>, %arg11: memref<163840x128xf32, #tpu.memory_space<hbm>>, %arg12: memref<163840x128xf32, #tpu.memory_space<hbm>>, %arg13: memref<327680xf32, #tpu.memory_space<hbm>>, %arg14: memref<163840x128xf32, #tpu.memory_space<hbm>>, %arg15: memref<327680xf32, #tpu.memory_space<hbm>>, %arg16: memref<2x256xi32, #tpu.memory_space<vmem>>, %arg17: memref<2x256x64xf32, #tpu.memory_space<vmem>>, %arg18: memref<2x256x64xf32, #tpu.memory_space<vmem>>, %arg19: memref<2x256xf32, #tpu.memory_space<vmem>>, %arg20: memref<!tpu.dma_semaphore, #tpu.memory_space<semaphore_mem>>, %arg21: memref<!tpu.dma_semaphore, #tpu.memory_space<semaphore_mem>>, %arg22: memref<!tpu.dma_semaphore, #tpu.memory_space<semaphore_mem>>, %arg23: memref<!tpu.dma_semaphore, #tpu.memory_space<semaphore_mem>>, %arg24: memref<!tpu.dma_semaphore, #tpu.memory_space<semaphore_mem>>, %arg25: memref<!tpu.dma_semaphore, #tpu.memory_space<semaphore_mem>>) attributes {dimension_semantics = [#tpu.dimension_semantics<core_parallel>, #tpu.dimension_semantics<subcore_parallel>], iteration_bounds = array<i64: 2, 16>, scalar_prefetch = 0 : i64, scratch_operands = 10 : i64, tpu.core_type = #tpu.core_type<sc_vector_subcore>, window_params = [{transform_indices = #map}, {transform_indices = #map}, {transform_indices = #map}, {transform_indices = #map1}, {transform_indices = #map}, {transform_indices = #map1}, {transform_indices = #map1}, {transform_indices = #map1}, {transform_indices = #map}, {transform_indices = #map1}, {transform_indices = #map1}, {transform_indices = #map}, {transform_indices = #map1}, {transform_indices = #map}]} {
    %mul3A = arith.constant 2 : i32
    %mul3A_0 = arith.muli %arg1, %mul3A : i32
    %add3A = arith.addi %mul3A_0, %arg0 : i32
    %mul3A_1 = arith.constant 512 : i32
    %mul3A_2 = arith.muli %add3A, %mul3A_1 : i32
    %scan3A = arith.constant 0 : i32
    %mul3A_3 = arith.constant 1 : i32
    %mul3A_4 = arith.muli %scan3A, %mul3A_3 : i32
    %add3A_5 = arith.constant 0 : i32
    %add3A_6 = arith.addi %add3A_5, %mul3A_4 : i32
    %mul3A_7 = arith.constant 2 : i32
    %mul3A_8 = arith.muli %mul3A_7, %add3A_6 : i32
    %mul3A_9 = arith.constant 256 : i32
    %mul3A_10 = arith.muli %mul3A_8, %mul3A_9 : i32
    %add3A_11 = arith.addi %mul3A_2, %mul3A_10 : i32
    %jit3A = arith.constant 8192 : i32
    %eq3A = arith.constant 0 : i32
    %eq3A_12 = arith.cmpi eq, %jit3A, %eq3A : i32
    %jit3A_13 = arith.constant 1 : i32
    %select_n3A = arith.select %eq3A_12, %jit3A_13, %jit3A : i32
    %rem3A = arith.remsi %add3A_11, %select_n3A : i32
    %ne3A = arith.constant 0 : i32
    %ne3A_14 = arith.cmpi ne, %rem3A, %ne3A : i32
    %lt3A = arith.constant 0 : i32
    %lt3A_15 = arith.cmpi slt, %rem3A, %lt3A : i32
    %lt3A_16 = arith.constant 0 : i32
    %lt3A_17 = arith.cmpi slt, %select_n3A, %lt3A_16 : i32
    %ne3A_18 = arith.xori %lt3A_15, %lt3A_17 : i1
    %and3A = arith.andi %ne3A_18, %ne3A_14 : i1
    %add3A_19 = arith.addi %rem3A, %select_n3A : i32
    %select_n3A_20 = arith.select %and3A, %add3A_19, %rem3A : i32
    %add3A_21 = arith.constant 256 : i32
    %add3A_22 = arith.addi %add3A_11, %add3A_21 : i32
    %jit3A_23 = arith.constant 8192 : i32
    %eq3A_24 = arith.constant 0 : i32
    %eq3A_25 = arith.cmpi eq, %jit3A_23, %eq3A_24 : i32
    %jit3A_26 = arith.constant 1 : i32
    %select_n3A_27 = arith.select %eq3A_25, %jit3A_26, %jit3A_23 : i32
    %rem3A_28 = arith.remsi %add3A_11, %select_n3A_27 : i32
    %ne3A_29 = arith.constant 0 : i32
    %ne3A_30 = arith.cmpi ne, %rem3A_28, %ne3A_29 : i32
    %lt3A_31 = arith.constant 0 : i32
    %lt3A_32 = arith.cmpi slt, %rem3A_28, %lt3A_31 : i32
    %lt3A_33 = arith.constant 0 : i32
    %lt3A_34 = arith.cmpi slt, %select_n3A_27, %lt3A_33 : i32
    %ne3A_35 = arith.xori %lt3A_32, %lt3A_34 : i1
    %and3A_36 = arith.andi %ne3A_35, %ne3A_30 : i1
    %add3A_37 = arith.addi %rem3A_28, %select_n3A_27 : i32
    %select_n3A_38 = arith.select %and3A_36, %add3A_37, %rem3A_28 : i32
    %add3A_39 = arith.constant 256 : i32
    %add3A_40 = arith.addi %select_n3A_38, %add3A_39 : i32
    %jit3A_41 = arith.constant 8192 : i32
    %div3A = arith.divsi %add3A_11, %jit3A_41 : i32
    %sign3A = arith.constant 0 : i32
    %sign3A_42 = arith.cmpi sgt, %add3A_11, %sign3A : i32
    %sign3A_43 = arith.extui %sign3A_42 : i1 to i32
    %sign3A_44 = arith.constant 0 : i32
    %sign3A_45 = arith.cmpi slt, %add3A_11, %sign3A_44 : i32
    %sign3A_46 = arith.extui %sign3A_45 : i1 to i32
    %sign3A_47 = arith.subi %sign3A_43, %sign3A_46 : i32
    %sign3A_48 = arith.constant 0 : i32
    %sign3A_49 = arith.cmpi sgt, %jit3A_41, %sign3A_48 : i32
    %sign3A_50 = arith.extui %sign3A_49 : i1 to i32
    %sign3A_51 = arith.constant 0 : i32
    %sign3A_52 = arith.cmpi slt, %jit3A_41, %sign3A_51 : i32
    %sign3A_53 = arith.extui %sign3A_52 : i1 to i32
    %sign3A_54 = arith.subi %sign3A_50, %sign3A_53 : i32
    %ne3A_55 = arith.cmpi ne, %sign3A_47, %sign3A_54 : i32
    %rem3A_56 = arith.remsi %add3A_11, %jit3A_41 : i32
    %ne3A_57 = arith.constant 0 : i32
    %ne3A_58 = arith.cmpi ne, %rem3A_56, %ne3A_57 : i32
    %and3A_59 = arith.andi %ne3A_55, %ne3A_58 : i1
    %sub3A = arith.constant 1 : i32
    %sub3A_60 = arith.subi %div3A, %sub3A : i32
    %select_n3A_61 = arith.select %and3A_59, %sub3A_60, %div3A : i32
    %run_scoped3A = arith.constant 0 : i32
    "tpu.region"() ({
      %run_scoped3A_222 = tpu.sem_alloc : memref<!tpu.dma_semaphore, #tpu.memory_space<semaphore_mem>>
      %dma_start3A_223 = arith.constant 0 : i32
      %dma_start3A_224 = tpu.memref_slice %arg16[%run_scoped3A, %dma_start3A_223] : memref<2x256xi32, #tpu.memory_space<vmem>> -> memref<1x256xi32, #tpu.memory_space<vmem>>
      %dma_start3A_225 = tpu.memref_squeeze %dma_start3A_224 : memref<1x256xi32, #tpu.memory_space<vmem>> -> memref<256xi32, #tpu.memory_space<vmem>>
      %dma_start3A_226 = tpu.memref_slice %arg2[%add3A_11] : memref<16384xi32, #tpu.memory_space<hbm>> -> memref<256xi32, #tpu.memory_space<hbm>>
      %dma_start3A_227 = arith.constant 0 : i32
      %dma_start3A_228 = tpu.memref_slice %arg16[%run_scoped3A, %dma_start3A_227] : memref<2x256xi32, #tpu.memory_space<vmem>> -> memref<1x256xi32, #tpu.memory_space<vmem>>
      %dma_start3A_229 = tpu.memref_squeeze %dma_start3A_228 : memref<1x256xi32, #tpu.memory_space<vmem>> -> memref<256xi32, #tpu.memory_space<vmem>>
      %dma_start3A_230 = tpu.memref_slice %arg2[%add3A_11] : memref<16384xi32, #tpu.memory_space<hbm>> -> memref<256xi32, #tpu.memory_space<hbm>>
      tpu.enqueue_dma source(%dma_start3A_230 : memref<256xi32, #tpu.memory_space<hbm>>) target(%dma_start3A_229 : memref<256xi32, #tpu.memory_space<vmem>>) target_semaphore(%run_scoped3A_222 : memref<!tpu.dma_semaphore, #tpu.memory_space<semaphore_mem>>)
      %dma_wait3A_231 = arith.constant 0 : i32
      %dma_wait3A_232 = tpu.memref_slice %arg16[%run_scoped3A, %dma_wait3A_231] : memref<2x256xi32, #tpu.memory_space<vmem>> -> memref<1x256xi32, #tpu.memory_space<vmem>>
      %dma_wait3A_233 = tpu.memref_squeeze %dma_wait3A_232 : memref<1x256xi32, #tpu.memory_space<vmem>> -> memref<256xi32, #tpu.memory_space<vmem>>
      %dma_wait3A_234 = tpu.memref_slice %arg2[%add3A_11] : memref<16384xi32, #tpu.memory_space<hbm>> -> memref<256xi32, #tpu.memory_space<hbm>>
      %dma_wait3A_235 = arith.constant 0 : i32
      %dma_wait3A_236 = tpu.memref_slice %arg16[%run_scoped3A, %dma_wait3A_235] : memref<2x256xi32, #tpu.memory_space<vmem>> -> memref<1x256xi32, #tpu.memory_space<vmem>>
      %dma_wait3A_237 = tpu.memref_squeeze %dma_wait3A_236 : memref<1x256xi32, #tpu.memory_space<vmem>> -> memref<256xi32, #tpu.memory_space<vmem>>
      %dma_wait3A_238 = tpu.memref_slice %arg2[%add3A_11] : memref<16384xi32, #tpu.memory_space<hbm>> -> memref<256xi32, #tpu.memory_space<hbm>>
      tpu.wait_dma2 semaphore(%run_scoped3A_222 : memref<!tpu.dma_semaphore, #tpu.memory_space<semaphore_mem>>) src(%dma_wait3A_238 : memref<256xi32, #tpu.memory_space<hbm>>) dst(%dma_wait3A_237 : memref<256xi32, #tpu.memory_space<vmem>>)
      tpu.yield
    }) : () -> ()
    %dma_start3A = arith.constant 0 : i32
    %dma_start3A_62 = arith.constant 0 : i32
    %dma_start3A_63 = arith.constant 0 : i32
    %dma_start3A_64 = arith.constant 0 : i32
    %dma_start3A_65 = tpu.memref_slice %arg17[%dma_start3A_62, %dma_start3A_63, %dma_start3A_64] : memref<2x256x64xf32, #tpu.memory_space<vmem>> -> memref<1x256x64xf32, #tpu.memory_space<vmem>>
    %dma_start3A_66 = tpu.memref_squeeze %dma_start3A_65 : memref<1x256x64xf32, #tpu.memory_space<vmem>> -> memref<256x64xf32, #tpu.memory_space<vmem>>
    %dma_start3A_67 = arith.constant 0 : i32
    %dma_start3A_68 = tpu.memref_slice %arg16[%dma_start3A, %dma_start3A_67] : memref<2x256xi32, #tpu.memory_space<vmem>> -> memref<1x256xi32, #tpu.memory_space<vmem>>
    %dma_start3A_69 = tpu.memref_squeeze %dma_start3A_68 : memref<1x256xi32, #tpu.memory_space<vmem>> -> memref<256xi32, #tpu.memory_space<vmem>>
    %dma_start3A_70 = arith.constant 0 : i32
    %dma_start3A_71 = arith.constant 0 : i32
    %dma_start3A_72 = tpu.memref_slice %arg7[%dma_start3A_70, %dma_start3A_71] : memref<100000x64xf32, #tpu.memory_space<hbm>> -> memref<100000x64xf32, #tpu.memory_space<hbm>>
    tpu.enqueue_indirect_dma source(%dma_start3A_72 : memref<100000x64xf32, #tpu.memory_space<hbm>>) target(%dma_start3A_66 : memref<256x64xf32, #tpu.memory_space<vmem>>) offsets(%dma_start3A_69 : memref<256xi32, #tpu.memory_space<vmem>>) semaphore(%arg20 : memref<!tpu.dma_semaphore, #tpu.memory_space<semaphore_mem>>)
    %dma_start3A_73 = arith.constant 0 : i32
    %dma_start3A_74 = arith.constant 0 : i32
    %dma_start3A_75 = arith.constant 0 : i32
    %dma_start3A_76 = arith.constant 0 : i32
    %dma_start3A_77 = tpu.memref_slice %arg18[%dma_start3A_74, %dma_start3A_75, %dma_start3A_76] : memref<2x256x64xf32, #tpu.memory_space<vmem>> -> memref<1x256x64xf32, #tpu.memory_space<vmem>>
    %dma_start3A_78 = tpu.memref_squeeze %dma_start3A_77 : memref<1x256x64xf32, #tpu.memory_space<vmem>> -> memref<256x64xf32, #tpu.memory_space<vmem>>
    %dma_start3A_79 = arith.constant 0 : i32
    %dma_start3A_80 = tpu.memref_slice %arg16[%dma_start3A_73, %dma_start3A_79] : memref<2x256xi32, #tpu.memory_space<vmem>> -> memref<1x256xi32, #tpu.memory_space<vmem>>
    %dma_start3A_81 = tpu.memref_squeeze %dma_start3A_80 : memref<1x256xi32, #tpu.memory_space<vmem>> -> memref<256xi32, #tpu.memory_space<vmem>>
    %dma_start3A_82 = arith.constant 0 : i32
    %dma_start3A_83 = arith.constant 0 : i32
    %dma_start3A_84 = tpu.memref_slice %arg5[%dma_start3A_82, %dma_start3A_83] : memref<100000x64xf32, #tpu.memory_space<hbm>> -> memref<100000x64xf32, #tpu.memory_space<hbm>>
    tpu.enqueue_indirect_dma source(%dma_start3A_84 : memref<100000x64xf32, #tpu.memory_space<hbm>>) target(%dma_start3A_78 : memref<256x64xf32, #tpu.memory_space<vmem>>) offsets(%dma_start3A_81 : memref<256xi32, #tpu.memory_space<vmem>>) semaphore(%arg21 : memref<!tpu.dma_semaphore, #tpu.memory_space<semaphore_mem>>)
    %dma_start3A_85 = arith.constant 0 : i32
    %dma_start3A_86 = arith.constant 0 : i32
    %dma_start3A_87 = arith.constant 0 : i32
    %dma_start3A_88 = tpu.memref_slice %arg19[%dma_start3A_86, %dma_start3A_87] : memref<2x256xf32, #tpu.memory_space<vmem>> -> memref<1x256xf32, #tpu.memory_space<vmem>>
    %dma_start3A_89 = tpu.memref_squeeze %dma_start3A_88 : memref<1x256xf32, #tpu.memory_space<vmem>> -> memref<256xf32, #tpu.memory_space<vmem>>
    %dma_start3A_90 = arith.constant 0 : i32
    %dma_start3A_91 = tpu.memref_slice %arg16[%dma_start3A_85, %dma_start3A_90] : memref<2x256xi32, #tpu.memory_space<vmem>> -> memref<1x256xi32, #tpu.memory_space<vmem>>
    %dma_start3A_92 = tpu.memref_squeeze %dma_start3A_91 : memref<1x256xi32, #tpu.memory_space<vmem>> -> memref<256xi32, #tpu.memory_space<vmem>>
    %dma_start3A_93 = arith.constant 0 : i32
    %dma_start3A_94 = tpu.memref_slice %arg6[%dma_start3A_93] : memref<100000xf32, #tpu.memory_space<hbm>> -> memref<100000xf32, #tpu.memory_space<hbm>>
    tpu.enqueue_indirect_dma source(%dma_start3A_94 : memref<100000xf32, #tpu.memory_space<hbm>>) target(%dma_start3A_89 : memref<256xf32, #tpu.memory_space<vmem>>) offsets(%dma_start3A_92 : memref<256xi32, #tpu.memory_space<vmem>>) semaphore(%arg22 : memref<!tpu.dma_semaphore, #tpu.memory_space<semaphore_mem>>)
    %run_scoped3A_95 = arith.constant 1 : i32
    "tpu.region"() ({
      %run_scoped3A_222 = tpu.sem_alloc : memref<!tpu.dma_semaphore, #tpu.memory_space<semaphore_mem>>
      %dma_start3A_223 = arith.constant 0 : i32
      %dma_start3A_224 = tpu.memref_slice %arg16[%run_scoped3A_95, %dma_start3A_223] : memref<2x256xi32, #tpu.memory_space<vmem>> -> memref<1x256xi32, #tpu.memory_space<vmem>>
      %dma_start3A_225 = tpu.memref_squeeze %dma_start3A_224 : memref<1x256xi32, #tpu.memory_space<vmem>> -> memref<256xi32, #tpu.memory_space<vmem>>
      %dma_start3A_226 = tpu.memref_slice %arg2[%add3A_22] : memref<16384xi32, #tpu.memory_space<hbm>> -> memref<256xi32, #tpu.memory_space<hbm>>
      %dma_start3A_227 = arith.constant 0 : i32
      %dma_start3A_228 = tpu.memref_slice %arg16[%run_scoped3A_95, %dma_start3A_227] : memref<2x256xi32, #tpu.memory_space<vmem>> -> memref<1x256xi32, #tpu.memory_space<vmem>>
      %dma_start3A_229 = tpu.memref_squeeze %dma_start3A_228 : memref<1x256xi32, #tpu.memory_space<vmem>> -> memref<256xi32, #tpu.memory_space<vmem>>
      %dma_start3A_230 = tpu.memref_slice %arg2[%add3A_22] : memref<16384xi32, #tpu.memory_space<hbm>> -> memref<256xi32, #tpu.memory_space<hbm>>
      tpu.enqueue_dma source(%dma_start3A_230 : memref<256xi32, #tpu.memory_space<hbm>>) target(%dma_start3A_229 : memref<256xi32, #tpu.memory_space<vmem>>) target_semaphore(%run_scoped3A_222 : memref<!tpu.dma_semaphore, #tpu.memory_space<semaphore_mem>>)
      %dma_wait3A_231 = arith.constant 0 : i32
      %dma_wait3A_232 = tpu.memref_slice %arg16[%run_scoped3A_95, %dma_wait3A_231] : memref<2x256xi32, #tpu.memory_space<vmem>> -> memref<1x256xi32, #tpu.memory_space<vmem>>
      %dma_wait3A_233 = tpu.memref_squeeze %dma_wait3A_232 : memref<1x256xi32, #tpu.memory_space<vmem>> -> memref<256xi32, #tpu.memory_space<vmem>>
      %dma_wait3A_234 = tpu.memref_slice %arg2[%add3A_22] : memref<16384xi32, #tpu.memory_space<hbm>> -> memref<256xi32, #tpu.memory_space<hbm>>
      %dma_wait3A_235 = arith.constant 0 : i32
      %dma_wait3A_236 = tpu.memref_slice %arg16[%run_scoped3A_95, %dma_wait3A_235] : memref<2x256xi32, #tpu.memory_space<vmem>> -> memref<1x256xi32, #tpu.memory_space<vmem>>
      %dma_wait3A_237 = tpu.memref_squeeze %dma_wait3A_236 : memref<1x256xi32, #tpu.memory_space<vmem>> -> memref<256xi32, #tpu.memory_space<vmem>>
      %dma_wait3A_238 = tpu.memref_slice %arg2[%add3A_22] : memref<16384xi32, #tpu.memory_space<hbm>> -> memref<256xi32, #tpu.memory_space<hbm>>
      tpu.wait_dma2 semaphore(%run_scoped3A_222 : memref<!tpu.dma_semaphore, #tpu.memory_space<semaphore_mem>>) src(%dma_wait3A_238 : memref<256xi32, #tpu.memory_space<hbm>>) dst(%dma_wait3A_237 : memref<256xi32, #tpu.memory_space<vmem>>)
      tpu.yield
    }) : () -> ()
    %dma_start3A_96 = arith.constant 1 : i32
    %dma_start3A_97 = arith.constant 1 : i32
    %dma_start3A_98 = arith.constant 0 : i32
    %dma_start3A_99 = arith.constant 0 : i32
    %dma_start3A_100 = tpu.memref_slice %arg17[%dma_start3A_97, %dma_start3A_98, %dma_start3A_99] : memref<2x256x64xf32, #tpu.memory_space<vmem>> -> memref<1x256x64xf32, #tpu.memory_space<vmem>>
    %dma_start3A_101 = tpu.memref_squeeze %dma_start3A_100 : memref<1x256x64xf32, #tpu.memory_space<vmem>> -> memref<256x64xf32, #tpu.memory_space<vmem>>
    %dma_start3A_102 = arith.constant 0 : i32
    %dma_start3A_103 = tpu.memref_slice %arg16[%dma_start3A_96, %dma_start3A_102] : memref<2x256xi32, #tpu.memory_space<vmem>> -> memref<1x256xi32, #tpu.memory_space<vmem>>
    %dma_start3A_104 = tpu.memref_squeeze %dma_start3A_103 : memref<1x256xi32, #tpu.memory_space<vmem>> -> memref<256xi32, #tpu.memory_space<vmem>>
    %dma_start3A_105 = arith.constant 0 : i32
    %dma_start3A_106 = arith.constant 0 : i32
    %dma_start3A_107 = tpu.memref_slice %arg7[%dma_start3A_105, %dma_start3A_106] : memref<100000x64xf32, #tpu.memory_space<hbm>> -> memref<100000x64xf32, #tpu.memory_space<hbm>>
    tpu.enqueue_indirect_dma source(%dma_start3A_107 : memref<100000x64xf32, #tpu.memory_space<hbm>>) target(%dma_start3A_101 : memref<256x64xf32, #tpu.memory_space<vmem>>) offsets(%dma_start3A_104 : memref<256xi32, #tpu.memory_space<vmem>>) semaphore(%arg23 : memref<!tpu.dma_semaphore, #tpu.memory_space<semaphore_mem>>)
    %dma_start3A_108 = arith.constant 1 : i32
    %dma_start3A_109 = arith.constant 1 : i32
    %dma_start3A_110 = arith.constant 0 : i32
    %dma_start3A_111 = arith.constant 0 : i32
    %dma_start3A_112 = tpu.memref_slice %arg18[%dma_start3A_109, %dma_start3A_110, %dma_start3A_111] : memref<2x256x64xf32, #tpu.memory_space<vmem>> -> memref<1x256x64xf32, #tpu.memory_space<vmem>>
    %dma_start3A_113 = tpu.memref_squeeze %dma_start3A_112 : memref<1x256x64xf32, #tpu.memory_space<vmem>> -> memref<256x64xf32, #tpu.memory_space<vmem>>
    %dma_start3A_114 = arith.constant 0 : i32
    %dma_start3A_115 = tpu.memref_slice %arg16[%dma_start3A_108, %dma_start3A_114] : memref<2x256xi32, #tpu.memory_space<vmem>> -> memref<1x256xi32, #tpu.memory_space<vmem>>
    %dma_start3A_116 = tpu.memref_squeeze %dma_start3A_115 : memref<1x256xi32, #tpu.memory_space<vmem>> -> memref<256xi32, #tpu.memory_space<vmem>>
    %dma_start3A_117 = arith.constant 0 : i32
    %dma_start3A_118 = arith.constant 0 : i32
    %dma_start3A_119 = tpu.memref_slice %arg5[%dma_start3A_117, %dma_start3A_118] : memref<100000x64xf32, #tpu.memory_space<hbm>> -> memref<100000x64xf32, #tpu.memory_space<hbm>>
    tpu.enqueue_indirect_dma source(%dma_start3A_119 : memref<100000x64xf32, #tpu.memory_space<hbm>>) target(%dma_start3A_113 : memref<256x64xf32, #tpu.memory_space<vmem>>) offsets(%dma_start3A_116 : memref<256xi32, #tpu.memory_space<vmem>>) semaphore(%arg24 : memref<!tpu.dma_semaphore, #tpu.memory_space<semaphore_mem>>)
    %dma_start3A_120 = arith.constant 1 : i32
    %dma_start3A_121 = arith.constant 1 : i32
    %dma_start3A_122 = arith.constant 0 : i32
    %dma_start3A_123 = tpu.memref_slice %arg19[%dma_start3A_121, %dma_start3A_122] : memref<2x256xf32, #tpu.memory_space<vmem>> -> memref<1x256xf32, #tpu.memory_space<vmem>>
    %dma_start3A_124 = tpu.memref_squeeze %dma_start3A_123 : memref<1x256xf32, #tpu.memory_space<vmem>> -> memref<256xf32, #tpu.memory_space<vmem>>
    %dma_start3A_125 = arith.constant 0 : i32
    %dma_start3A_126 = tpu.memref_slice %arg16[%dma_start3A_120, %dma_start3A_125] : memref<2x256xi32, #tpu.memory_space<vmem>> -> memref<1x256xi32, #tpu.memory_space<vmem>>
    %dma_start3A_127 = tpu.memref_squeeze %dma_start3A_126 : memref<1x256xi32, #tpu.memory_space<vmem>> -> memref<256xi32, #tpu.memory_space<vmem>>
    %dma_start3A_128 = arith.constant 0 : i32
    %dma_start3A_129 = tpu.memref_slice %arg6[%dma_start3A_128] : memref<100000xf32, #tpu.memory_space<hbm>> -> memref<100000xf32, #tpu.memory_space<hbm>>
    tpu.enqueue_indirect_dma source(%dma_start3A_129 : memref<100000xf32, #tpu.memory_space<hbm>>) target(%dma_start3A_124 : memref<256xf32, #tpu.memory_space<vmem>>) offsets(%dma_start3A_127 : memref<256xi32, #tpu.memory_space<vmem>>) semaphore(%arg25 : memref<!tpu.dma_semaphore, #tpu.memory_space<semaphore_mem>>)
    %dma_wait3A = arith.constant 0 : i32
    %dma_wait3A_130 = arith.constant 0 : i32
    %dma_wait3A_131 = arith.constant 0 : i32
    %dma_wait3A_132 = arith.constant 0 : i32
    %dma_wait3A_133 = tpu.memref_slice %arg17[%dma_wait3A_130, %dma_wait3A_131, %dma_wait3A_132] : memref<2x256x64xf32, #tpu.memory_space<vmem>> -> memref<1x256x64xf32, #tpu.memory_space<vmem>>
    %dma_wait3A_134 = tpu.memref_squeeze %dma_wait3A_133 : memref<1x256x64xf32, #tpu.memory_space<vmem>> -> memref<256x64xf32, #tpu.memory_space<vmem>>
    %dma_wait3A_135 = arith.constant 0 : i32
    %dma_wait3A_136 = tpu.memref_slice %arg16[%dma_wait3A, %dma_wait3A_135] : memref<2x256xi32, #tpu.memory_space<vmem>> -> memref<1x256xi32, #tpu.memory_space<vmem>>
    %dma_wait3A_137 = tpu.memref_squeeze %dma_wait3A_136 : memref<1x256xi32, #tpu.memory_space<vmem>> -> memref<256xi32, #tpu.memory_space<vmem>>
    %dma_wait3A_138 = arith.constant 0 : i32
    %dma_wait3A_139 = arith.constant 0 : i32
    %dma_wait3A_140 = tpu.memref_slice %arg7[%dma_wait3A_138, %dma_wait3A_139] : memref<100000x64xf32, #tpu.memory_space<hbm>> -> memref<100000x64xf32, #tpu.memory_space<hbm>>
    tpu.wait_indirect_dma semaphore(%arg20 : memref<!tpu.dma_semaphore, #tpu.memory_space<semaphore_mem>>) src(%dma_wait3A_140 : memref<100000x64xf32, #tpu.memory_space<hbm>>) dst(%dma_wait3A_134 : memref<256x64xf32, #tpu.memory_space<vmem>>)
    %mul3A_141 = arith.constant 64 : i32
    %mul3A_142 = arith.muli %select_n3A_61, %mul3A_141 : i32
    %run_scoped3A_143 = arith.constant 0 : i32
    "tpu.region"() ({
      %run_scoped3A_222 = tpu.sem_alloc : memref<!tpu.dma_semaphore, #tpu.memory_space<semaphore_mem>>
      %dma_start3A_223 = arith.constant 0 : i32
      %dma_start3A_224 = arith.constant 0 : i32
      %dma_start3A_225 = tpu.memref_slice %arg17[%run_scoped3A_143, %dma_start3A_223, %dma_start3A_224] : memref<2x256x64xf32, #tpu.memory_space<vmem>> -> memref<1x256x64xf32, #tpu.memory_space<vmem>>
      %dma_start3A_226 = tpu.memref_squeeze %dma_start3A_225 : memref<1x256x64xf32, #tpu.memory_space<vmem>> -> memref<256x64xf32, #tpu.memory_space<vmem>>
      %dma_start3A_227 = tpu.memref_slice %arg8[%select_n3A_20, %mul3A_142] : memref<8192x128xf32, #tpu.memory_space<hbm>> -> memref<256x64xf32, #tpu.memory_space<hbm>>
      %dma_start3A_228 = tpu.memref_slice %arg8[%select_n3A_20, %mul3A_142] : memref<8192x128xf32, #tpu.memory_space<hbm>> -> memref<256x64xf32, #tpu.memory_space<hbm>>
      %dma_start3A_229 = arith.constant 0 : i32
      %dma_start3A_230 = arith.constant 0 : i32
      %dma_start3A_231 = tpu.memref_slice %arg17[%run_scoped3A_143, %dma_start3A_229, %dma_start3A_230] : memref<2x256x64xf32, #tpu.memory_space<vmem>> -> memref<1x256x64xf32, #tpu.memory_space<vmem>>
      %dma_start3A_232 = tpu.memref_squeeze %dma_start3A_231 : memref<1x256x64xf32, #tpu.memory_space<vmem>> -> memref<256x64xf32, #tpu.memory_space<vmem>>
      tpu.enqueue_dma source(%dma_start3A_232 : memref<256x64xf32, #tpu.memory_space<vmem>>) target(%dma_start3A_228 : memref<256x64xf32, #tpu.memory_space<hbm>>) target_semaphore(%run_scoped3A_222 : memref<!tpu.dma_semaphore, #tpu.memory_space<semaphore_mem>>)
      %dma_wait3A_233 = arith.constant 0 : i32
      %dma_wait3A_234 = arith.constant 0 : i32
      %dma_wait3A_235 = tpu.memref_slice %arg17[%run_scoped3A_143, %dma_wait3A_233, %dma_wait3A_234] : memref<2x256x64xf32, #tpu.memory_space<vmem>> -> memref<1x256x64xf32, #tpu.memory_space<vmem>>
      %dma_wait3A_236 = tpu.memref_squeeze %dma_wait3A_235 : memref<1x256x64xf32, #tpu.memory_space<vmem>> -> memref<256x64xf32, #tpu.memory_space<vmem>>
      %dma_wait3A_237 = tpu.memref_slice %arg8[%select_n3A_20, %mul3A_142] : memref<8192x128xf32, #tpu.memory_space<hbm>> -> memref<256x64xf32, #tpu.memory_space<hbm>>
      %dma_wait3A_238 = tpu.memref_slice %arg8[%select_n3A_20, %mul3A_142] : memref<8192x128xf32, #tpu.memory_space<hbm>> -> memref<256x64xf32, #tpu.memory_space<hbm>>
      %dma_wait3A_239 = arith.constant 0 : i32
      %dma_wait3A_240 = arith.constant 0 : i32
      %dma_wait3A_241 = tpu.memref_slice %arg17[%run_scoped3A_143, %dma_wait3A_239, %dma_wait3A_240] : memref<2x256x64xf32, #tpu.memory_space<vmem>> -> memref<1x256x64xf32, #tpu.memory_space<vmem>>
      %dma_wait3A_242 = tpu.memref_squeeze %dma_wait3A_241 : memref<1x256x64xf32, #tpu.memory_space<vmem>> -> memref<256x64xf32, #tpu.memory_space<vmem>>
      tpu.wait_dma2 semaphore(%run_scoped3A_222 : memref<!tpu.dma_semaphore, #tpu.memory_space<semaphore_mem>>) src(%dma_wait3A_242 : memref<256x64xf32, #tpu.memory_space<vmem>>) dst(%dma_wait3A_238 : memref<256x64xf32, #tpu.memory_space<hbm>>)
      tpu.yield
    }) : () -> ()
    %dma_wait3A_144 = arith.constant 0 : i32
    %dma_wait3A_145 = arith.constant 0 : i32
    %dma_wait3A_146 = arith.constant 0 : i32
    %dma_wait3A_147 = arith.constant 0 : i32
    %dma_wait3A_148 = tpu.memref_slice %arg18[%dma_wait3A_145, %dma_wait3A_146, %dma_wait3A_147] : memref<2x256x64xf32, #tpu.memory_space<vmem>> -> memref<1x256x64xf32, #tpu.memory_space<vmem>>
    %dma_wait3A_149 = tpu.memref_squeeze %dma_wait3A_148 : memref<1x256x64xf32, #tpu.memory_space<vmem>> -> memref<256x64xf32, #tpu.memory_space<vmem>>
    %dma_wait3A_150 = arith.constant 0 : i32
    %dma_wait3A_151 = tpu.memref_slice %arg16[%dma_wait3A_144, %dma_wait3A_150] : memref<2x256xi32, #tpu.memory_space<vmem>> -> memref<1x256xi32, #tpu.memory_space<vmem>>
    %dma_wait3A_152 = tpu.memref_squeeze %dma_wait3A_151 : memref<1x256xi32, #tpu.memory_space<vmem>> -> memref<256xi32, #tpu.memory_space<vmem>>
    %dma_wait3A_153 = arith.constant 0 : i32
    %dma_wait3A_154 = arith.constant 0 : i32
    %dma_wait3A_155 = tpu.memref_slice %arg5[%dma_wait3A_153, %dma_wait3A_154] : memref<100000x64xf32, #tpu.memory_space<hbm>> -> memref<100000x64xf32, #tpu.memory_space<hbm>>
    tpu.wait_indirect_dma semaphore(%arg21 : memref<!tpu.dma_semaphore, #tpu.memory_space<semaphore_mem>>) src(%dma_wait3A_155 : memref<100000x64xf32, #tpu.memory_space<hbm>>) dst(%dma_wait3A_149 : memref<256x64xf32, #tpu.memory_space<vmem>>)
    %mul3A_156 = arith.constant 64 : i32
    %mul3A_157 = arith.muli %select_n3A_61, %mul3A_156 : i32
    %run_scoped3A_158 = arith.constant 0 : i32
    "tpu.region"() ({
      %run_scoped3A_222 = tpu.sem_alloc : memref<!tpu.dma_semaphore, #tpu.memory_space<semaphore_mem>>
      %dma_start3A_223 = arith.constant 0 : i32
      %dma_start3A_224 = arith.constant 0 : i32
      %dma_start3A_225 = tpu.memref_slice %arg18[%run_scoped3A_158, %dma_start3A_223, %dma_start3A_224] : memref<2x256x64xf32, #tpu.memory_space<vmem>> -> memref<1x256x64xf32, #tpu.memory_space<vmem>>
      %dma_start3A_226 = tpu.memref_squeeze %dma_start3A_225 : memref<1x256x64xf32, #tpu.memory_space<vmem>> -> memref<256x64xf32, #tpu.memory_space<vmem>>
      %dma_start3A_227 = tpu.memref_slice %arg9[%select_n3A_20, %mul3A_157] : memref<8192x128xf32, #tpu.memory_space<hbm>> -> memref<256x64xf32, #tpu.memory_space<hbm>>
      %dma_start3A_228 = tpu.memref_slice %arg9[%select_n3A_20, %mul3A_157] : memref<8192x128xf32, #tpu.memory_space<hbm>> -> memref<256x64xf32, #tpu.memory_space<hbm>>
      %dma_start3A_229 = arith.constant 0 : i32
      %dma_start3A_230 = arith.constant 0 : i32
      %dma_start3A_231 = tpu.memref_slice %arg18[%run_scoped3A_158, %dma_start3A_229, %dma_start3A_230] : memref<2x256x64xf32, #tpu.memory_space<vmem>> -> memref<1x256x64xf32, #tpu.memory_space<vmem>>
      %dma_start3A_232 = tpu.memref_squeeze %dma_start3A_231 : memref<1x256x64xf32, #tpu.memory_space<vmem>> -> memref<256x64xf32, #tpu.memory_space<vmem>>
      tpu.enqueue_dma source(%dma_start3A_232 : memref<256x64xf32, #tpu.memory_space<vmem>>) target(%dma_start3A_228 : memref<256x64xf32, #tpu.memory_space<hbm>>) target_semaphore(%run_scoped3A_222 : memref<!tpu.dma_semaphore, #tpu.memory_space<semaphore_mem>>)
      %dma_wait3A_233 = arith.constant 0 : i32
      %dma_wait3A_234 = arith.constant 0 : i32
      %dma_wait3A_235 = tpu.memref_slice %arg18[%run_scoped3A_158, %dma_wait3A_233, %dma_wait3A_234] : memref<2x256x64xf32, #tpu.memory_space<vmem>> -> memref<1x256x64xf32, #tpu.memory_space<vmem>>
      %dma_wait3A_236 = tpu.memref_squeeze %dma_wait3A_235 : memref<1x256x64xf32, #tpu.memory_space<vmem>> -> memref<256x64xf32, #tpu.memory_space<vmem>>
      %dma_wait3A_237 = tpu.memref_slice %arg9[%select_n3A_20, %mul3A_157] : memref<8192x128xf32, #tpu.memory_space<hbm>> -> memref<256x64xf32, #tpu.memory_space<hbm>>
      %dma_wait3A_238 = tpu.memref_slice %arg9[%select_n3A_20, %mul3A_157] : memref<8192x128xf32, #tpu.memory_space<hbm>> -> memref<256x64xf32, #tpu.memory_space<hbm>>
      %dma_wait3A_239 = arith.constant 0 : i32
      %dma_wait3A_240 = arith.constant 0 : i32
      %dma_wait3A_241 = tpu.memref_slice %arg18[%run_scoped3A_158, %dma_wait3A_239, %dma_wait3A_240] : memref<2x256x64xf32, #tpu.memory_space<vmem>> -> memref<1x256x64xf32, #tpu.memory_space<vmem>>
      %dma_wait3A_242 = tpu.memref_squeeze %dma_wait3A_241 : memref<1x256x64xf32, #tpu.memory_space<vmem>> -> memref<256x64xf32, #tpu.memory_space<vmem>>
      tpu.wait_dma2 semaphore(%run_scoped3A_222 : memref<!tpu.dma_semaphore, #tpu.memory_space<semaphore_mem>>) src(%dma_wait3A_242 : memref<256x64xf32, #tpu.memory_space<vmem>>) dst(%dma_wait3A_238 : memref<256x64xf32, #tpu.memory_space<hbm>>)
      tpu.yield
    }) : () -> ()
    %dma_wait3A_159 = arith.constant 0 : i32
    %dma_wait3A_160 = arith.constant 0 : i32
    %dma_wait3A_161 = arith.constant 0 : i32
    %dma_wait3A_162 = tpu.memref_slice %arg19[%dma_wait3A_160, %dma_wait3A_161] : memref<2x256xf32, #tpu.memory_space<vmem>> -> memref<1x256xf32, #tpu.memory_space<vmem>>
    %dma_wait3A_163 = tpu.memref_squeeze %dma_wait3A_162 : memref<1x256xf32, #tpu.memory_space<vmem>> -> memref<256xf32, #tpu.memory_space<vmem>>
    %dma_wait3A_164 = arith.constant 0 : i32
    %dma_wait3A_165 = tpu.memref_slice %arg16[%dma_wait3A_159, %dma_wait3A_164] : memref<2x256xi32, #tpu.memory_space<vmem>> -> memref<1x256xi32, #tpu.memory_space<vmem>>
    %dma_wait3A_166 = tpu.memref_squeeze %dma_wait3A_165 : memref<1x256xi32, #tpu.memory_space<vmem>> -> memref<256xi32, #tpu.memory_space<vmem>>
    %dma_wait3A_167 = arith.constant 0 : i32
    %dma_wait3A_168 = tpu.memref_slice %arg6[%dma_wait3A_167] : memref<100000xf32, #tpu.memory_space<hbm>> -> memref<100000xf32, #tpu.memory_space<hbm>>
    tpu.wait_indirect_dma semaphore(%arg22 : memref<!tpu.dma_semaphore, #tpu.memory_space<semaphore_mem>>) src(%dma_wait3A_168 : memref<100000xf32, #tpu.memory_space<hbm>>) dst(%dma_wait3A_163 : memref<256xf32, #tpu.memory_space<vmem>>)
    %run_scoped3A_169 = arith.constant 0 : i32
    "tpu.region"() ({
      %run_scoped3A_222 = tpu.sem_alloc : memref<!tpu.dma_semaphore, #tpu.memory_space<semaphore_mem>>
      %dma_start3A_223 = arith.constant 0 : i32
      %dma_start3A_224 = tpu.memref_slice %arg19[%run_scoped3A_169, %dma_start3A_223] : memref<2x256xf32, #tpu.memory_space<vmem>> -> memref<1x256xf32, #tpu.memory_space<vmem>>
      %dma_start3A_225 = tpu.memref_squeeze %dma_start3A_224 : memref<1x256xf32, #tpu.memory_space<vmem>> -> memref<256xf32, #tpu.memory_space<vmem>>
      %dma_start3A_226 = tpu.memref_slice %arg10[%add3A_11] : memref<16384xf32, #tpu.memory_space<hbm>> -> memref<256xf32, #tpu.memory_space<hbm>>
      %dma_start3A_227 = tpu.memref_slice %arg10[%add3A_11] : memref<16384xf32, #tpu.memory_space<hbm>> -> memref<256xf32, #tpu.memory_space<hbm>>
      %dma_start3A_228 = arith.constant 0 : i32
      %dma_start3A_229 = tpu.memref_slice %arg19[%run_scoped3A_169, %dma_start3A_228] : memref<2x256xf32, #tpu.memory_space<vmem>> -> memref<1x256xf32, #tpu.memory_space<vmem>>
      %dma_start3A_230 = tpu.memref_squeeze %dma_start3A_229 : memref<1x256xf32, #tpu.memory_space<vmem>> -> memref<256xf32, #tpu.memory_space<vmem>>
      tpu.enqueue_dma source(%dma_start3A_230 : memref<256xf32, #tpu.memory_space<vmem>>) target(%dma_start3A_227 : memref<256xf32, #tpu.memory_space<hbm>>) target_semaphore(%run_scoped3A_222 : memref<!tpu.dma_semaphore, #tpu.memory_space<semaphore_mem>>)
      %dma_wait3A_231 = arith.constant 0 : i32
      %dma_wait3A_232 = tpu.memref_slice %arg19[%run_scoped3A_169, %dma_wait3A_231] : memref<2x256xf32, #tpu.memory_space<vmem>> -> memref<1x256xf32, #tpu.memory_space<vmem>>
      %dma_wait3A_233 = tpu.memref_squeeze %dma_wait3A_232 : memref<1x256xf32, #tpu.memory_space<vmem>> -> memref<256xf32, #tpu.memory_space<vmem>>
      %dma_wait3A_234 = tpu.memref_slice %arg10[%add3A_11] : memref<16384xf32, #tpu.memory_space<hbm>> -> memref<256xf32, #tpu.memory_space<hbm>>
      %dma_wait3A_235 = tpu.memref_slice %arg10[%add3A_11] : memref<16384xf32, #tpu.memory_space<hbm>> -> memref<256xf32, #tpu.memory_space<hbm>>
      %dma_wait3A_236 = arith.constant 0 : i32
      %dma_wait3A_237 = tpu.memref_slice %arg19[%run_scoped3A_169, %dma_wait3A_236] : memref<2x256xf32, #tpu.memory_space<vmem>> -> memref<1x256xf32, #tpu.memory_space<vmem>>
      %dma_wait3A_238 = tpu.memref_squeeze %dma_wait3A_237 : memref<1x256xf32, #tpu.memory_space<vmem>> -> memref<256xf32, #tpu.memory_space<vmem>>
      tpu.wait_dma2 semaphore(%run_scoped3A_222 : memref<!tpu.dma_semaphore, #tpu.memory_space<semaphore_mem>>) src(%dma_wait3A_238 : memref<256xf32, #tpu.memory_space<vmem>>) dst(%dma_wait3A_235 : memref<256xf32, #tpu.memory_space<hbm>>)
      tpu.yield
    }) : () -> ()
    %dma_wait3A_170 = arith.constant 1 : i32
    %dma_wait3A_171 = arith.constant 1 : i32
    %dma_wait3A_172 = arith.constant 0 : i32
    %dma_wait3A_173 = arith.constant 0 : i32
    %dma_wait3A_174 = tpu.memref_slice %arg17[%dma_wait3A_171, %dma_wait3A_172, %dma_wait3A_173] : memref<2x256x64xf32, #tpu.memory_space<vmem>> -> memref<1x256x64xf32, #tpu.memory_space<vmem>>
    %dma_wait3A_175 = tpu.memref_squeeze %dma_wait3A_174 : memref<1x256x64xf32, #tpu.memory_space<vmem>> -> memref<256x64xf32, #tpu.memory_space<vmem>>
    %dma_wait3A_176 = arith.constant 0 : i32
    %dma_wait3A_177 = tpu.memref_slice %arg16[%dma_wait3A_170, %dma_wait3A_176] : memref<2x256xi32, #tpu.memory_space<vmem>> -> memref<1x256xi32, #tpu.memory_space<vmem>>
    %dma_wait3A_178 = tpu.memref_squeeze %dma_wait3A_177 : memref<1x256xi32, #tpu.memory_space<vmem>> -> memref<256xi32, #tpu.memory_space<vmem>>
    %dma_wait3A_179 = arith.constant 0 : i32
    %dma_wait3A_180 = arith.constant 0 : i32
    %dma_wait3A_181 = tpu.memref_slice %arg7[%dma_wait3A_179, %dma_wait3A_180] : memref<100000x64xf32, #tpu.memory_space<hbm>> -> memref<100000x64xf32, #tpu.memory_space<hbm>>
    tpu.wait_indirect_dma semaphore(%arg23 : memref<!tpu.dma_semaphore, #tpu.memory_space<semaphore_mem>>) src(%dma_wait3A_181 : memref<100000x64xf32, #tpu.memory_space<hbm>>) dst(%dma_wait3A_175 : memref<256x64xf32, #tpu.memory_space<vmem>>)
    %mul3A_182 = arith.constant 64 : i32
    %mul3A_183 = arith.muli %select_n3A_61, %mul3A_182 : i32
    %run_scoped3A_184 = arith.constant 1 : i32
    "tpu.region"() ({
      %run_scoped3A_222 = tpu.sem_alloc : memref<!tpu.dma_semaphore, #tpu.memory_space<semaphore_mem>>
      %dma_start3A_223 = arith.constant 0 : i32
      %dma_start3A_224 = arith.constant 0 : i32
      %dma_start3A_225 = tpu.memref_slice %arg17[%run_scoped3A_184, %dma_start3A_223, %dma_start3A_224] : memref<2x256x64xf32, #tpu.memory_space<vmem>> -> memref<1x256x64xf32, #tpu.memory_space<vmem>>
      %dma_start3A_226 = tpu.memref_squeeze %dma_start3A_225 : memref<1x256x64xf32, #tpu.memory_space<vmem>> -> memref<256x64xf32, #tpu.memory_space<vmem>>
      %dma_start3A_227 = tpu.memref_slice %arg8[%add3A_40, %mul3A_183] : memref<8192x128xf32, #tpu.memory_space<hbm>> -> memref<256x64xf32, #tpu.memory_space<hbm>>
      %dma_start3A_228 = tpu.memref_slice %arg8[%add3A_40, %mul3A_183] : memref<8192x128xf32, #tpu.memory_space<hbm>> -> memref<256x64xf32, #tpu.memory_space<hbm>>
      %dma_start3A_229 = arith.constant 0 : i32
      %dma_start3A_230 = arith.constant 0 : i32
      %dma_start3A_231 = tpu.memref_slice %arg17[%run_scoped3A_184, %dma_start3A_229, %dma_start3A_230] : memref<2x256x64xf32, #tpu.memory_space<vmem>> -> memref<1x256x64xf32, #tpu.memory_space<vmem>>
      %dma_start3A_232 = tpu.memref_squeeze %dma_start3A_231 : memref<1x256x64xf32, #tpu.memory_space<vmem>> -> memref<256x64xf32, #tpu.memory_space<vmem>>
      tpu.enqueue_dma source(%dma_start3A_232 : memref<256x64xf32, #tpu.memory_space<vmem>>) target(%dma_start3A_228 : memref<256x64xf32, #tpu.memory_space<hbm>>) target_semaphore(%run_scoped3A_222 : memref<!tpu.dma_semaphore, #tpu.memory_space<semaphore_mem>>)
      %dma_wait3A_233 = arith.constant 0 : i32
      %dma_wait3A_234 = arith.constant 0 : i32
      %dma_wait3A_235 = tpu.memref_slice %arg17[%run_scoped3A_184, %dma_wait3A_233, %dma_wait3A_234] : memref<2x256x64xf32, #tpu.memory_space<vmem>> -> memref<1x256x64xf32, #tpu.memory_space<vmem>>
      %dma_wait3A_236 = tpu.memref_squeeze %dma_wait3A_235 : memref<1x256x64xf32, #tpu.memory_space<vmem>> -> memref<256x64xf32, #tpu.memory_space<vmem>>
      %dma_wait3A_237 = tpu.memref_slice %arg8[%add3A_40, %mul3A_183] : memref<8192x128xf32, #tpu.memory_space<hbm>> -> memref<256x64xf32, #tpu.memory_space<hbm>>
      %dma_wait3A_238 = tpu.memref_slice %arg8[%add3A_40, %mul3A_183] : memref<8192x128xf32, #tpu.memory_space<hbm>> -> memref<256x64xf32, #tpu.memory_space<hbm>>
      %dma_wait3A_239 = arith.constant 0 : i32
      %dma_wait3A_240 = arith.constant 0 : i32
      %dma_wait3A_241 = tpu.memref_slice %arg17[%run_scoped3A_184, %dma_wait3A_239, %dma_wait3A_240] : memref<2x256x64xf32, #tpu.memory_space<vmem>> -> memref<1x256x64xf32, #tpu.memory_space<vmem>>
      %dma_wait3A_242 = tpu.memref_squeeze %dma_wait3A_241 : memref<1x256x64xf32, #tpu.memory_space<vmem>> -> memref<256x64xf32, #tpu.memory_space<vmem>>
      tpu.wait_dma2 semaphore(%run_scoped3A_222 : memref<!tpu.dma_semaphore, #tpu.memory_space<semaphore_mem>>) src(%dma_wait3A_242 : memref<256x64xf32, #tpu.memory_space<vmem>>) dst(%dma_wait3A_238 : memref<256x64xf32, #tpu.memory_space<hbm>>)
      tpu.yield
    }) : () -> ()
    %dma_wait3A_185 = arith.constant 1 : i32
    %dma_wait3A_186 = arith.constant 1 : i32
    %dma_wait3A_187 = arith.constant 0 : i32
    %dma_wait3A_188 = arith.constant 0 : i32
    %dma_wait3A_189 = tpu.memref_slice %arg18[%dma_wait3A_186, %dma_wait3A_187, %dma_wait3A_188] : memref<2x256x64xf32, #tpu.memory_space<vmem>> -> memref<1x256x64xf32, #tpu.memory_space<vmem>>
    %dma_wait3A_190 = tpu.memref_squeeze %dma_wait3A_189 : memref<1x256x64xf32, #tpu.memory_space<vmem>> -> memref<256x64xf32, #tpu.memory_space<vmem>>
    %dma_wait3A_191 = arith.constant 0 : i32
    %dma_wait3A_192 = tpu.memref_slice %arg16[%dma_wait3A_185, %dma_wait3A_191] : memref<2x256xi32, #tpu.memory_space<vmem>> -> memref<1x256xi32, #tpu.memory_space<vmem>>
    %dma_wait3A_193 = tpu.memref_squeeze %dma_wait3A_192 : memref<1x256xi32, #tpu.memory_space<vmem>> -> memref<256xi32, #tpu.memory_space<vmem>>
    %dma_wait3A_194 = arith.constant 0 : i32
    %dma_wait3A_195 = arith.constant 0 : i32
    %dma_wait3A_196 = tpu.memref_slice %arg5[%dma_wait3A_194, %dma_wait3A_195] : memref<100000x64xf32, #tpu.memory_space<hbm>> -> memref<100000x64xf32, #tpu.memory_space<hbm>>
    tpu.wait_indirect_dma semaphore(%arg24 : memref<!tpu.dma_semaphore, #tpu.memory_space<semaphore_mem>>) src(%dma_wait3A_196 : memref<100000x64xf32, #tpu.memory_space<hbm>>) dst(%dma_wait3A_190 : memref<256x64xf32, #tpu.memory_space<vmem>>)
    %mul3A_197 = arith.constant 64 : i32
    %mul3A_198 = arith.muli %select_n3A_61, %mul3A_197 : i32
    %run_scoped3A_199 = arith.constant 1 : i32
    "tpu.region"() ({
      %run_scoped3A_222 = tpu.sem_alloc : memref<!tpu.dma_semaphore, #tpu.memory_space<semaphore_mem>>
      %dma_start3A_223 = arith.constant 0 : i32
      %dma_start3A_224 = arith.constant 0 : i32
      %dma_start3A_225 = tpu.memref_slice %arg18[%run_scoped3A_199, %dma_start3A_223, %dma_start3A_224] : memref<2x256x64xf32, #tpu.memory_space<vmem>> -> memref<1x256x64xf32, #tpu.memory_space<vmem>>
      %dma_start3A_226 = tpu.memref_squeeze %dma_start3A_225 : memref<1x256x64xf32, #tpu.memory_space<vmem>> -> memref<256x64xf32, #tpu.memory_space<vmem>>
      %dma_start3A_227 = tpu.memref_slice %arg9[%add3A_40, %mul3A_198] : memref<8192x128xf32, #tpu.memory_space<hbm>> -> memref<256x64xf32, #tpu.memory_space<hbm>>
      %dma_start3A_228 = tpu.memref_slice %arg9[%add3A_40, %mul3A_198] : memref<8192x128xf32, #tpu.memory_space<hbm>> -> memref<256x64xf32, #tpu.memory_space<hbm>>
      %dma_start3A_229 = arith.constant 0 : i32
      %dma_start3A_230 = arith.constant 0 : i32
      %dma_start3A_231 = tpu.memref_slice %arg18[%run_scoped3A_199, %dma_start3A_229, %dma_start3A_230] : memref<2x256x64xf32, #tpu.memory_space<vmem>> -> memref<1x256x64xf32, #tpu.memory_space<vmem>>
      %dma_start3A_232 = tpu.memref_squeeze %dma_start3A_231 : memref<1x256x64xf32, #tpu.memory_space<vmem>> -> memref<256x64xf32, #tpu.memory_space<vmem>>
      tpu.enqueue_dma source(%dma_start3A_232 : memref<256x64xf32, #tpu.memory_space<vmem>>) target(%dma_start3A_228 : memref<256x64xf32, #tpu.memory_space<hbm>>) target_semaphore(%run_scoped3A_222 : memref<!tpu.dma_semaphore, #tpu.memory_space<semaphore_mem>>)
      %dma_wait3A_233 = arith.constant 0 : i32
      %dma_wait3A_234 = arith.constant 0 : i32
      %dma_wait3A_235 = tpu.memref_slice %arg18[%run_scoped3A_199, %dma_wait3A_233, %dma_wait3A_234] : memref<2x256x64xf32, #tpu.memory_space<vmem>> -> memref<1x256x64xf32, #tpu.memory_space<vmem>>
      %dma_wait3A_236 = tpu.memref_squeeze %dma_wait3A_235 : memref<1x256x64xf32, #tpu.memory_space<vmem>> -> memref<256x64xf32, #tpu.memory_space<vmem>>
      %dma_wait3A_237 = tpu.memref_slice %arg9[%add3A_40, %mul3A_198] : memref<8192x128xf32, #tpu.memory_space<hbm>> -> memref<256x64xf32, #tpu.memory_space<hbm>>
      %dma_wait3A_238 = tpu.memref_slice %arg9[%add3A_40, %mul3A_198] : memref<8192x128xf32, #tpu.memory_space<hbm>> -> memref<256x64xf32, #tpu.memory_space<hbm>>
      %dma_wait3A_239 = arith.constant 0 : i32
      %dma_wait3A_240 = arith.constant 0 : i32
      %dma_wait3A_241 = tpu.memref_slice %arg18[%run_scoped3A_199, %dma_wait3A_239, %dma_wait3A_240] : memref<2x256x64xf32, #tpu.memory_space<vmem>> -> memref<1x256x64xf32, #tpu.memory_space<vmem>>
      %dma_wait3A_242 = tpu.memref_squeeze %dma_wait3A_241 : memref<1x256x64xf32, #tpu.memory_space<vmem>> -> memref<256x64xf32, #tpu.memory_space<vmem>>
      tpu.wait_dma2 semaphore(%run_scoped3A_222 : memref<!tpu.dma_semaphore, #tpu.memory_space<semaphore_mem>>) src(%dma_wait3A_242 : memref<256x64xf32, #tpu.memory_space<vmem>>) dst(%dma_wait3A_238 : memref<256x64xf32, #tpu.memory_space<hbm>>)
      tpu.yield
    }) : () -> ()
    %dma_wait3A_200 = arith.constant 1 : i32
    %dma_wait3A_201 = arith.constant 1 : i32
    %dma_wait3A_202 = arith.constant 0 : i32
    %dma_wait3A_203 = tpu.memref_slice %arg19[%dma_wait3A_201, %dma_wait3A_202] : memref<2x256xf32, #tpu.memory_space<vmem>> -> memref<1x256xf32, #tpu.memory_space<vmem>>
    %dma_wait3A_204 = tpu.memref_squeeze %dma_wait3A_203 : memref<1x256xf32, #tpu.memory_space<vmem>> -> memref<256xf32, #tpu.memory_space<vmem>>
    %dma_wait3A_205 = arith.constant 0 : i32
    %dma_wait3A_206 = tpu.memref_slice %arg16[%dma_wait3A_200, %dma_wait3A_205] : memref<2x256xi32, #tpu.memory_space<vmem>> -> memref<1x256xi32, #tpu.memory_space<vmem>>
    %dma_wait3A_207 = tpu.memref_squeeze %dma_wait3A_206 : memref<1x256xi32, #tpu.memory_space<vmem>> -> memref<256xi32, #tpu.memory_space<vmem>>
    %dma_wait3A_208 = arith.constant 0 : i32
    %dma_wait3A_209 = tpu.memref_slice %arg6[%dma_wait3A_208] : memref<100000xf32, #tpu.memory_space<hbm>> -> memref<100000xf32, #tpu.memory_space<hbm>>
    tpu.wait_indirect_dma semaphore(%arg25 : memref<!tpu.dma_semaphore, #tpu.memory_space<semaphore_mem>>) src(%dma_wait3A_209 : memref<100000xf32, #tpu.memory_space<hbm>>) dst(%dma_wait3A_204 : memref<256xf32, #tpu.memory_space<vmem>>)
    %run_scoped3A_210 = arith.constant 1 : i32
    "tpu.region"() ({
      %run_scoped3A_222 = tpu.sem_alloc : memref<!tpu.dma_semaphore, #tpu.memory_space<semaphore_mem>>
      %dma_start3A_223 = arith.constant 0 : i32
      %dma_start3A_224 = tpu.memref_slice %arg19[%run_scoped3A_210, %dma_start3A_223] : memref<2x256xf32, #tpu.memory_space<vmem>> -> memref<1x256xf32, #tpu.memory_space<vmem>>
      %dma_start3A_225 = tpu.memref_squeeze %dma_start3A_224 : memref<1x256xf32, #tpu.memory_space<vmem>> -> memref<256xf32, #tpu.memory_space<vmem>>
      %dma_start3A_226 = tpu.memref_slice %arg10[%add3A_22] : memref<16384xf32, #tpu.memory_space<hbm>> -> memref<256xf32, #tpu.memory_space<hbm>>
      %dma_start3A_227 = tpu.memref_slice %arg10[%add3A_22] : memref<16384xf32, #tpu.memory_space<hbm>> -> memref<256xf32, #tpu.memory_space<hbm>>
      %dma_start3A_228 = arith.constant 0 : i32
      %dma_start3A_229 = tpu.memref_slice %arg19[%run_scoped3A_210, %dma_start3A_228] : memref<2x256xf32, #tpu.memory_space<vmem>> -> memref<1x256xf32, #tpu.memory_space<vmem>>
      %dma_start3A_230 = tpu.memref_squeeze %dma_start3A_229 : memref<1x256xf32, #tpu.memory_space<vmem>> -> memref<256xf32, #tpu.memory_space<vmem>>
      tpu.enqueue_dma source(%dma_start3A_230 : memref<256xf32, #tpu.memory_space<vmem>>) target(%dma_start3A_227 : memref<256xf32, #tpu.memory_space<hbm>>) target_semaphore(%run_scoped3A_222 : memref<!tpu.dma_semaphore, #tpu.memory_space<semaphore_mem>>)
      %dma_wait3A_231 = arith.constant 0 : i32
      %dma_wait3A_232 = tpu.memref_slice %arg19[%run_scoped3A_210, %dma_wait3A_231] : memref<2x256xf32, #tpu.memory_space<vmem>> -> memref<1x256xf32, #tpu.memory_space<vmem>>
      %dma_wait3A_233 = tpu.memref_squeeze %dma_wait3A_232 : memref<1x256xf32, #tpu.memory_space<vmem>> -> memref<256xf32, #tpu.memory_space<vmem>>
      %dma_wait3A_234 = tpu.memref_slice %arg10[%add3A_22] : memref<16384xf32, #tpu.memory_space<hbm>> -> memref<256xf32, #tpu.memory_space<hbm>>
      %dma_wait3A_235 = tpu.memref_slice %arg10[%add3A_22] : memref<16384xf32, #tpu.memory_space<hbm>> -> memref<256xf32, #tpu.memory_space<hbm>>
      %dma_wait3A_236 = arith.constant 0 : i32
      %dma_wait3A_237 = tpu.memref_slice %arg19[%run_scoped3A_210, %dma_wait3A_236] : memref<2x256xf32, #tpu.memory_space<vmem>> -> memref<1x256xf32, #tpu.memory_space<vmem>>
      %dma_wait3A_238 = tpu.memref_squeeze %dma_wait3A_237 : memref<1x256xf32, #tpu.memory_space<vmem>> -> memref<256xf32, #tpu.memory_space<vmem>>
      tpu.wait_dma2 semaphore(%run_scoped3A_222 : memref<!tpu.dma_semaphore, #tpu.memory_space<semaphore_mem>>) src(%dma_wait3A_238 : memref<256xf32, #tpu.memory_space<vmem>>) dst(%dma_wait3A_235 : memref<256xf32, #tpu.memory_space<hbm>>)
      tpu.yield
    }) : () -> ()
    %scan3A_211 = arith.constant 1 : i32
    %scan3A_212 = arith.constant 0 : i32
    %scan3A_213 = arith.constant 20 : i32
    %scan3A_214 = arith.addi %scan3A_212, %scan3A_213 : i32
    %scan3A_215 = arith.constant 1 : i32
    scf.for %scan3A_222 = %scan3A_212 to %scan3A_214 step %scan3A_215  : i32 {
      %mul3A_223 = arith.constant 1 : i32
      %mul3A_224 = arith.muli %scan3A_222, %mul3A_223 : i32
      %add3A_225 = arith.constant 0 : i32
      %add3A_226 = arith.addi %add3A_225, %mul3A_224 : i32
      %jit3A_227 = arith.constant 1 : i32
      %div3A_228 = arith.divsi %add3A_226, %jit3A_227 : i32
      %sign3A_229 = arith.constant 0 : i32
      %sign3A_230 = arith.cmpi sgt, %add3A_226, %sign3A_229 : i32
      %sign3A_231 = arith.extui %sign3A_230 : i1 to i32
      %sign3A_232 = arith.constant 0 : i32
      %sign3A_233 = arith.cmpi slt, %add3A_226, %sign3A_232 : i32
      %sign3A_234 = arith.extui %sign3A_233 : i1 to i32
      %sign3A_235 = arith.subi %sign3A_231, %sign3A_234 : i32
      %sign3A_236 = arith.constant 0 : i32
      %sign3A_237 = arith.cmpi sgt, %jit3A_227, %sign3A_236 : i32
      %sign3A_238 = arith.extui %sign3A_237 : i1 to i32
      %sign3A_239 = arith.constant 0 : i32
      %sign3A_240 = arith.cmpi slt, %jit3A_227, %sign3A_239 : i32
      %sign3A_241 = arith.extui %sign3A_240 : i1 to i32
      %sign3A_242 = arith.subi %sign3A_238, %sign3A_241 : i32
      %ne3A_243 = arith.cmpi ne, %sign3A_235, %sign3A_242 : i32
      %rem3A_244 = arith.remsi %add3A_226, %jit3A_227 : i32
      %ne3A_245 = arith.constant 0 : i32
      %ne3A_246 = arith.cmpi ne, %rem3A_244, %ne3A_245 : i32
      %and3A_247 = arith.andi %ne3A_243, %ne3A_246 : i1
      %sub3A_248 = arith.constant 1 : i32
      %sub3A_249 = arith.subi %div3A_228, %sub3A_248 : i32
      %select_n3A_250 = arith.select %and3A_247, %sub3A_249, %div3A_228 : i32
      %jit3A_251 = arith.constant 1 : i32
      %eq3A_252 = arith.constant 0 : i32
      %eq3A_253 = arith.cmpi eq, %jit3A_251, %eq3A_252 : i32
      %jit3A_254 = arith.constant 1 : i32
      %select_n3A_255 = arith.select %eq3A_253, %jit3A_254, %jit3A_251 : i32
      %rem3A_256 = arith.remsi %add3A_226, %select_n3A_255 : i32
      %ne3A_257 = arith.constant 0 : i32
      %ne3A_258 = arith.cmpi ne, %rem3A_256, %ne3A_257 : i32
      %lt3A_259 = arith.constant 0 : i32
      %lt3A_260 = arith.cmpi slt, %rem3A_256, %lt3A_259 : i32
      %lt3A_261 = arith.constant 0 : i32
      %lt3A_262 = arith.cmpi slt, %select_n3A_255, %lt3A_261 : i32
      %ne3A_263 = arith.xori %lt3A_260, %lt3A_262 : i1
      %and3A_264 = arith.andi %ne3A_263, %ne3A_258 : i1
      %add3A_265 = arith.addi %rem3A_256, %select_n3A_255 : i32
      %select_n3A_266 = arith.select %and3A_264, %add3A_265, %rem3A_256 : i32
      %mul3A_267 = arith.constant 2 : i32
      %mul3A_268 = arith.muli %mul3A_267, %select_n3A_266 : i32
      %mul3A_269 = arith.constant 256 : i32
      %mul3A_270 = arith.muli %mul3A_268, %mul3A_269 : i32
      %add3A_271 = arith.addi %mul3A_2, %mul3A_270 : i32
      %mul3A_272 = arith.constant 16384 : i32
      %mul3A_273 = arith.muli %select_n3A_250, %mul3A_272 : i32
      %add3A_274 = arith.addi %mul3A_273, %add3A_271 : i32
      %mul3A_275 = arith.constant 8192 : i32
      %mul3A_276 = arith.muli %select_n3A_250, %mul3A_275 : i32
      %jit3A_277 = arith.constant 8192 : i32
      %eq3A_278 = arith.constant 0 : i32
      %eq3A_279 = arith.cmpi eq, %jit3A_277, %eq3A_278 : i32
      %jit3A_280 = arith.constant 1 : i32
      %select_n3A_281 = arith.select %eq3A_279, %jit3A_280, %jit3A_277 : i32
      %rem3A_282 = arith.remsi %add3A_271, %select_n3A_281 : i32
      %ne3A_283 = arith.constant 0 : i32
      %ne3A_284 = arith.cmpi ne, %rem3A_282, %ne3A_283 : i32
      %lt3A_285 = arith.constant 0 : i32
      %lt3A_286 = arith.cmpi slt, %rem3A_282, %lt3A_285 : i32
      %lt3A_287 = arith.constant 0 : i32
      %lt3A_288 = arith.cmpi slt, %select_n3A_281, %lt3A_287 : i32
      %ne3A_289 = arith.xori %lt3A_286, %lt3A_288 : i1
      %and3A_290 = arith.andi %ne3A_289, %ne3A_284 : i1
      %add3A_291 = arith.addi %rem3A_282, %select_n3A_281 : i32
      %select_n3A_292 = arith.select %and3A_290, %add3A_291, %rem3A_282 : i32
      %add3A_293 = arith.addi %mul3A_276, %select_n3A_292 : i32
      %mul3A_294 = arith.constant 16384 : i32
      %mul3A_295 = arith.muli %select_n3A_250, %mul3A_294 : i32
      %add3A_296 = arith.addi %mul3A_295, %add3A_271 : i32
      %add3A_297 = arith.constant 256 : i32
      %add3A_298 = arith.addi %add3A_296, %add3A_297 : i32
      %mul3A_299 = arith.constant 8192 : i32
      %mul3A_300 = arith.muli %select_n3A_250, %mul3A_299 : i32
      %jit3A_301 = arith.constant 8192 : i32
      %eq3A_302 = arith.constant 0 : i32
      %eq3A_303 = arith.cmpi eq, %jit3A_301, %eq3A_302 : i32
      %jit3A_304 = arith.constant 1 : i32
      %select_n3A_305 = arith.select %eq3A_303, %jit3A_304, %jit3A_301 : i32
      %rem3A_306 = arith.remsi %add3A_271, %select_n3A_305 : i32
      %ne3A_307 = arith.constant 0 : i32
      %ne3A_308 = arith.cmpi ne, %rem3A_306, %ne3A_307 : i32
      %lt3A_309 = arith.constant 0 : i32
      %lt3A_310 = arith.cmpi slt, %rem3A_306, %lt3A_309 : i32
      %lt3A_311 = arith.constant 0 : i32
      %lt3A_312 = arith.cmpi slt, %select_n3A_305, %lt3A_311 : i32
      %ne3A_313 = arith.xori %lt3A_310, %lt3A_312 : i1
      %and3A_314 = arith.andi %ne3A_313, %ne3A_308 : i1
      %add3A_315 = arith.addi %rem3A_306, %select_n3A_305 : i32
      %select_n3A_316 = arith.select %and3A_314, %add3A_315, %rem3A_306 : i32
      %add3A_317 = arith.addi %mul3A_300, %select_n3A_316 : i32
      %add3A_318 = arith.constant 256 : i32
      %add3A_319 = arith.addi %add3A_317, %add3A_318 : i32
      %jit3A_320 = arith.constant 8192 : i32
      %div3A_321 = arith.divsi %add3A_271, %jit3A_320 : i32
      %sign3A_322 = arith.constant 0 : i32
      %sign3A_323 = arith.cmpi sgt, %add3A_271, %sign3A_322 : i32
      %sign3A_324 = arith.extui %sign3A_323 : i1 to i32
      %sign3A_325 = arith.constant 0 : i32
      %sign3A_326 = arith.cmpi slt, %add3A_271, %sign3A_325 : i32
      %sign3A_327 = arith.extui %sign3A_326 : i1 to i32
      %sign3A_328 = arith.subi %sign3A_324, %sign3A_327 : i32
      %sign3A_329 = arith.constant 0 : i32
      %sign3A_330 = arith.cmpi sgt, %jit3A_320, %sign3A_329 : i32
      %sign3A_331 = arith.extui %sign3A_330 : i1 to i32
      %sign3A_332 = arith.constant 0 : i32
      %sign3A_333 = arith.cmpi slt, %jit3A_320, %sign3A_332 : i32
      %sign3A_334 = arith.extui %sign3A_333 : i1 to i32
      %sign3A_335 = arith.subi %sign3A_331, %sign3A_334 : i32
      %ne3A_336 = arith.cmpi ne, %sign3A_328, %sign3A_335 : i32
      %rem3A_337 = arith.remsi %add3A_271, %jit3A_320 : i32
      %ne3A_338 = arith.constant 0 : i32
      %ne3A_339 = arith.cmpi ne, %rem3A_337, %ne3A_338 : i32
      %and3A_340 = arith.andi %ne3A_336, %ne3A_339 : i1
      %sub3A_341 = arith.constant 1 : i32
      %sub3A_342 = arith.subi %div3A_321, %sub3A_341 : i32
      %select_n3A_343 = arith.select %and3A_340, %sub3A_342, %div3A_321 : i32
      %run_scoped3A_344 = arith.constant 0 : i32
      "tpu.region"() ({
        %run_scoped3A_496 = tpu.sem_alloc : memref<!tpu.dma_semaphore, #tpu.memory_space<semaphore_mem>>
        %dma_start3A_497 = arith.constant 0 : i32
        %dma_start3A_498 = tpu.memref_slice %arg16[%run_scoped3A_344, %dma_start3A_497] : memref<2x256xi32, #tpu.memory_space<vmem>> -> memref<1x256xi32, #tpu.memory_space<vmem>>
        %dma_start3A_499 = tpu.memref_squeeze %dma_start3A_498 : memref<1x256xi32, #tpu.memory_space<vmem>> -> memref<256xi32, #tpu.memory_space<vmem>>
        %dma_start3A_500 = tpu.memref_slice %arg3[%add3A_274] : memref<327680xi32, #tpu.memory_space<hbm>> -> memref<256xi32, #tpu.memory_space<hbm>>
        %dma_start3A_501 = arith.constant 0 : i32
        %dma_start3A_502 = tpu.memref_slice %arg16[%run_scoped3A_344, %dma_start3A_501] : memref<2x256xi32, #tpu.memory_space<vmem>> -> memref<1x256xi32, #tpu.memory_space<vmem>>
        %dma_start3A_503 = tpu.memref_squeeze %dma_start3A_502 : memref<1x256xi32, #tpu.memory_space<vmem>> -> memref<256xi32, #tpu.memory_space<vmem>>
        %dma_start3A_504 = tpu.memref_slice %arg3[%add3A_274] : memref<327680xi32, #tpu.memory_space<hbm>> -> memref<256xi32, #tpu.memory_space<hbm>>
        tpu.enqueue_dma source(%dma_start3A_504 : memref<256xi32, #tpu.memory_space<hbm>>) target(%dma_start3A_503 : memref<256xi32, #tpu.memory_space<vmem>>) target_semaphore(%run_scoped3A_496 : memref<!tpu.dma_semaphore, #tpu.memory_space<semaphore_mem>>)
        %dma_wait3A_505 = arith.constant 0 : i32
        %dma_wait3A_506 = tpu.memref_slice %arg16[%run_scoped3A_344, %dma_wait3A_505] : memref<2x256xi32, #tpu.memory_space<vmem>> -> memref<1x256xi32, #tpu.memory_space<vmem>>
        %dma_wait3A_507 = tpu.memref_squeeze %dma_wait3A_506 : memref<1x256xi32, #tpu.memory_space<vmem>> -> memref<256xi32, #tpu.memory_space<vmem>>
        %dma_wait3A_508 = tpu.memref_slice %arg3[%add3A_274] : memref<327680xi32, #tpu.memory_space<hbm>> -> memref<256xi32, #tpu.memory_space<hbm>>
        %dma_wait3A_509 = arith.constant 0 : i32
        %dma_wait3A_510 = tpu.memref_slice %arg16[%run_scoped3A_344, %dma_wait3A_509] : memref<2x256xi32, #tpu.memory_space<vmem>> -> memref<1x256xi32, #tpu.memory_space<vmem>>
        %dma_wait3A_511 = tpu.memref_squeeze %dma_wait3A_510 : memref<1x256xi32, #tpu.memory_space<vmem>> -> memref<256xi32, #tpu.memory_space<vmem>>
        %dma_wait3A_512 = tpu.memref_slice %arg3[%add3A_274] : memref<327680xi32, #tpu.memory_space<hbm>> -> memref<256xi32, #tpu.memory_space<hbm>>
        tpu.wait_dma2 semaphore(%run_scoped3A_496 : memref<!tpu.dma_semaphore, #tpu.memory_space<semaphore_mem>>) src(%dma_wait3A_512 : memref<256xi32, #tpu.memory_space<hbm>>) dst(%dma_wait3A_511 : memref<256xi32, #tpu.memory_space<vmem>>)
        tpu.yield
      }) : () -> ()
      %dma_start3A_345 = arith.constant 0 : i32
      %dma_start3A_346 = arith.constant 0 : i32
      %dma_start3A_347 = arith.constant 0 : i32
      %dma_start3A_348 = arith.constant 0 : i32
      %dma_start3A_349 = tpu.memref_slice %arg17[%dma_start3A_346, %dma_start3A_347, %dma_start3A_348] : memref<2x256x64xf32, #tpu.memory_space<vmem>> -> memref<1x256x64xf32, #tpu.memory_space<vmem>>
      %dma_start3A_350 = tpu.memref_squeeze %dma_start3A_349 : memref<1x256x64xf32, #tpu.memory_space<vmem>> -> memref<256x64xf32, #tpu.memory_space<vmem>>
      %dma_start3A_351 = arith.constant 0 : i32
      %dma_start3A_352 = tpu.memref_slice %arg16[%dma_start3A_345, %dma_start3A_351] : memref<2x256xi32, #tpu.memory_space<vmem>> -> memref<1x256xi32, #tpu.memory_space<vmem>>
      %dma_start3A_353 = tpu.memref_squeeze %dma_start3A_352 : memref<1x256xi32, #tpu.memory_space<vmem>> -> memref<256xi32, #tpu.memory_space<vmem>>
      %dma_start3A_354 = arith.constant 0 : i32
      %dma_start3A_355 = arith.constant 0 : i32
      %dma_start3A_356 = tpu.memref_slice %arg7[%dma_start3A_354, %dma_start3A_355] : memref<100000x64xf32, #tpu.memory_space<hbm>> -> memref<100000x64xf32, #tpu.memory_space<hbm>>
      tpu.enqueue_indirect_dma source(%dma_start3A_356 : memref<100000x64xf32, #tpu.memory_space<hbm>>) target(%dma_start3A_350 : memref<256x64xf32, #tpu.memory_space<vmem>>) offsets(%dma_start3A_353 : memref<256xi32, #tpu.memory_space<vmem>>) semaphore(%arg20 : memref<!tpu.dma_semaphore, #tpu.memory_space<semaphore_mem>>)
      %dma_start3A_357 = arith.constant 0 : i32
      %dma_start3A_358 = arith.constant 0 : i32
      %dma_start3A_359 = arith.constant 0 : i32
      %dma_start3A_360 = arith.constant 0 : i32
      %dma_start3A_361 = tpu.memref_slice %arg18[%dma_start3A_358, %dma_start3A_359, %dma_start3A_360] : memref<2x256x64xf32, #tpu.memory_space<vmem>> -> memref<1x256x64xf32, #tpu.memory_space<vmem>>
      %dma_start3A_362 = tpu.memref_squeeze %dma_start3A_361 : memref<1x256x64xf32, #tpu.memory_space<vmem>> -> memref<256x64xf32, #tpu.memory_space<vmem>>
      %dma_start3A_363 = arith.constant 0 : i32
      %dma_start3A_364 = tpu.memref_slice %arg16[%dma_start3A_357, %dma_start3A_363] : memref<2x256xi32, #tpu.memory_space<vmem>> -> memref<1x256xi32, #tpu.memory_space<vmem>>
      %dma_start3A_365 = tpu.memref_squeeze %dma_start3A_364 : memref<1x256xi32, #tpu.memory_space<vmem>> -> memref<256xi32, #tpu.memory_space<vmem>>
      %dma_start3A_366 = arith.constant 0 : i32
      %dma_start3A_367 = arith.constant 0 : i32
      %dma_start3A_368 = tpu.memref_slice %arg5[%dma_start3A_366, %dma_start3A_367] : memref<100000x64xf32, #tpu.memory_space<hbm>> -> memref<100000x64xf32, #tpu.memory_space<hbm>>
      tpu.enqueue_indirect_dma source(%dma_start3A_368 : memref<100000x64xf32, #tpu.memory_space<hbm>>) target(%dma_start3A_362 : memref<256x64xf32, #tpu.memory_space<vmem>>) offsets(%dma_start3A_365 : memref<256xi32, #tpu.memory_space<vmem>>) semaphore(%arg21 : memref<!tpu.dma_semaphore, #tpu.memory_space<semaphore_mem>>)
      %dma_start3A_369 = arith.constant 0 : i32
      %dma_start3A_370 = arith.constant 0 : i32
      %dma_start3A_371 = arith.constant 0 : i32
      %dma_start3A_372 = tpu.memref_slice %arg19[%dma_start3A_370, %dma_start3A_371] : memref<2x256xf32, #tpu.memory_space<vmem>> -> memref<1x256xf32, #tpu.memory_space<vmem>>
      %dma_start3A_373 = tpu.memref_squeeze %dma_start3A_372 : memref<1x256xf32, #tpu.memory_space<vmem>> -> memref<256xf32, #tpu.memory_space<vmem>>
      %dma_start3A_374 = arith.constant 0 : i32
      %dma_start3A_375 = tpu.memref_slice %arg16[%dma_start3A_369, %dma_start3A_374] : memref<2x256xi32, #tpu.memory_space<vmem>> -> memref<1x256xi32, #tpu.memory_space<vmem>>
      %dma_start3A_376 = tpu.memref_squeeze %dma_start3A_375 : memref<1x256xi32, #tpu.memory_space<vmem>> -> memref<256xi32, #tpu.memory_space<vmem>>
      %dma_start3A_377 = arith.constant 0 : i32
      %dma_start3A_378 = tpu.memref_slice %arg6[%dma_start3A_377] : memref<100000xf32, #tpu.memory_space<hbm>> -> memref<100000xf32, #tpu.memory_space<hbm>>
      tpu.enqueue_indirect_dma source(%dma_start3A_378 : memref<100000xf32, #tpu.memory_space<hbm>>) target(%dma_start3A_373 : memref<256xf32, #tpu.memory_space<vmem>>) offsets(%dma_start3A_376 : memref<256xi32, #tpu.memory_space<vmem>>) semaphore(%arg22 : memref<!tpu.dma_semaphore, #tpu.memory_space<semaphore_mem>>)
      %run_scoped3A_379 = arith.constant 1 : i32
      "tpu.region"() ({
        %run_scoped3A_496 = tpu.sem_alloc : memref<!tpu.dma_semaphore, #tpu.memory_space<semaphore_mem>>
        %dma_start3A_497 = arith.constant 0 : i32
        %dma_start3A_498 = tpu.memref_slice %arg16[%run_scoped3A_379, %dma_start3A_497] : memref<2x256xi32, #tpu.memory_space<vmem>> -> memref<1x256xi32, #tpu.memory_space<vmem>>
        %dma_start3A_499 = tpu.memref_squeeze %dma_start3A_498 : memref<1x256xi32, #tpu.memory_space<vmem>> -> memref<256xi32, #tpu.memory_space<vmem>>
        %dma_start3A_500 = tpu.memref_slice %arg3[%add3A_298] : memref<327680xi32, #tpu.memory_space<hbm>> -> memref<256xi32, #tpu.memory_space<hbm>>
        %dma_start3A_501 = arith.constant 0 : i32
        %dma_start3A_502 = tpu.memref_slice %arg16[%run_scoped3A_379, %dma_start3A_501] : memref<2x256xi32, #tpu.memory_space<vmem>> -> memref<1x256xi32, #tpu.memory_space<vmem>>
        %dma_start3A_503 = tpu.memref_squeeze %dma_start3A_502 : memref<1x256xi32, #tpu.memory_space<vmem>> -> memref<256xi32, #tpu.memory_space<vmem>>
        %dma_start3A_504 = tpu.memref_slice %arg3[%add3A_298] : memref<327680xi32, #tpu.memory_space<hbm>> -> memref<256xi32, #tpu.memory_space<hbm>>
        tpu.enqueue_dma source(%dma_start3A_504 : memref<256xi32, #tpu.memory_space<hbm>>) target(%dma_start3A_503 : memref<256xi32, #tpu.memory_space<vmem>>) target_semaphore(%run_scoped3A_496 : memref<!tpu.dma_semaphore, #tpu.memory_space<semaphore_mem>>)
        %dma_wait3A_505 = arith.constant 0 : i32
        %dma_wait3A_506 = tpu.memref_slice %arg16[%run_scoped3A_379, %dma_wait3A_505] : memref<2x256xi32, #tpu.memory_space<vmem>> -> memref<1x256xi32, #tpu.memory_space<vmem>>
        %dma_wait3A_507 = tpu.memref_squeeze %dma_wait3A_506 : memref<1x256xi32, #tpu.memory_space<vmem>> -> memref<256xi32, #tpu.memory_space<vmem>>
        %dma_wait3A_508 = tpu.memref_slice %arg3[%add3A_298] : memref<327680xi32, #tpu.memory_space<hbm>> -> memref<256xi32, #tpu.memory_space<hbm>>
        %dma_wait3A_509 = arith.constant 0 : i32
        %dma_wait3A_510 = tpu.memref_slice %arg16[%run_scoped3A_379, %dma_wait3A_509] : memref<2x256xi32, #tpu.memory_space<vmem>> -> memref<1x256xi32, #tpu.memory_space<vmem>>
        %dma_wait3A_511 = tpu.memref_squeeze %dma_wait3A_510 : memref<1x256xi32, #tpu.memory_space<vmem>> -> memref<256xi32, #tpu.memory_space<vmem>>
        %dma_wait3A_512 = tpu.memref_slice %arg3[%add3A_298] : memref<327680xi32, #tpu.memory_space<hbm>> -> memref<256xi32, #tpu.memory_space<hbm>>
        tpu.wait_dma2 semaphore(%run_scoped3A_496 : memref<!tpu.dma_semaphore, #tpu.memory_space<semaphore_mem>>) src(%dma_wait3A_512 : memref<256xi32, #tpu.memory_space<hbm>>) dst(%dma_wait3A_511 : memref<256xi32, #tpu.memory_space<vmem>>)
        tpu.yield
      }) : () -> ()
      %dma_start3A_380 = arith.constant 1 : i32
      %dma_start3A_381 = arith.constant 1 : i32
      %dma_start3A_382 = arith.constant 0 : i32
      %dma_start3A_383 = arith.constant 0 : i32
      %dma_start3A_384 = tpu.memref_slice %arg17[%dma_start3A_381, %dma_start3A_382, %dma_start3A_383] : memref<2x256x64xf32, #tpu.memory_space<vmem>> -> memref<1x256x64xf32, #tpu.memory_space<vmem>>
      %dma_start3A_385 = tpu.memref_squeeze %dma_start3A_384 : memref<1x256x64xf32, #tpu.memory_space<vmem>> -> memref<256x64xf32, #tpu.memory_space<vmem>>
      %dma_start3A_386 = arith.constant 0 : i32
      %dma_start3A_387 = tpu.memref_slice %arg16[%dma_start3A_380, %dma_start3A_386] : memref<2x256xi32, #tpu.memory_space<vmem>> -> memref<1x256xi32, #tpu.memory_space<vmem>>
      %dma_start3A_388 = tpu.memref_squeeze %dma_start3A_387 : memref<1x256xi32, #tpu.memory_space<vmem>> -> memref<256xi32, #tpu.memory_space<vmem>>
      %dma_start3A_389 = arith.constant 0 : i32
      %dma_start3A_390 = arith.constant 0 : i32
      %dma_start3A_391 = tpu.memref_slice %arg7[%dma_start3A_389, %dma_start3A_390] : memref<100000x64xf32, #tpu.memory_space<hbm>> -> memref<100000x64xf32, #tpu.memory_space<hbm>>
      tpu.enqueue_indirect_dma source(%dma_start3A_391 : memref<100000x64xf32, #tpu.memory_space<hbm>>) target(%dma_start3A_385 : memref<256x64xf32, #tpu.memory_space<vmem>>) offsets(%dma_start3A_388 : memref<256xi32, #tpu.memory_space<vmem>>) semaphore(%arg23 : memref<!tpu.dma_semaphore, #tpu.memory_space<semaphore_mem>>)
      %dma_start3A_392 = arith.constant 1 : i32
      %dma_start3A_393 = arith.constant 1 : i32
      %dma_start3A_394 = arith.constant 0 : i32
      %dma_start3A_395 = arith.constant 0 : i32
      %dma_start3A_396 = tpu.memref_slice %arg18[%dma_start3A_393, %dma_start3A_394, %dma_start3A_395] : memref<2x256x64xf32, #tpu.memory_space<vmem>> -> memref<1x256x64xf32, #tpu.memory_space<vmem>>
      %dma_start3A_397 = tpu.memref_squeeze %dma_start3A_396 : memref<1x256x64xf32, #tpu.memory_space<vmem>> -> memref<256x64xf32, #tpu.memory_space<vmem>>
      %dma_start3A_398 = arith.constant 0 : i32
      %dma_start3A_399 = tpu.memref_slice %arg16[%dma_start3A_392, %dma_start3A_398] : memref<2x256xi32, #tpu.memory_space<vmem>> -> memref<1x256xi32, #tpu.memory_space<vmem>>
      %dma_start3A_400 = tpu.memref_squeeze %dma_start3A_399 : memref<1x256xi32, #tpu.memory_space<vmem>> -> memref<256xi32, #tpu.memory_space<vmem>>
      %dma_start3A_401 = arith.constant 0 : i32
      %dma_start3A_402 = arith.constant 0 : i32
      %dma_start3A_403 = tpu.memref_slice %arg5[%dma_start3A_401, %dma_start3A_402] : memref<100000x64xf32, #tpu.memory_space<hbm>> -> memref<100000x64xf32, #tpu.memory_space<hbm>>
      tpu.enqueue_indirect_dma source(%dma_start3A_403 : memref<100000x64xf32, #tpu.memory_space<hbm>>) target(%dma_start3A_397 : memref<256x64xf32, #tpu.memory_space<vmem>>) offsets(%dma_start3A_400 : memref<256xi32, #tpu.memory_space<vmem>>) semaphore(%arg24 : memref<!tpu.dma_semaphore, #tpu.memory_space<semaphore_mem>>)
      %dma_start3A_404 = arith.constant 1 : i32
      %dma_start3A_405 = arith.constant 1 : i32
      %dma_start3A_406 = arith.constant 0 : i32
      %dma_start3A_407 = tpu.memref_slice %arg19[%dma_start3A_405, %dma_start3A_406] : memref<2x256xf32, #tpu.memory_space<vmem>> -> memref<1x256xf32, #tpu.memory_space<vmem>>
      %dma_start3A_408 = tpu.memref_squeeze %dma_start3A_407 : memref<1x256xf32, #tpu.memory_space<vmem>> -> memref<256xf32, #tpu.memory_space<vmem>>
      %dma_start3A_409 = arith.constant 0 : i32
      %dma_start3A_410 = tpu.memref_slice %arg16[%dma_start3A_404, %dma_start3A_409] : memref<2x256xi32, #tpu.memory_space<vmem>> -> memref<1x256xi32, #tpu.memory_space<vmem>>
      %dma_start3A_411 = tpu.memref_squeeze %dma_start3A_410 : memref<1x256xi32, #tpu.memory_space<vmem>> -> memref<256xi32, #tpu.memory_space<vmem>>
      %dma_start3A_412 = arith.constant 0 : i32
      %dma_start3A_413 = tpu.memref_slice %arg6[%dma_start3A_412] : memref<100000xf32, #tpu.memory_space<hbm>> -> memref<100000xf32, #tpu.memory_space<hbm>>
      tpu.enqueue_indirect_dma source(%dma_start3A_413 : memref<100000xf32, #tpu.memory_space<hbm>>) target(%dma_start3A_408 : memref<256xf32, #tpu.memory_space<vmem>>) offsets(%dma_start3A_411 : memref<256xi32, #tpu.memory_space<vmem>>) semaphore(%arg25 : memref<!tpu.dma_semaphore, #tpu.memory_space<semaphore_mem>>)
      %dma_wait3A_414 = arith.constant 0 : i32
      %dma_wait3A_415 = arith.constant 0 : i32
      %dma_wait3A_416 = arith.constant 0 : i32
      %dma_wait3A_417 = arith.constant 0 : i32
      %dma_wait3A_418 = tpu.memref_slice %arg17[%dma_wait3A_415, %dma_wait3A_416, %dma_wait3A_417] : memref<2x256x64xf32, #tpu.memory_space<vmem>> -> memref<1x256x64xf32, #tpu.memory_space<vmem>>
      %dma_wait3A_419 = tpu.memref_squeeze %dma_wait3A_418 : memref<1x256x64xf32, #tpu.memory_space<vmem>> -> memref<256x64xf32, #tpu.memory_space<vmem>>
      %dma_wait3A_420 = arith.constant 0 : i32
      %dma_wait3A_421 = tpu.memref_slice %arg16[%dma_wait3A_414, %dma_wait3A_420] : memref<2x256xi32, #tpu.memory_space<vmem>> -> memref<1x256xi32, #tpu.memory_space<vmem>>
      %dma_wait3A_422 = tpu.memref_squeeze %dma_wait3A_421 : memref<1x256xi32, #tpu.memory_space<vmem>> -> memref<256xi32, #tpu.memory_space<vmem>>
      %dma_wait3A_423 = arith.constant 0 : i32
      %dma_wait3A_424 = arith.constant 0 : i32
      %dma_wait3A_425 = tpu.memref_slice %arg7[%dma_wait3A_423, %dma_wait3A_424] : memref<100000x64xf32, #tpu.memory_space<hbm>> -> memref<100000x64xf32, #tpu.memory_space<hbm>>
      tpu.wait_indirect_dma semaphore(%arg20 : memref<!tpu.dma_semaphore, #tpu.memory_space<semaphore_mem>>) src(%dma_wait3A_425 : memref<100000x64xf32, #tpu.memory_space<hbm>>) dst(%dma_wait3A_419 : memref<256x64xf32, #tpu.memory_space<vmem>>)
      %mul3A_426 = arith.constant 64 : i32
      %mul3A_427 = arith.muli %select_n3A_343, %mul3A_426 : i32
      %run_scoped3A_428 = arith.constant 0 : i32
      "tpu.region"() ({
        %run_scoped3A_496 = tpu.sem_alloc : memref<!tpu.dma_semaphore, #tpu.memory_space<semaphore_mem>>
        %dma_start3A_497 = arith.constant 0 : i32
        %dma_start3A_498 = arith.constant 0 : i32
        %dma_start3A_499 = tpu.memref_slice %arg17[%run_scoped3A_428, %dma_start3A_497, %dma_start3A_498] : memref<2x256x64xf32, #tpu.memory_space<vmem>> -> memref<1x256x64xf32, #tpu.memory_space<vmem>>
        %dma_start3A_500 = tpu.memref_squeeze %dma_start3A_499 : memref<1x256x64xf32, #tpu.memory_space<vmem>> -> memref<256x64xf32, #tpu.memory_space<vmem>>
        %dma_start3A_501 = tpu.memref_slice %arg11[%add3A_293, %mul3A_427] : memref<163840x128xf32, #tpu.memory_space<hbm>> -> memref<256x64xf32, #tpu.memory_space<hbm>>
        %dma_start3A_502 = tpu.memref_slice %arg11[%add3A_293, %mul3A_427] : memref<163840x128xf32, #tpu.memory_space<hbm>> -> memref<256x64xf32, #tpu.memory_space<hbm>>
        %dma_start3A_503 = arith.constant 0 : i32
        %dma_start3A_504 = arith.constant 0 : i32
        %dma_start3A_505 = tpu.memref_slice %arg17[%run_scoped3A_428, %dma_start3A_503, %dma_start3A_504] : memref<2x256x64xf32, #tpu.memory_space<vmem>> -> memref<1x256x64xf32, #tpu.memory_space<vmem>>
        %dma_start3A_506 = tpu.memref_squeeze %dma_start3A_505 : memref<1x256x64xf32, #tpu.memory_space<vmem>> -> memref<256x64xf32, #tpu.memory_space<vmem>>
        tpu.enqueue_dma source(%dma_start3A_506 : memref<256x64xf32, #tpu.memory_space<vmem>>) target(%dma_start3A_502 : memref<256x64xf32, #tpu.memory_space<hbm>>) target_semaphore(%run_scoped3A_496 : memref<!tpu.dma_semaphore, #tpu.memory_space<semaphore_mem>>)
        %dma_wait3A_507 = arith.constant 0 : i32
        %dma_wait3A_508 = arith.constant 0 : i32
        %dma_wait3A_509 = tpu.memref_slice %arg17[%run_scoped3A_428, %dma_wait3A_507, %dma_wait3A_508] : memref<2x256x64xf32, #tpu.memory_space<vmem>> -> memref<1x256x64xf32, #tpu.memory_space<vmem>>
        %dma_wait3A_510 = tpu.memref_squeeze %dma_wait3A_509 : memref<1x256x64xf32, #tpu.memory_space<vmem>> -> memref<256x64xf32, #tpu.memory_space<vmem>>
        %dma_wait3A_511 = tpu.memref_slice %arg11[%add3A_293, %mul3A_427] : memref<163840x128xf32, #tpu.memory_space<hbm>> -> memref<256x64xf32, #tpu.memory_space<hbm>>
        %dma_wait3A_512 = tpu.memref_slice %arg11[%add3A_293, %mul3A_427] : memref<163840x128xf32, #tpu.memory_space<hbm>> -> memref<256x64xf32, #tpu.memory_space<hbm>>
        %dma_wait3A_513 = arith.constant 0 : i32
        %dma_wait3A_514 = arith.constant 0 : i32
        %dma_wait3A_515 = tpu.memref_slice %arg17[%run_scoped3A_428, %dma_wait3A_513, %dma_wait3A_514] : memref<2x256x64xf32, #tpu.memory_space<vmem>> -> memref<1x256x64xf32, #tpu.memory_space<vmem>>
        %dma_wait3A_516 = tpu.memref_squeeze %dma_wait3A_515 : memref<1x256x64xf32, #tpu.memory_space<vmem>> -> memref<256x64xf32, #tpu.memory_space<vmem>>
        tpu.wait_dma2 semaphore(%run_scoped3A_496 : memref<!tpu.dma_semaphore, #tpu.memory_space<semaphore_mem>>) src(%dma_wait3A_516 : memref<256x64xf32, #tpu.memory_space<vmem>>) dst(%dma_wait3A_512 : memref<256x64xf32, #tpu.memory_space<hbm>>)
        tpu.yield
      }) : () -> ()
      %dma_wait3A_429 = arith.constant 0 : i32
      %dma_wait3A_430 = arith.constant 0 : i32
      %dma_wait3A_431 = arith.constant 0 : i32
      %dma_wait3A_432 = arith.constant 0 : i32
      %dma_wait3A_433 = tpu.memref_slice %arg18[%dma_wait3A_430, %dma_wait3A_431, %dma_wait3A_432] : memref<2x256x64xf32, #tpu.memory_space<vmem>> -> memref<1x256x64xf32, #tpu.memory_space<vmem>>
      %dma_wait3A_434 = tpu.memref_squeeze %dma_wait3A_433 : memref<1x256x64xf32, #tpu.memory_space<vmem>> -> memref<256x64xf32, #tpu.memory_space<vmem>>
      %dma_wait3A_435 = arith.constant 0 : i32
      %dma_wait3A_436 = tpu.memref_slice %arg16[%dma_wait3A_429, %dma_wait3A_435] : memref<2x256xi32, #tpu.memory_space<vmem>> -> memref<1x256xi32, #tpu.memory_space<vmem>>
      %dma_wait3A_437 = tpu.memref_squeeze %dma_wait3A_436 : memref<1x256xi32, #tpu.memory_space<vmem>> -> memref<256xi32, #tpu.memory_space<vmem>>
      %dma_wait3A_438 = arith.constant 0 : i32
      %dma_wait3A_439 = arith.constant 0 : i32
      %dma_wait3A_440 = tpu.memref_slice %arg5[%dma_wait3A_438, %dma_wait3A_439] : memref<100000x64xf32, #tpu.memory_space<hbm>> -> memref<100000x64xf32, #tpu.memory_space<hbm>>
      tpu.wait_indirect_dma semaphore(%arg21 : memref<!tpu.dma_semaphore, #tpu.memory_space<semaphore_mem>>) src(%dma_wait3A_440 : memref<100000x64xf32, #tpu.memory_space<hbm>>) dst(%dma_wait3A_434 : memref<256x64xf32, #tpu.memory_space<vmem>>)
      %mul3A_441 = arith.constant 64 : i32
      %mul3A_442 = arith.muli %select_n3A_343, %mul3A_441 : i32
      %run_scoped3A_443 = arith.constant 0 : i32
      "tpu.region"() ({
        %run_scoped3A_496 = tpu.sem_alloc : memref<!tpu.dma_semaphore, #tpu.memory_space<semaphore_mem>>
        %dma_start3A_497 = arith.constant 0 : i32
        %dma_start3A_498 = arith.constant 0 : i32
        %dma_start3A_499 = tpu.memref_slice %arg18[%run_scoped3A_443, %dma_start3A_497, %dma_start3A_498] : memref<2x256x64xf32, #tpu.memory_space<vmem>> -> memref<1x256x64xf32, #tpu.memory_space<vmem>>
        %dma_start3A_500 = tpu.memref_squeeze %dma_start3A_499 : memref<1x256x64xf32, #tpu.memory_space<vmem>> -> memref<256x64xf32, #tpu.memory_space<vmem>>
        %dma_start3A_501 = tpu.memref_slice %arg12[%add3A_293, %mul3A_442] : memref<163840x128xf32, #tpu.memory_space<hbm>> -> memref<256x64xf32, #tpu.memory_space<hbm>>
        %dma_start3A_502 = tpu.memref_slice %arg12[%add3A_293, %mul3A_442] : memref<163840x128xf32, #tpu.memory_space<hbm>> -> memref<256x64xf32, #tpu.memory_space<hbm>>
        %dma_start3A_503 = arith.constant 0 : i32
        %dma_start3A_504 = arith.constant 0 : i32
        %dma_start3A_505 = tpu.memref_slice %arg18[%run_scoped3A_443, %dma_start3A_503, %dma_start3A_504] : memref<2x256x64xf32, #tpu.memory_space<vmem>> -> memref<1x256x64xf32, #tpu.memory_space<vmem>>
        %dma_start3A_506 = tpu.memref_squeeze %dma_start3A_505 : memref<1x256x64xf32, #tpu.memory_space<vmem>> -> memref<256x64xf32, #tpu.memory_space<vmem>>
        tpu.enqueue_dma source(%dma_start3A_506 : memref<256x64xf32, #tpu.memory_space<vmem>>) target(%dma_start3A_502 : memref<256x64xf32, #tpu.memory_space<hbm>>) target_semaphore(%run_scoped3A_496 : memref<!tpu.dma_semaphore, #tpu.memory_space<semaphore_mem>>)
        %dma_wait3A_507 = arith.constant 0 : i32
        %dma_wait3A_508 = arith.constant 0 : i32
        %dma_wait3A_509 = tpu.memref_slice %arg18[%run_scoped3A_443, %dma_wait3A_507, %dma_wait3A_508] : memref<2x256x64xf32, #tpu.memory_space<vmem>> -> memref<1x256x64xf32, #tpu.memory_space<vmem>>
        %dma_wait3A_510 = tpu.memref_squeeze %dma_wait3A_509 : memref<1x256x64xf32, #tpu.memory_space<vmem>> -> memref<256x64xf32, #tpu.memory_space<vmem>>
        %dma_wait3A_511 = tpu.memref_slice %arg12[%add3A_293, %mul3A_442] : memref<163840x128xf32, #tpu.memory_space<hbm>> -> memref<256x64xf32, #tpu.memory_space<hbm>>
        %dma_wait3A_512 = tpu.memref_slice %arg12[%add3A_293, %mul3A_442] : memref<163840x128xf32, #tpu.memory_space<hbm>> -> memref<256x64xf32, #tpu.memory_space<hbm>>
        %dma_wait3A_513 = arith.constant 0 : i32
        %dma_wait3A_514 = arith.constant 0 : i32
        %dma_wait3A_515 = tpu.memref_slice %arg18[%run_scoped3A_443, %dma_wait3A_513, %dma_wait3A_514] : memref<2x256x64xf32, #tpu.memory_space<vmem>> -> memref<1x256x64xf32, #tpu.memory_space<vmem>>
        %dma_wait3A_516 = tpu.memref_squeeze %dma_wait3A_515 : memref<1x256x64xf32, #tpu.memory_space<vmem>> -> memref<256x64xf32, #tpu.memory_space<vmem>>
        tpu.wait_dma2 semaphore(%run_scoped3A_496 : memref<!tpu.dma_semaphore, #tpu.memory_space<semaphore_mem>>) src(%dma_wait3A_516 : memref<256x64xf32, #tpu.memory_space<vmem>>) dst(%dma_wait3A_512 : memref<256x64xf32, #tpu.memory_space<hbm>>)
        tpu.yield
      }) : () -> ()
      %dma_wait3A_444 = arith.constant 0 : i32
      %dma_wait3A_445 = arith.constant 0 : i32
      %dma_wait3A_446 = arith.constant 0 : i32
      %dma_wait3A_447 = tpu.memref_slice %arg19[%dma_wait3A_445, %dma_wait3A_446] : memref<2x256xf32, #tpu.memory_space<vmem>> -> memref<1x256xf32, #tpu.memory_space<vmem>>
      %dma_wait3A_448 = tpu.memref_squeeze %dma_wait3A_447 : memref<1x256xf32, #tpu.memory_space<vmem>> -> memref<256xf32, #tpu.memory_space<vmem>>
      %dma_wait3A_449 = arith.constant 0 : i32
      %dma_wait3A_450 = tpu.memref_slice %arg16[%dma_wait3A_444, %dma_wait3A_449] : memref<2x256xi32, #tpu.memory_space<vmem>> -> memref<1x256xi32, #tpu.memory_space<vmem>>
      %dma_wait3A_451 = tpu.memref_squeeze %dma_wait3A_450 : memref<1x256xi32, #tpu.memory_space<vmem>> -> memref<256xi32, #tpu.memory_space<vmem>>
      %dma_wait3A_452 = arith.constant 0 : i32
      %dma_wait3A_453 = tpu.memref_slice %arg6[%dma_wait3A_452] : memref<100000xf32, #tpu.memory_space<hbm>> -> memref<100000xf32, #tpu.memory_space<hbm>>
      tpu.wait_indirect_dma semaphore(%arg22 : memref<!tpu.dma_semaphore, #tpu.memory_space<semaphore_mem>>) src(%dma_wait3A_453 : memref<100000xf32, #tpu.memory_space<hbm>>) dst(%dma_wait3A_448 : memref<256xf32, #tpu.memory_space<vmem>>)
      %run_scoped3A_454 = arith.constant 0 : i32
      "tpu.region"() ({
        %run_scoped3A_496 = tpu.sem_alloc : memref<!tpu.dma_semaphore, #tpu.memory_space<semaphore_mem>>
        %dma_start3A_497 = arith.constant 0 : i32
        %dma_start3A_498 = tpu.memref_slice %arg19[%run_scoped3A_454, %dma_start3A_497] : memref<2x256xf32, #tpu.memory_space<vmem>> -> memref<1x256xf32, #tpu.memory_space<vmem>>
        %dma_start3A_499 = tpu.memref_squeeze %dma_start3A_498 : memref<1x256xf32, #tpu.memory_space<vmem>> -> memref<256xf32, #tpu.memory_space<vmem>>
        %dma_start3A_500 = tpu.memref_slice %arg13[%add3A_274] : memref<327680xf32, #tpu.memory_space<hbm>> -> memref<256xf32, #tpu.memory_space<hbm>>
        %dma_start3A_501 = tpu.memref_slice %arg13[%add3A_274] : memref<327680xf32, #tpu.memory_space<hbm>> -> memref<256xf32, #tpu.memory_space<hbm>>
        %dma_start3A_502 = arith.constant 0 : i32
        %dma_start3A_503 = tpu.memref_slice %arg19[%run_scoped3A_454, %dma_start3A_502] : memref<2x256xf32, #tpu.memory_space<vmem>> -> memref<1x256xf32, #tpu.memory_space<vmem>>
        %dma_start3A_504 = tpu.memref_squeeze %dma_start3A_503 : memref<1x256xf32, #tpu.memory_space<vmem>> -> memref<256xf32, #tpu.memory_space<vmem>>
        tpu.enqueue_dma source(%dma_start3A_504 : memref<256xf32, #tpu.memory_space<vmem>>) target(%dma_start3A_501 : memref<256xf32, #tpu.memory_space<hbm>>) target_semaphore(%run_scoped3A_496 : memref<!tpu.dma_semaphore, #tpu.memory_space<semaphore_mem>>)
        %dma_wait3A_505 = arith.constant 0 : i32
        %dma_wait3A_506 = tpu.memref_slice %arg19[%run_scoped3A_454, %dma_wait3A_505] : memref<2x256xf32, #tpu.memory_space<vmem>> -> memref<1x256xf32, #tpu.memory_space<vmem>>
        %dma_wait3A_507 = tpu.memref_squeeze %dma_wait3A_506 : memref<1x256xf32, #tpu.memory_space<vmem>> -> memref<256xf32, #tpu.memory_space<vmem>>
        %dma_wait3A_508 = tpu.memref_slice %arg13[%add3A_274] : memref<327680xf32, #tpu.memory_space<hbm>> -> memref<256xf32, #tpu.memory_space<hbm>>
        %dma_wait3A_509 = tpu.memref_slice %arg13[%add3A_274] : memref<327680xf32, #tpu.memory_space<hbm>> -> memref<256xf32, #tpu.memory_space<hbm>>
        %dma_wait3A_510 = arith.constant 0 : i32
        %dma_wait3A_511 = tpu.memref_slice %arg19[%run_scoped3A_454, %dma_wait3A_510] : memref<2x256xf32, #tpu.memory_space<vmem>> -> memref<1x256xf32, #tpu.memory_space<vmem>>
        %dma_wait3A_512 = tpu.memref_squeeze %dma_wait3A_511 : memref<1x256xf32, #tpu.memory_space<vmem>> -> memref<256xf32, #tpu.memory_space<vmem>>
        tpu.wait_dma2 semaphore(%run_scoped3A_496 : memref<!tpu.dma_semaphore, #tpu.memory_space<semaphore_mem>>) src(%dma_wait3A_512 : memref<256xf32, #tpu.memory_space<vmem>>) dst(%dma_wait3A_509 : memref<256xf32, #tpu.memory_space<hbm>>)
        tpu.yield
      }) : () -> ()
      %dma_wait3A_455 = arith.constant 1 : i32
      %dma_wait3A_456 = arith.constant 1 : i32
      %dma_wait3A_457 = arith.constant 0 : i32
      %dma_wait3A_458 = arith.constant 0 : i32
      %dma_wait3A_459 = tpu.memref_slice %arg17[%dma_wait3A_456, %dma_wait3A_457, %dma_wait3A_458] : memref<2x256x64xf32, #tpu.memory_space<vmem>> -> memref<1x256x64xf32, #tpu.memory_space<vmem>>
      %dma_wait3A_460 = tpu.memref_squeeze %dma_wait3A_459 : memref<1x256x64xf32, #tpu.memory_space<vmem>> -> memref<256x64xf32, #tpu.memory_space<vmem>>
      %dma_wait3A_461 = arith.constant 0 : i32
      %dma_wait3A_462 = tpu.memref_slice %arg16[%dma_wait3A_455, %dma_wait3A_461] : memref<2x256xi32, #tpu.memory_space<vmem>> -> memref<1x256xi32, #tpu.memory_space<vmem>>
      %dma_wait3A_463 = tpu.memref_squeeze %dma_wait3A_462 : memref<1x256xi32, #tpu.memory_space<vmem>> -> memref<256xi32, #tpu.memory_space<vmem>>
      %dma_wait3A_464 = arith.constant 0 : i32
      %dma_wait3A_465 = arith.constant 0 : i32
      %dma_wait3A_466 = tpu.memref_slice %arg7[%dma_wait3A_464, %dma_wait3A_465] : memref<100000x64xf32, #tpu.memory_space<hbm>> -> memref<100000x64xf32, #tpu.memory_space<hbm>>
      tpu.wait_indirect_dma semaphore(%arg23 : memref<!tpu.dma_semaphore, #tpu.memory_space<semaphore_mem>>) src(%dma_wait3A_466 : memref<100000x64xf32, #tpu.memory_space<hbm>>) dst(%dma_wait3A_460 : memref<256x64xf32, #tpu.memory_space<vmem>>)
      %mul3A_467 = arith.constant 64 : i32
      %mul3A_468 = arith.muli %select_n3A_343, %mul3A_467 : i32
      %run_scoped3A_469 = arith.constant 1 : i32
      "tpu.region"() ({
        %run_scoped3A_496 = tpu.sem_alloc : memref<!tpu.dma_semaphore, #tpu.memory_space<semaphore_mem>>
        %dma_start3A_497 = arith.constant 0 : i32
        %dma_start3A_498 = arith.constant 0 : i32
        %dma_start3A_499 = tpu.memref_slice %arg17[%run_scoped3A_469, %dma_start3A_497, %dma_start3A_498] : memref<2x256x64xf32, #tpu.memory_space<vmem>> -> memref<1x256x64xf32, #tpu.memory_space<vmem>>
        %dma_start3A_500 = tpu.memref_squeeze %dma_start3A_499 : memref<1x256x64xf32, #tpu.memory_space<vmem>> -> memref<256x64xf32, #tpu.memory_space<vmem>>
        %dma_start3A_501 = tpu.memref_slice %arg11[%add3A_319, %mul3A_468] : memref<163840x128xf32, #tpu.memory_space<hbm>> -> memref<256x64xf32, #tpu.memory_space<hbm>>
        %dma_start3A_502 = tpu.memref_slice %arg11[%add3A_319, %mul3A_468] : memref<163840x128xf32, #tpu.memory_space<hbm>> -> memref<256x64xf32, #tpu.memory_space<hbm>>
        %dma_start3A_503 = arith.constant 0 : i32
        %dma_start3A_504 = arith.constant 0 : i32
        %dma_start3A_505 = tpu.memref_slice %arg17[%run_scoped3A_469, %dma_start3A_503, %dma_start3A_504] : memref<2x256x64xf32, #tpu.memory_space<vmem>> -> memref<1x256x64xf32, #tpu.memory_space<vmem>>
        %dma_start3A_506 = tpu.memref_squeeze %dma_start3A_505 : memref<1x256x64xf32, #tpu.memory_space<vmem>> -> memref<256x64xf32, #tpu.memory_space<vmem>>
        tpu.enqueue_dma source(%dma_start3A_506 : memref<256x64xf32, #tpu.memory_space<vmem>>) target(%dma_start3A_502 : memref<256x64xf32, #tpu.memory_space<hbm>>) target_semaphore(%run_scoped3A_496 : memref<!tpu.dma_semaphore, #tpu.memory_space<semaphore_mem>>)
        %dma_wait3A_507 = arith.constant 0 : i32
        %dma_wait3A_508 = arith.constant 0 : i32
        %dma_wait3A_509 = tpu.memref_slice %arg17[%run_scoped3A_469, %dma_wait3A_507, %dma_wait3A_508] : memref<2x256x64xf32, #tpu.memory_space<vmem>> -> memref<1x256x64xf32, #tpu.memory_space<vmem>>
        %dma_wait3A_510 = tpu.memref_squeeze %dma_wait3A_509 : memref<1x256x64xf32, #tpu.memory_space<vmem>> -> memref<256x64xf32, #tpu.memory_space<vmem>>
        %dma_wait3A_511 = tpu.memref_slice %arg11[%add3A_319, %mul3A_468] : memref<163840x128xf32, #tpu.memory_space<hbm>> -> memref<256x64xf32, #tpu.memory_space<hbm>>
        %dma_wait3A_512 = tpu.memref_slice %arg11[%add3A_319, %mul3A_468] : memref<163840x128xf32, #tpu.memory_space<hbm>> -> memref<256x64xf32, #tpu.memory_space<hbm>>
        %dma_wait3A_513 = arith.constant 0 : i32
        %dma_wait3A_514 = arith.constant 0 : i32
        %dma_wait3A_515 = tpu.memref_slice %arg17[%run_scoped3A_469, %dma_wait3A_513, %dma_wait3A_514] : memref<2x256x64xf32, #tpu.memory_space<vmem>> -> memref<1x256x64xf32, #tpu.memory_space<vmem>>
        %dma_wait3A_516 = tpu.memref_squeeze %dma_wait3A_515 : memref<1x256x64xf32, #tpu.memory_space<vmem>> -> memref<256x64xf32, #tpu.memory_space<vmem>>
        tpu.wait_dma2 semaphore(%run_scoped3A_496 : memref<!tpu.dma_semaphore, #tpu.memory_space<semaphore_mem>>) src(%dma_wait3A_516 : memref<256x64xf32, #tpu.memory_space<vmem>>) dst(%dma_wait3A_512 : memref<256x64xf32, #tpu.memory_space<hbm>>)
        tpu.yield
      }) : () -> ()
      %dma_wait3A_470 = arith.constant 1 : i32
      %dma_wait3A_471 = arith.constant 1 : i32
      %dma_wait3A_472 = arith.constant 0 : i32
      %dma_wait3A_473 = arith.constant 0 : i32
      %dma_wait3A_474 = tpu.memref_slice %arg18[%dma_wait3A_471, %dma_wait3A_472, %dma_wait3A_473] : memref<2x256x64xf32, #tpu.memory_space<vmem>> -> memref<1x256x64xf32, #tpu.memory_space<vmem>>
      %dma_wait3A_475 = tpu.memref_squeeze %dma_wait3A_474 : memref<1x256x64xf32, #tpu.memory_space<vmem>> -> memref<256x64xf32, #tpu.memory_space<vmem>>
      %dma_wait3A_476 = arith.constant 0 : i32
      %dma_wait3A_477 = tpu.memref_slice %arg16[%dma_wait3A_470, %dma_wait3A_476] : memref<2x256xi32, #tpu.memory_space<vmem>> -> memref<1x256xi32, #tpu.memory_space<vmem>>
      %dma_wait3A_478 = tpu.memref_squeeze %dma_wait3A_477 : memref<1x256xi32, #tpu.memory_space<vmem>> -> memref<256xi32, #tpu.memory_space<vmem>>
      %dma_wait3A_479 = arith.constant 0 : i32
      %dma_wait3A_480 = arith.constant 0 : i32
      %dma_wait3A_481 = tpu.memref_slice %arg5[%dma_wait3A_479, %dma_wait3A_480] : memref<100000x64xf32, #tpu.memory_space<hbm>> -> memref<100000x64xf32, #tpu.memory_space<hbm>>
      tpu.wait_indirect_dma semaphore(%arg24 : memref<!tpu.dma_semaphore, #tpu.memory_space<semaphore_mem>>) src(%dma_wait3A_481 : memref<100000x64xf32, #tpu.memory_space<hbm>>) dst(%dma_wait3A_475 : memref<256x64xf32, #tpu.memory_space<vmem>>)
      %mul3A_482 = arith.constant 64 : i32
      %mul3A_483 = arith.muli %select_n3A_343, %mul3A_482 : i32
      %run_scoped3A_484 = arith.constant 1 : i32
      "tpu.region"() ({
        %run_scoped3A_496 = tpu.sem_alloc : memref<!tpu.dma_semaphore, #tpu.memory_space<semaphore_mem>>
        %dma_start3A_497 = arith.constant 0 : i32
        %dma_start3A_498 = arith.constant 0 : i32
        %dma_start3A_499 = tpu.memref_slice %arg18[%run_scoped3A_484, %dma_start3A_497, %dma_start3A_498] : memref<2x256x64xf32, #tpu.memory_space<vmem>> -> memref<1x256x64xf32, #tpu.memory_space<vmem>>
        %dma_start3A_500 = tpu.memref_squeeze %dma_start3A_499 : memref<1x256x64xf32, #tpu.memory_space<vmem>> -> memref<256x64xf32, #tpu.memory_space<vmem>>
        %dma_start3A_501 = tpu.memref_slice %arg12[%add3A_319, %mul3A_483] : memref<163840x128xf32, #tpu.memory_space<hbm>> -> memref<256x64xf32, #tpu.memory_space<hbm>>
        %dma_start3A_502 = tpu.memref_slice %arg12[%add3A_319, %mul3A_483] : memref<163840x128xf32, #tpu.memory_space<hbm>> -> memref<256x64xf32, #tpu.memory_space<hbm>>
        %dma_start3A_503 = arith.constant 0 : i32
        %dma_start3A_504 = arith.constant 0 : i32
        %dma_start3A_505 = tpu.memref_slice %arg18[%run_scoped3A_484, %dma_start3A_503, %dma_start3A_504] : memref<2x256x64xf32, #tpu.memory_space<vmem>> -> memref<1x256x64xf32, #tpu.memory_space<vmem>>
        %dma_start3A_506 = tpu.memref_squeeze %dma_start3A_505 : memref<1x256x64xf32, #tpu.memory_space<vmem>> -> memref<256x64xf32, #tpu.memory_space<vmem>>
        tpu.enqueue_dma source(%dma_start3A_506 : memref<256x64xf32, #tpu.memory_space<vmem>>) target(%dma_start3A_502 : memref<256x64xf32, #tpu.memory_space<hbm>>) target_semaphore(%run_scoped3A_496 : memref<!tpu.dma_semaphore, #tpu.memory_space<semaphore_mem>>)
        %dma_wait3A_507 = arith.constant 0 : i32
        %dma_wait3A_508 = arith.constant 0 : i32
        %dma_wait3A_509 = tpu.memref_slice %arg18[%run_scoped3A_484, %dma_wait3A_507, %dma_wait3A_508] : memref<2x256x64xf32, #tpu.memory_space<vmem>> -> memref<1x256x64xf32, #tpu.memory_space<vmem>>
        %dma_wait3A_510 = tpu.memref_squeeze %dma_wait3A_509 : memref<1x256x64xf32, #tpu.memory_space<vmem>> -> memref<256x64xf32, #tpu.memory_space<vmem>>
        %dma_wait3A_511 = tpu.memref_slice %arg12[%add3A_319, %mul3A_483] : memref<163840x128xf32, #tpu.memory_space<hbm>> -> memref<256x64xf32, #tpu.memory_space<hbm>>
        %dma_wait3A_512 = tpu.memref_slice %arg12[%add3A_319, %mul3A_483] : memref<163840x128xf32, #tpu.memory_space<hbm>> -> memref<256x64xf32, #tpu.memory_space<hbm>>
        %dma_wait3A_513 = arith.constant 0 : i32
        %dma_wait3A_514 = arith.constant 0 : i32
        %dma_wait3A_515 = tpu.memref_slice %arg18[%run_scoped3A_484, %dma_wait3A_513, %dma_wait3A_514] : memref<2x256x64xf32, #tpu.memory_space<vmem>> -> memref<1x256x64xf32, #tpu.memory_space<vmem>>
        %dma_wait3A_516 = tpu.memref_squeeze %dma_wait3A_515 : memref<1x256x64xf32, #tpu.memory_space<vmem>> -> memref<256x64xf32, #tpu.memory_space<vmem>>
        tpu.wait_dma2 semaphore(%run_scoped3A_496 : memref<!tpu.dma_semaphore, #tpu.memory_space<semaphore_mem>>) src(%dma_wait3A_516 : memref<256x64xf32, #tpu.memory_space<vmem>>) dst(%dma_wait3A_512 : memref<256x64xf32, #tpu.memory_space<hbm>>)
        tpu.yield
      }) : () -> ()
      %dma_wait3A_485 = arith.constant 1 : i32
      %dma_wait3A_486 = arith.constant 1 : i32
      %dma_wait3A_487 = arith.constant 0 : i32
      %dma_wait3A_488 = tpu.memref_slice %arg19[%dma_wait3A_486, %dma_wait3A_487] : memref<2x256xf32, #tpu.memory_space<vmem>> -> memref<1x256xf32, #tpu.memory_space<vmem>>
      %dma_wait3A_489 = tpu.memref_squeeze %dma_wait3A_488 : memref<1x256xf32, #tpu.memory_space<vmem>> -> memref<256xf32, #tpu.memory_space<vmem>>
      %dma_wait3A_490 = arith.constant 0 : i32
      %dma_wait3A_491 = tpu.memref_slice %arg16[%dma_wait3A_485, %dma_wait3A_490] : memref<2x256xi32, #tpu.memory_space<vmem>> -> memref<1x256xi32, #tpu.memory_space<vmem>>
      %dma_wait3A_492 = tpu.memref_squeeze %dma_wait3A_491 : memref<1x256xi32, #tpu.memory_space<vmem>> -> memref<256xi32, #tpu.memory_space<vmem>>
      %dma_wait3A_493 = arith.constant 0 : i32
      %dma_wait3A_494 = tpu.memref_slice %arg6[%dma_wait3A_493] : memref<100000xf32, #tpu.memory_space<hbm>> -> memref<100000xf32, #tpu.memory_space<hbm>>
      tpu.wait_indirect_dma semaphore(%arg25 : memref<!tpu.dma_semaphore, #tpu.memory_space<semaphore_mem>>) src(%dma_wait3A_494 : memref<100000xf32, #tpu.memory_space<hbm>>) dst(%dma_wait3A_489 : memref<256xf32, #tpu.memory_space<vmem>>)
      %run_scoped3A_495 = arith.constant 1 : i32
      "tpu.region"() ({
        %run_scoped3A_496 = tpu.sem_alloc : memref<!tpu.dma_semaphore, #tpu.memory_space<semaphore_mem>>
        %dma_start3A_497 = arith.constant 0 : i32
        %dma_start3A_498 = tpu.memref_slice %arg19[%run_scoped3A_495, %dma_start3A_497] : memref<2x256xf32, #tpu.memory_space<vmem>> -> memref<1x256xf32, #tpu.memory_space<vmem>>
        %dma_start3A_499 = tpu.memref_squeeze %dma_start3A_498 : memref<1x256xf32, #tpu.memory_space<vmem>> -> memref<256xf32, #tpu.memory_space<vmem>>
        %dma_start3A_500 = tpu.memref_slice %arg13[%add3A_298] : memref<327680xf32, #tpu.memory_space<hbm>> -> memref<256xf32, #tpu.memory_space<hbm>>
        %dma_start3A_501 = tpu.memref_slice %arg13[%add3A_298] : memref<327680xf32, #tpu.memory_space<hbm>> -> memref<256xf32, #tpu.memory_space<hbm>>
        %dma_start3A_502 = arith.constant 0 : i32
        %dma_start3A_503 = tpu.memref_slice %arg19[%run_scoped3A_495, %dma_start3A_502] : memref<2x256xf32, #tpu.memory_space<vmem>> -> memref<1x256xf32, #tpu.memory_space<vmem>>
        %dma_start3A_504 = tpu.memref_squeeze %dma_start3A_503 : memref<1x256xf32, #tpu.memory_space<vmem>> -> memref<256xf32, #tpu.memory_space<vmem>>
        tpu.enqueue_dma source(%dma_start3A_504 : memref<256xf32, #tpu.memory_space<vmem>>) target(%dma_start3A_501 : memref<256xf32, #tpu.memory_space<hbm>>) target_semaphore(%run_scoped3A_496 : memref<!tpu.dma_semaphore, #tpu.memory_space<semaphore_mem>>)
        %dma_wait3A_505 = arith.constant 0 : i32
        %dma_wait3A_506 = tpu.memref_slice %arg19[%run_scoped3A_495, %dma_wait3A_505] : memref<2x256xf32, #tpu.memory_space<vmem>> -> memref<1x256xf32, #tpu.memory_space<vmem>>
        %dma_wait3A_507 = tpu.memref_squeeze %dma_wait3A_506 : memref<1x256xf32, #tpu.memory_space<vmem>> -> memref<256xf32, #tpu.memory_space<vmem>>
        %dma_wait3A_508 = tpu.memref_slice %arg13[%add3A_298] : memref<327680xf32, #tpu.memory_space<hbm>> -> memref<256xf32, #tpu.memory_space<hbm>>
        %dma_wait3A_509 = tpu.memref_slice %arg13[%add3A_298] : memref<327680xf32, #tpu.memory_space<hbm>> -> memref<256xf32, #tpu.memory_space<hbm>>
        %dma_wait3A_510 = arith.constant 0 : i32
        %dma_wait3A_511 = tpu.memref_slice %arg19[%run_scoped3A_495, %dma_wait3A_510] : memref<2x256xf32, #tpu.memory_space<vmem>> -> memref<1x256xf32, #tpu.memory_space<vmem>>
        %dma_wait3A_512 = tpu.memref_squeeze %dma_wait3A_511 : memref<1x256xf32, #tpu.memory_space<vmem>> -> memref<256xf32, #tpu.memory_space<vmem>>
        tpu.wait_dma2 semaphore(%run_scoped3A_496 : memref<!tpu.dma_semaphore, #tpu.memory_space<semaphore_mem>>) src(%dma_wait3A_512 : memref<256xf32, #tpu.memory_space<vmem>>) dst(%dma_wait3A_509 : memref<256xf32, #tpu.memory_space<hbm>>)
        tpu.yield
      }) : () -> ()
    }
    %scan3A_216 = arith.constant 20 : i32
    %scan3A_217 = arith.constant 0 : i32
    %scan3A_218 = arith.constant 20 : i32
    %scan3A_219 = arith.addi %scan3A_217, %scan3A_218 : i32
    %scan3A_220 = arith.constant 1 : i32
    scf.for %scan3A_222 = %scan3A_217 to %scan3A_219 step %scan3A_220  : i32 {
      %mul3A_223 = arith.constant 1 : i32
      %mul3A_224 = arith.muli %scan3A_222, %mul3A_223 : i32
      %add3A_225 = arith.constant 0 : i32
      %add3A_226 = arith.addi %add3A_225, %mul3A_224 : i32
      %jit3A_227 = arith.constant 1 : i32
      %div3A_228 = arith.divsi %add3A_226, %jit3A_227 : i32
      %sign3A_229 = arith.constant 0 : i32
      %sign3A_230 = arith.cmpi sgt, %add3A_226, %sign3A_229 : i32
      %sign3A_231 = arith.extui %sign3A_230 : i1 to i32
      %sign3A_232 = arith.constant 0 : i32
      %sign3A_233 = arith.cmpi slt, %add3A_226, %sign3A_232 : i32
      %sign3A_234 = arith.extui %sign3A_233 : i1 to i32
      %sign3A_235 = arith.subi %sign3A_231, %sign3A_234 : i32
      %sign3A_236 = arith.constant 0 : i32
      %sign3A_237 = arith.cmpi sgt, %jit3A_227, %sign3A_236 : i32
      %sign3A_238 = arith.extui %sign3A_237 : i1 to i32
      %sign3A_239 = arith.constant 0 : i32
      %sign3A_240 = arith.cmpi slt, %jit3A_227, %sign3A_239 : i32
      %sign3A_241 = arith.extui %sign3A_240 : i1 to i32
      %sign3A_242 = arith.subi %sign3A_238, %sign3A_241 : i32
      %ne3A_243 = arith.cmpi ne, %sign3A_235, %sign3A_242 : i32
      %rem3A_244 = arith.remsi %add3A_226, %jit3A_227 : i32
      %ne3A_245 = arith.constant 0 : i32
      %ne3A_246 = arith.cmpi ne, %rem3A_244, %ne3A_245 : i32
      %and3A_247 = arith.andi %ne3A_243, %ne3A_246 : i1
      %sub3A_248 = arith.constant 1 : i32
      %sub3A_249 = arith.subi %div3A_228, %sub3A_248 : i32
      %select_n3A_250 = arith.select %and3A_247, %sub3A_249, %div3A_228 : i32
      %jit3A_251 = arith.constant 1 : i32
      %eq3A_252 = arith.constant 0 : i32
      %eq3A_253 = arith.cmpi eq, %jit3A_251, %eq3A_252 : i32
      %jit3A_254 = arith.constant 1 : i32
      %select_n3A_255 = arith.select %eq3A_253, %jit3A_254, %jit3A_251 : i32
      %rem3A_256 = arith.remsi %add3A_226, %select_n3A_255 : i32
      %ne3A_257 = arith.constant 0 : i32
      %ne3A_258 = arith.cmpi ne, %rem3A_256, %ne3A_257 : i32
      %lt3A_259 = arith.constant 0 : i32
      %lt3A_260 = arith.cmpi slt, %rem3A_256, %lt3A_259 : i32
      %lt3A_261 = arith.constant 0 : i32
      %lt3A_262 = arith.cmpi slt, %select_n3A_255, %lt3A_261 : i32
      %ne3A_263 = arith.xori %lt3A_260, %lt3A_262 : i1
      %and3A_264 = arith.andi %ne3A_263, %ne3A_258 : i1
      %add3A_265 = arith.addi %rem3A_256, %select_n3A_255 : i32
      %select_n3A_266 = arith.select %and3A_264, %add3A_265, %rem3A_256 : i32
      %mul3A_267 = arith.constant 2 : i32
      %mul3A_268 = arith.muli %mul3A_267, %select_n3A_266 : i32
      %mul3A_269 = arith.constant 256 : i32
      %mul3A_270 = arith.muli %mul3A_268, %mul3A_269 : i32
      %add3A_271 = arith.addi %mul3A_2, %mul3A_270 : i32
      %mul3A_272 = arith.constant 16384 : i32
      %mul3A_273 = arith.muli %select_n3A_250, %mul3A_272 : i32
      %add3A_274 = arith.addi %mul3A_273, %add3A_271 : i32
      %mul3A_275 = arith.constant 8192 : i32
      %mul3A_276 = arith.muli %select_n3A_250, %mul3A_275 : i32
      %jit3A_277 = arith.constant 8192 : i32
      %eq3A_278 = arith.constant 0 : i32
      %eq3A_279 = arith.cmpi eq, %jit3A_277, %eq3A_278 : i32
      %jit3A_280 = arith.constant 1 : i32
      %select_n3A_281 = arith.select %eq3A_279, %jit3A_280, %jit3A_277 : i32
      %rem3A_282 = arith.remsi %add3A_271, %select_n3A_281 : i32
      %ne3A_283 = arith.constant 0 : i32
      %ne3A_284 = arith.cmpi ne, %rem3A_282, %ne3A_283 : i32
      %lt3A_285 = arith.constant 0 : i32
      %lt3A_286 = arith.cmpi slt, %rem3A_282, %lt3A_285 : i32
      %lt3A_287 = arith.constant 0 : i32
      %lt3A_288 = arith.cmpi slt, %select_n3A_281, %lt3A_287 : i32
      %ne3A_289 = arith.xori %lt3A_286, %lt3A_288 : i1
      %and3A_290 = arith.andi %ne3A_289, %ne3A_284 : i1
      %add3A_291 = arith.addi %rem3A_282, %select_n3A_281 : i32
      %select_n3A_292 = arith.select %and3A_290, %add3A_291, %rem3A_282 : i32
      %add3A_293 = arith.addi %mul3A_276, %select_n3A_292 : i32
      %mul3A_294 = arith.constant 16384 : i32
      %mul3A_295 = arith.muli %select_n3A_250, %mul3A_294 : i32
      %add3A_296 = arith.addi %mul3A_295, %add3A_271 : i32
      %add3A_297 = arith.constant 256 : i32
      %add3A_298 = arith.addi %add3A_296, %add3A_297 : i32
      %mul3A_299 = arith.constant 8192 : i32
      %mul3A_300 = arith.muli %select_n3A_250, %mul3A_299 : i32
      %jit3A_301 = arith.constant 8192 : i32
      %eq3A_302 = arith.constant 0 : i32
      %eq3A_303 = arith.cmpi eq, %jit3A_301, %eq3A_302 : i32
      %jit3A_304 = arith.constant 1 : i32
      %select_n3A_305 = arith.select %eq3A_303, %jit3A_304, %jit3A_301 : i32
      %rem3A_306 = arith.remsi %add3A_271, %select_n3A_305 : i32
      %ne3A_307 = arith.constant 0 : i32
      %ne3A_308 = arith.cmpi ne, %rem3A_306, %ne3A_307 : i32
      %lt3A_309 = arith.constant 0 : i32
      %lt3A_310 = arith.cmpi slt, %rem3A_306, %lt3A_309 : i32
      %lt3A_311 = arith.constant 0 : i32
      %lt3A_312 = arith.cmpi slt, %select_n3A_305, %lt3A_311 : i32
      %ne3A_313 = arith.xori %lt3A_310, %lt3A_312 : i1
      %and3A_314 = arith.andi %ne3A_313, %ne3A_308 : i1
      %add3A_315 = arith.addi %rem3A_306, %select_n3A_305 : i32
      %select_n3A_316 = arith.select %and3A_314, %add3A_315, %rem3A_306 : i32
      %add3A_317 = arith.addi %mul3A_300, %select_n3A_316 : i32
      %add3A_318 = arith.constant 256 : i32
      %add3A_319 = arith.addi %add3A_317, %add3A_318 : i32
      %jit3A_320 = arith.constant 8192 : i32
      %div3A_321 = arith.divsi %add3A_271, %jit3A_320 : i32
      %sign3A_322 = arith.constant 0 : i32
      %sign3A_323 = arith.cmpi sgt, %add3A_271, %sign3A_322 : i32
      %sign3A_324 = arith.extui %sign3A_323 : i1 to i32
      %sign3A_325 = arith.constant 0 : i32
      %sign3A_326 = arith.cmpi slt, %add3A_271, %sign3A_325 : i32
      %sign3A_327 = arith.extui %sign3A_326 : i1 to i32
      %sign3A_328 = arith.subi %sign3A_324, %sign3A_327 : i32
      %sign3A_329 = arith.constant 0 : i32
      %sign3A_330 = arith.cmpi sgt, %jit3A_320, %sign3A_329 : i32
      %sign3A_331 = arith.extui %sign3A_330 : i1 to i32
      %sign3A_332 = arith.constant 0 : i32
      %sign3A_333 = arith.cmpi slt, %jit3A_320, %sign3A_332 : i32
      %sign3A_334 = arith.extui %sign3A_333 : i1 to i32
      %sign3A_335 = arith.subi %sign3A_331, %sign3A_334 : i32
      %ne3A_336 = arith.cmpi ne, %sign3A_328, %sign3A_335 : i32
      %rem3A_337 = arith.remsi %add3A_271, %jit3A_320 : i32
      %ne3A_338 = arith.constant 0 : i32
      %ne3A_339 = arith.cmpi ne, %rem3A_337, %ne3A_338 : i32
      %and3A_340 = arith.andi %ne3A_336, %ne3A_339 : i1
      %sub3A_341 = arith.constant 1 : i32
      %sub3A_342 = arith.subi %div3A_321, %sub3A_341 : i32
      %select_n3A_343 = arith.select %and3A_340, %sub3A_342, %div3A_321 : i32
      %run_scoped3A_344 = arith.constant 0 : i32
      "tpu.region"() ({
        %run_scoped3A_442 = tpu.sem_alloc : memref<!tpu.dma_semaphore, #tpu.memory_space<semaphore_mem>>
        %dma_start3A_443 = arith.constant 0 : i32
        %dma_start3A_444 = tpu.memref_slice %arg16[%run_scoped3A_344, %dma_start3A_443] : memref<2x256xi32, #tpu.memory_space<vmem>> -> memref<1x256xi32, #tpu.memory_space<vmem>>
        %dma_start3A_445 = tpu.memref_squeeze %dma_start3A_444 : memref<1x256xi32, #tpu.memory_space<vmem>> -> memref<256xi32, #tpu.memory_space<vmem>>
        %dma_start3A_446 = tpu.memref_slice %arg4[%add3A_274] : memref<327680xi32, #tpu.memory_space<hbm>> -> memref<256xi32, #tpu.memory_space<hbm>>
        %dma_start3A_447 = arith.constant 0 : i32
        %dma_start3A_448 = tpu.memref_slice %arg16[%run_scoped3A_344, %dma_start3A_447] : memref<2x256xi32, #tpu.memory_space<vmem>> -> memref<1x256xi32, #tpu.memory_space<vmem>>
        %dma_start3A_449 = tpu.memref_squeeze %dma_start3A_448 : memref<1x256xi32, #tpu.memory_space<vmem>> -> memref<256xi32, #tpu.memory_space<vmem>>
        %dma_start3A_450 = tpu.memref_slice %arg4[%add3A_274] : memref<327680xi32, #tpu.memory_space<hbm>> -> memref<256xi32, #tpu.memory_space<hbm>>
        tpu.enqueue_dma source(%dma_start3A_450 : memref<256xi32, #tpu.memory_space<hbm>>) target(%dma_start3A_449 : memref<256xi32, #tpu.memory_space<vmem>>) target_semaphore(%run_scoped3A_442 : memref<!tpu.dma_semaphore, #tpu.memory_space<semaphore_mem>>)
        %dma_wait3A_451 = arith.constant 0 : i32
        %dma_wait3A_452 = tpu.memref_slice %arg16[%run_scoped3A_344, %dma_wait3A_451] : memref<2x256xi32, #tpu.memory_space<vmem>> -> memref<1x256xi32, #tpu.memory_space<vmem>>
        %dma_wait3A_453 = tpu.memref_squeeze %dma_wait3A_452 : memref<1x256xi32, #tpu.memory_space<vmem>> -> memref<256xi32, #tpu.memory_space<vmem>>
        %dma_wait3A_454 = tpu.memref_slice %arg4[%add3A_274] : memref<327680xi32, #tpu.memory_space<hbm>> -> memref<256xi32, #tpu.memory_space<hbm>>
        %dma_wait3A_455 = arith.constant 0 : i32
        %dma_wait3A_456 = tpu.memref_slice %arg16[%run_scoped3A_344, %dma_wait3A_455] : memref<2x256xi32, #tpu.memory_space<vmem>> -> memref<1x256xi32, #tpu.memory_space<vmem>>
        %dma_wait3A_457 = tpu.memref_squeeze %dma_wait3A_456 : memref<1x256xi32, #tpu.memory_space<vmem>> -> memref<256xi32, #tpu.memory_space<vmem>>
        %dma_wait3A_458 = tpu.memref_slice %arg4[%add3A_274] : memref<327680xi32, #tpu.memory_space<hbm>> -> memref<256xi32, #tpu.memory_space<hbm>>
        tpu.wait_dma2 semaphore(%run_scoped3A_442 : memref<!tpu.dma_semaphore, #tpu.memory_space<semaphore_mem>>) src(%dma_wait3A_458 : memref<256xi32, #tpu.memory_space<hbm>>) dst(%dma_wait3A_457 : memref<256xi32, #tpu.memory_space<vmem>>)
        tpu.yield
      }) : () -> ()
      %dma_start3A_345 = arith.constant 0 : i32
      %dma_start3A_346 = arith.constant 0 : i32
      %dma_start3A_347 = arith.constant 0 : i32
      %dma_start3A_348 = arith.constant 0 : i32
      %dma_start3A_349 = tpu.memref_slice %arg18[%dma_start3A_346, %dma_start3A_347, %dma_start3A_348] : memref<2x256x64xf32, #tpu.memory_space<vmem>> -> memref<1x256x64xf32, #tpu.memory_space<vmem>>
      %dma_start3A_350 = tpu.memref_squeeze %dma_start3A_349 : memref<1x256x64xf32, #tpu.memory_space<vmem>> -> memref<256x64xf32, #tpu.memory_space<vmem>>
      %dma_start3A_351 = arith.constant 0 : i32
      %dma_start3A_352 = tpu.memref_slice %arg16[%dma_start3A_345, %dma_start3A_351] : memref<2x256xi32, #tpu.memory_space<vmem>> -> memref<1x256xi32, #tpu.memory_space<vmem>>
      %dma_start3A_353 = tpu.memref_squeeze %dma_start3A_352 : memref<1x256xi32, #tpu.memory_space<vmem>> -> memref<256xi32, #tpu.memory_space<vmem>>
      %dma_start3A_354 = arith.constant 0 : i32
      %dma_start3A_355 = arith.constant 0 : i32
      %dma_start3A_356 = tpu.memref_slice %arg5[%dma_start3A_354, %dma_start3A_355] : memref<100000x64xf32, #tpu.memory_space<hbm>> -> memref<100000x64xf32, #tpu.memory_space<hbm>>
      tpu.enqueue_indirect_dma source(%dma_start3A_356 : memref<100000x64xf32, #tpu.memory_space<hbm>>) target(%dma_start3A_350 : memref<256x64xf32, #tpu.memory_space<vmem>>) offsets(%dma_start3A_353 : memref<256xi32, #tpu.memory_space<vmem>>) semaphore(%arg21 : memref<!tpu.dma_semaphore, #tpu.memory_space<semaphore_mem>>)
      %dma_start3A_357 = arith.constant 0 : i32
      %dma_start3A_358 = arith.constant 0 : i32
      %dma_start3A_359 = arith.constant 0 : i32
      %dma_start3A_360 = tpu.memref_slice %arg19[%dma_start3A_358, %dma_start3A_359] : memref<2x256xf32, #tpu.memory_space<vmem>> -> memref<1x256xf32, #tpu.memory_space<vmem>>
      %dma_start3A_361 = tpu.memref_squeeze %dma_start3A_360 : memref<1x256xf32, #tpu.memory_space<vmem>> -> memref<256xf32, #tpu.memory_space<vmem>>
      %dma_start3A_362 = arith.constant 0 : i32
      %dma_start3A_363 = tpu.memref_slice %arg16[%dma_start3A_357, %dma_start3A_362] : memref<2x256xi32, #tpu.memory_space<vmem>> -> memref<1x256xi32, #tpu.memory_space<vmem>>
      %dma_start3A_364 = tpu.memref_squeeze %dma_start3A_363 : memref<1x256xi32, #tpu.memory_space<vmem>> -> memref<256xi32, #tpu.memory_space<vmem>>
      %dma_start3A_365 = arith.constant 0 : i32
      %dma_start3A_366 = tpu.memref_slice %arg6[%dma_start3A_365] : memref<100000xf32, #tpu.memory_space<hbm>> -> memref<100000xf32, #tpu.memory_space<hbm>>
      tpu.enqueue_indirect_dma source(%dma_start3A_366 : memref<100000xf32, #tpu.memory_space<hbm>>) target(%dma_start3A_361 : memref<256xf32, #tpu.memory_space<vmem>>) offsets(%dma_start3A_364 : memref<256xi32, #tpu.memory_space<vmem>>) semaphore(%arg22 : memref<!tpu.dma_semaphore, #tpu.memory_space<semaphore_mem>>)
      %run_scoped3A_367 = arith.constant 1 : i32
      "tpu.region"() ({
        %run_scoped3A_442 = tpu.sem_alloc : memref<!tpu.dma_semaphore, #tpu.memory_space<semaphore_mem>>
        %dma_start3A_443 = arith.constant 0 : i32
        %dma_start3A_444 = tpu.memref_slice %arg16[%run_scoped3A_367, %dma_start3A_443] : memref<2x256xi32, #tpu.memory_space<vmem>> -> memref<1x256xi32, #tpu.memory_space<vmem>>
        %dma_start3A_445 = tpu.memref_squeeze %dma_start3A_444 : memref<1x256xi32, #tpu.memory_space<vmem>> -> memref<256xi32, #tpu.memory_space<vmem>>
        %dma_start3A_446 = tpu.memref_slice %arg4[%add3A_298] : memref<327680xi32, #tpu.memory_space<hbm>> -> memref<256xi32, #tpu.memory_space<hbm>>
        %dma_start3A_447 = arith.constant 0 : i32
        %dma_start3A_448 = tpu.memref_slice %arg16[%run_scoped3A_367, %dma_start3A_447] : memref<2x256xi32, #tpu.memory_space<vmem>> -> memref<1x256xi32, #tpu.memory_space<vmem>>
        %dma_start3A_449 = tpu.memref_squeeze %dma_start3A_448 : memref<1x256xi32, #tpu.memory_space<vmem>> -> memref<256xi32, #tpu.memory_space<vmem>>
        %dma_start3A_450 = tpu.memref_slice %arg4[%add3A_298] : memref<327680xi32, #tpu.memory_space<hbm>> -> memref<256xi32, #tpu.memory_space<hbm>>
        tpu.enqueue_dma source(%dma_start3A_450 : memref<256xi32, #tpu.memory_space<hbm>>) target(%dma_start3A_449 : memref<256xi32, #tpu.memory_space<vmem>>) target_semaphore(%run_scoped3A_442 : memref<!tpu.dma_semaphore, #tpu.memory_space<semaphore_mem>>)
        %dma_wait3A_451 = arith.constant 0 : i32
        %dma_wait3A_452 = tpu.memref_slice %arg16[%run_scoped3A_367, %dma_wait3A_451] : memref<2x256xi32, #tpu.memory_space<vmem>> -> memref<1x256xi32, #tpu.memory_space<vmem>>
        %dma_wait3A_453 = tpu.memref_squeeze %dma_wait3A_452 : memref<1x256xi32, #tpu.memory_space<vmem>> -> memref<256xi32, #tpu.memory_space<vmem>>
        %dma_wait3A_454 = tpu.memref_slice %arg4[%add3A_298] : memref<327680xi32, #tpu.memory_space<hbm>> -> memref<256xi32, #tpu.memory_space<hbm>>
        %dma_wait3A_455 = arith.constant 0 : i32
        %dma_wait3A_456 = tpu.memref_slice %arg16[%run_scoped3A_367, %dma_wait3A_455] : memref<2x256xi32, #tpu.memory_space<vmem>> -> memref<1x256xi32, #tpu.memory_space<vmem>>
        %dma_wait3A_457 = tpu.memref_squeeze %dma_wait3A_456 : memref<1x256xi32, #tpu.memory_space<vmem>> -> memref<256xi32, #tpu.memory_space<vmem>>
        %dma_wait3A_458 = tpu.memref_slice %arg4[%add3A_298] : memref<327680xi32, #tpu.memory_space<hbm>> -> memref<256xi32, #tpu.memory_space<hbm>>
        tpu.wait_dma2 semaphore(%run_scoped3A_442 : memref<!tpu.dma_semaphore, #tpu.memory_space<semaphore_mem>>) src(%dma_wait3A_458 : memref<256xi32, #tpu.memory_space<hbm>>) dst(%dma_wait3A_457 : memref<256xi32, #tpu.memory_space<vmem>>)
        tpu.yield
      }) : () -> ()
      %dma_start3A_368 = arith.constant 1 : i32
      %dma_start3A_369 = arith.constant 1 : i32
      %dma_start3A_370 = arith.constant 0 : i32
      %dma_start3A_371 = arith.constant 0 : i32
      %dma_start3A_372 = tpu.memref_slice %arg18[%dma_start3A_369, %dma_start3A_370, %dma_start3A_371] : memref<2x256x64xf32, #tpu.memory_space<vmem>> -> memref<1x256x64xf32, #tpu.memory_space<vmem>>
      %dma_start3A_373 = tpu.memref_squeeze %dma_start3A_372 : memref<1x256x64xf32, #tpu.memory_space<vmem>> -> memref<256x64xf32, #tpu.memory_space<vmem>>
      %dma_start3A_374 = arith.constant 0 : i32
      %dma_start3A_375 = tpu.memref_slice %arg16[%dma_start3A_368, %dma_start3A_374] : memref<2x256xi32, #tpu.memory_space<vmem>> -> memref<1x256xi32, #tpu.memory_space<vmem>>
      %dma_start3A_376 = tpu.memref_squeeze %dma_start3A_375 : memref<1x256xi32, #tpu.memory_space<vmem>> -> memref<256xi32, #tpu.memory_space<vmem>>
      %dma_start3A_377 = arith.constant 0 : i32
      %dma_start3A_378 = arith.constant 0 : i32
      %dma_start3A_379 = tpu.memref_slice %arg5[%dma_start3A_377, %dma_start3A_378] : memref<100000x64xf32, #tpu.memory_space<hbm>> -> memref<100000x64xf32, #tpu.memory_space<hbm>>
      tpu.enqueue_indirect_dma source(%dma_start3A_379 : memref<100000x64xf32, #tpu.memory_space<hbm>>) target(%dma_start3A_373 : memref<256x64xf32, #tpu.memory_space<vmem>>) offsets(%dma_start3A_376 : memref<256xi32, #tpu.memory_space<vmem>>) semaphore(%arg24 : memref<!tpu.dma_semaphore, #tpu.memory_space<semaphore_mem>>)
      %dma_start3A_380 = arith.constant 1 : i32
      %dma_start3A_381 = arith.constant 1 : i32
      %dma_start3A_382 = arith.constant 0 : i32
      %dma_start3A_383 = tpu.memref_slice %arg19[%dma_start3A_381, %dma_start3A_382] : memref<2x256xf32, #tpu.memory_space<vmem>> -> memref<1x256xf32, #tpu.memory_space<vmem>>
      %dma_start3A_384 = tpu.memref_squeeze %dma_start3A_383 : memref<1x256xf32, #tpu.memory_space<vmem>> -> memref<256xf32, #tpu.memory_space<vmem>>
      %dma_start3A_385 = arith.constant 0 : i32
      %dma_start3A_386 = tpu.memref_slice %arg16[%dma_start3A_380, %dma_start3A_385] : memref<2x256xi32, #tpu.memory_space<vmem>> -> memref<1x256xi32, #tpu.memory_space<vmem>>
      %dma_start3A_387 = tpu.memref_squeeze %dma_start3A_386 : memref<1x256xi32, #tpu.memory_space<vmem>> -> memref<256xi32, #tpu.memory_space<vmem>>
      %dma_start3A_388 = arith.constant 0 : i32
      %dma_start3A_389 = tpu.memref_slice %arg6[%dma_start3A_388] : memref<100000xf32, #tpu.memory_space<hbm>> -> memref<100000xf32, #tpu.memory_space<hbm>>
      tpu.enqueue_indirect_dma source(%dma_start3A_389 : memref<100000xf32, #tpu.memory_space<hbm>>) target(%dma_start3A_384 : memref<256xf32, #tpu.memory_space<vmem>>) offsets(%dma_start3A_387 : memref<256xi32, #tpu.memory_space<vmem>>) semaphore(%arg25 : memref<!tpu.dma_semaphore, #tpu.memory_space<semaphore_mem>>)
      %dma_wait3A_390 = arith.constant 0 : i32
      %dma_wait3A_391 = arith.constant 0 : i32
      %dma_wait3A_392 = arith.constant 0 : i32
      %dma_wait3A_393 = arith.constant 0 : i32
      %dma_wait3A_394 = tpu.memref_slice %arg18[%dma_wait3A_391, %dma_wait3A_392, %dma_wait3A_393] : memref<2x256x64xf32, #tpu.memory_space<vmem>> -> memref<1x256x64xf32, #tpu.memory_space<vmem>>
      %dma_wait3A_395 = tpu.memref_squeeze %dma_wait3A_394 : memref<1x256x64xf32, #tpu.memory_space<vmem>> -> memref<256x64xf32, #tpu.memory_space<vmem>>
      %dma_wait3A_396 = arith.constant 0 : i32
      %dma_wait3A_397 = tpu.memref_slice %arg16[%dma_wait3A_390, %dma_wait3A_396] : memref<2x256xi32, #tpu.memory_space<vmem>> -> memref<1x256xi32, #tpu.memory_space<vmem>>
      %dma_wait3A_398 = tpu.memref_squeeze %dma_wait3A_397 : memref<1x256xi32, #tpu.memory_space<vmem>> -> memref<256xi32, #tpu.memory_space<vmem>>
      %dma_wait3A_399 = arith.constant 0 : i32
      %dma_wait3A_400 = arith.constant 0 : i32
      %dma_wait3A_401 = tpu.memref_slice %arg5[%dma_wait3A_399, %dma_wait3A_400] : memref<100000x64xf32, #tpu.memory_space<hbm>> -> memref<100000x64xf32, #tpu.memory_space<hbm>>
      tpu.wait_indirect_dma semaphore(%arg21 : memref<!tpu.dma_semaphore, #tpu.memory_space<semaphore_mem>>) src(%dma_wait3A_401 : memref<100000x64xf32, #tpu.memory_space<hbm>>) dst(%dma_wait3A_395 : memref<256x64xf32, #tpu.memory_space<vmem>>)
      %mul3A_402 = arith.constant 64 : i32
      %mul3A_403 = arith.muli %select_n3A_343, %mul3A_402 : i32
      %run_scoped3A_404 = arith.constant 0 : i32
      "tpu.region"() ({
        %run_scoped3A_442 = tpu.sem_alloc : memref<!tpu.dma_semaphore, #tpu.memory_space<semaphore_mem>>
        %dma_start3A_443 = arith.constant 0 : i32
        %dma_start3A_444 = arith.constant 0 : i32
        %dma_start3A_445 = tpu.memref_slice %arg18[%run_scoped3A_404, %dma_start3A_443, %dma_start3A_444] : memref<2x256x64xf32, #tpu.memory_space<vmem>> -> memref<1x256x64xf32, #tpu.memory_space<vmem>>
        %dma_start3A_446 = tpu.memref_squeeze %dma_start3A_445 : memref<1x256x64xf32, #tpu.memory_space<vmem>> -> memref<256x64xf32, #tpu.memory_space<vmem>>
        %dma_start3A_447 = tpu.memref_slice %arg14[%add3A_293, %mul3A_403] : memref<163840x128xf32, #tpu.memory_space<hbm>> -> memref<256x64xf32, #tpu.memory_space<hbm>>
        %dma_start3A_448 = tpu.memref_slice %arg14[%add3A_293, %mul3A_403] : memref<163840x128xf32, #tpu.memory_space<hbm>> -> memref<256x64xf32, #tpu.memory_space<hbm>>
        %dma_start3A_449 = arith.constant 0 : i32
        %dma_start3A_450 = arith.constant 0 : i32
        %dma_start3A_451 = tpu.memref_slice %arg18[%run_scoped3A_404, %dma_start3A_449, %dma_start3A_450] : memref<2x256x64xf32, #tpu.memory_space<vmem>> -> memref<1x256x64xf32, #tpu.memory_space<vmem>>
        %dma_start3A_452 = tpu.memref_squeeze %dma_start3A_451 : memref<1x256x64xf32, #tpu.memory_space<vmem>> -> memref<256x64xf32, #tpu.memory_space<vmem>>
        tpu.enqueue_dma source(%dma_start3A_452 : memref<256x64xf32, #tpu.memory_space<vmem>>) target(%dma_start3A_448 : memref<256x64xf32, #tpu.memory_space<hbm>>) target_semaphore(%run_scoped3A_442 : memref<!tpu.dma_semaphore, #tpu.memory_space<semaphore_mem>>)
        %dma_wait3A_453 = arith.constant 0 : i32
        %dma_wait3A_454 = arith.constant 0 : i32
        %dma_wait3A_455 = tpu.memref_slice %arg18[%run_scoped3A_404, %dma_wait3A_453, %dma_wait3A_454] : memref<2x256x64xf32, #tpu.memory_space<vmem>> -> memref<1x256x64xf32, #tpu.memory_space<vmem>>
        %dma_wait3A_456 = tpu.memref_squeeze %dma_wait3A_455 : memref<1x256x64xf32, #tpu.memory_space<vmem>> -> memref<256x64xf32, #tpu.memory_space<vmem>>
        %dma_wait3A_457 = tpu.memref_slice %arg14[%add3A_293, %mul3A_403] : memref<163840x128xf32, #tpu.memory_space<hbm>> -> memref<256x64xf32, #tpu.memory_space<hbm>>
        %dma_wait3A_458 = tpu.memref_slice %arg14[%add3A_293, %mul3A_403] : memref<163840x128xf32, #tpu.memory_space<hbm>> -> memref<256x64xf32, #tpu.memory_space<hbm>>
        %dma_wait3A_459 = arith.constant 0 : i32
        %dma_wait3A_460 = arith.constant 0 : i32
        %dma_wait3A_461 = tpu.memref_slice %arg18[%run_scoped3A_404, %dma_wait3A_459, %dma_wait3A_460] : memref<2x256x64xf32, #tpu.memory_space<vmem>> -> memref<1x256x64xf32, #tpu.memory_space<vmem>>
        %dma_wait3A_462 = tpu.memref_squeeze %dma_wait3A_461 : memref<1x256x64xf32, #tpu.memory_space<vmem>> -> memref<256x64xf32, #tpu.memory_space<vmem>>
        tpu.wait_dma2 semaphore(%run_scoped3A_442 : memref<!tpu.dma_semaphore, #tpu.memory_space<semaphore_mem>>) src(%dma_wait3A_462 : memref<256x64xf32, #tpu.memory_space<vmem>>) dst(%dma_wait3A_458 : memref<256x64xf32, #tpu.memory_space<hbm>>)
        tpu.yield
      }) : () -> ()
      %dma_wait3A_405 = arith.constant 0 : i32
      %dma_wait3A_406 = arith.constant 0 : i32
      %dma_wait3A_407 = arith.constant 0 : i32
      %dma_wait3A_408 = tpu.memref_slice %arg19[%dma_wait3A_406, %dma_wait3A_407] : memref<2x256xf32, #tpu.memory_space<vmem>> -> memref<1x256xf32, #tpu.memory_space<vmem>>
      %dma_wait3A_409 = tpu.memref_squeeze %dma_wait3A_408 : memref<1x256xf32, #tpu.memory_space<vmem>> -> memref<256xf32, #tpu.memory_space<vmem>>
      %dma_wait3A_410 = arith.constant 0 : i32
      %dma_wait3A_411 = tpu.memref_slice %arg16[%dma_wait3A_405, %dma_wait3A_410] : memref<2x256xi32, #tpu.memory_space<vmem>> -> memref<1x256xi32, #tpu.memory_space<vmem>>
      %dma_wait3A_412 = tpu.memref_squeeze %dma_wait3A_411 : memref<1x256xi32, #tpu.memory_space<vmem>> -> memref<256xi32, #tpu.memory_space<vmem>>
      %dma_wait3A_413 = arith.constant 0 : i32
      %dma_wait3A_414 = tpu.memref_slice %arg6[%dma_wait3A_413] : memref<100000xf32, #tpu.memory_space<hbm>> -> memref<100000xf32, #tpu.memory_space<hbm>>
      tpu.wait_indirect_dma semaphore(%arg22 : memref<!tpu.dma_semaphore, #tpu.memory_space<semaphore_mem>>) src(%dma_wait3A_414 : memref<100000xf32, #tpu.memory_space<hbm>>) dst(%dma_wait3A_409 : memref<256xf32, #tpu.memory_space<vmem>>)
      %run_scoped3A_415 = arith.constant 0 : i32
      "tpu.region"() ({
        %run_scoped3A_442 = tpu.sem_alloc : memref<!tpu.dma_semaphore, #tpu.memory_space<semaphore_mem>>
        %dma_start3A_443 = arith.constant 0 : i32
        %dma_start3A_444 = tpu.memref_slice %arg19[%run_scoped3A_415, %dma_start3A_443] : memref<2x256xf32, #tpu.memory_space<vmem>> -> memref<1x256xf32, #tpu.memory_space<vmem>>
        %dma_start3A_445 = tpu.memref_squeeze %dma_start3A_444 : memref<1x256xf32, #tpu.memory_space<vmem>> -> memref<256xf32, #tpu.memory_space<vmem>>
        %dma_start3A_446 = tpu.memref_slice %arg15[%add3A_274] : memref<327680xf32, #tpu.memory_space<hbm>> -> memref<256xf32, #tpu.memory_space<hbm>>
        %dma_start3A_447 = tpu.memref_slice %arg15[%add3A_274] : memref<327680xf32, #tpu.memory_space<hbm>> -> memref<256xf32, #tpu.memory_space<hbm>>
        %dma_start3A_448 = arith.constant 0 : i32
        %dma_start3A_449 = tpu.memref_slice %arg19[%run_scoped3A_415, %dma_start3A_448] : memref<2x256xf32, #tpu.memory_space<vmem>> -> memref<1x256xf32, #tpu.memory_space<vmem>>
        %dma_start3A_450 = tpu.memref_squeeze %dma_start3A_449 : memref<1x256xf32, #tpu.memory_space<vmem>> -> memref<256xf32, #tpu.memory_space<vmem>>
        tpu.enqueue_dma source(%dma_start3A_450 : memref<256xf32, #tpu.memory_space<vmem>>) target(%dma_start3A_447 : memref<256xf32, #tpu.memory_space<hbm>>) target_semaphore(%run_scoped3A_442 : memref<!tpu.dma_semaphore, #tpu.memory_space<semaphore_mem>>)
        %dma_wait3A_451 = arith.constant 0 : i32
        %dma_wait3A_452 = tpu.memref_slice %arg19[%run_scoped3A_415, %dma_wait3A_451] : memref<2x256xf32, #tpu.memory_space<vmem>> -> memref<1x256xf32, #tpu.memory_space<vmem>>
        %dma_wait3A_453 = tpu.memref_squeeze %dma_wait3A_452 : memref<1x256xf32, #tpu.memory_space<vmem>> -> memref<256xf32, #tpu.memory_space<vmem>>
        %dma_wait3A_454 = tpu.memref_slice %arg15[%add3A_274] : memref<327680xf32, #tpu.memory_space<hbm>> -> memref<256xf32, #tpu.memory_space<hbm>>
        %dma_wait3A_455 = tpu.memref_slice %arg15[%add3A_274] : memref<327680xf32, #tpu.memory_space<hbm>> -> memref<256xf32, #tpu.memory_space<hbm>>
        %dma_wait3A_456 = arith.constant 0 : i32
        %dma_wait3A_457 = tpu.memref_slice %arg19[%run_scoped3A_415, %dma_wait3A_456] : memref<2x256xf32, #tpu.memory_space<vmem>> -> memref<1x256xf32, #tpu.memory_space<vmem>>
        %dma_wait3A_458 = tpu.memref_squeeze %dma_wait3A_457 : memref<1x256xf32, #tpu.memory_space<vmem>> -> memref<256xf32, #tpu.memory_space<vmem>>
        tpu.wait_dma2 semaphore(%run_scoped3A_442 : memref<!tpu.dma_semaphore, #tpu.memory_space<semaphore_mem>>) src(%dma_wait3A_458 : memref<256xf32, #tpu.memory_space<vmem>>) dst(%dma_wait3A_455 : memref<256xf32, #tpu.memory_space<hbm>>)
        tpu.yield
      }) : () -> ()
      %dma_wait3A_416 = arith.constant 1 : i32
      %dma_wait3A_417 = arith.constant 1 : i32
      %dma_wait3A_418 = arith.constant 0 : i32
      %dma_wait3A_419 = arith.constant 0 : i32
      %dma_wait3A_420 = tpu.memref_slice %arg18[%dma_wait3A_417, %dma_wait3A_418, %dma_wait3A_419] : memref<2x256x64xf32, #tpu.memory_space<vmem>> -> memref<1x256x64xf32, #tpu.memory_space<vmem>>
      %dma_wait3A_421 = tpu.memref_squeeze %dma_wait3A_420 : memref<1x256x64xf32, #tpu.memory_space<vmem>> -> memref<256x64xf32, #tpu.memory_space<vmem>>
      %dma_wait3A_422 = arith.constant 0 : i32
      %dma_wait3A_423 = tpu.memref_slice %arg16[%dma_wait3A_416, %dma_wait3A_422] : memref<2x256xi32, #tpu.memory_space<vmem>> -> memref<1x256xi32, #tpu.memory_space<vmem>>
      %dma_wait3A_424 = tpu.memref_squeeze %dma_wait3A_423 : memref<1x256xi32, #tpu.memory_space<vmem>> -> memref<256xi32, #tpu.memory_space<vmem>>
      %dma_wait3A_425 = arith.constant 0 : i32
      %dma_wait3A_426 = arith.constant 0 : i32
      %dma_wait3A_427 = tpu.memref_slice %arg5[%dma_wait3A_425, %dma_wait3A_426] : memref<100000x64xf32, #tpu.memory_space<hbm>> -> memref<100000x64xf32, #tpu.memory_space<hbm>>
      tpu.wait_indirect_dma semaphore(%arg24 : memref<!tpu.dma_semaphore, #tpu.memory_space<semaphore_mem>>) src(%dma_wait3A_427 : memref<100000x64xf32, #tpu.memory_space<hbm>>) dst(%dma_wait3A_421 : memref<256x64xf32, #tpu.memory_space<vmem>>)
      %mul3A_428 = arith.constant 64 : i32
      %mul3A_429 = arith.muli %select_n3A_343, %mul3A_428 : i32
      %run_scoped3A_430 = arith.constant 1 : i32
      "tpu.region"() ({
        %run_scoped3A_442 = tpu.sem_alloc : memref<!tpu.dma_semaphore, #tpu.memory_space<semaphore_mem>>
        %dma_start3A_443 = arith.constant 0 : i32
        %dma_start3A_444 = arith.constant 0 : i32
        %dma_start3A_445 = tpu.memref_slice %arg18[%run_scoped3A_430, %dma_start3A_443, %dma_start3A_444] : memref<2x256x64xf32, #tpu.memory_space<vmem>> -> memref<1x256x64xf32, #tpu.memory_space<vmem>>
        %dma_start3A_446 = tpu.memref_squeeze %dma_start3A_445 : memref<1x256x64xf32, #tpu.memory_space<vmem>> -> memref<256x64xf32, #tpu.memory_space<vmem>>
        %dma_start3A_447 = tpu.memref_slice %arg14[%add3A_319, %mul3A_429] : memref<163840x128xf32, #tpu.memory_space<hbm>> -> memref<256x64xf32, #tpu.memory_space<hbm>>
        %dma_start3A_448 = tpu.memref_slice %arg14[%add3A_319, %mul3A_429] : memref<163840x128xf32, #tpu.memory_space<hbm>> -> memref<256x64xf32, #tpu.memory_space<hbm>>
        %dma_start3A_449 = arith.constant 0 : i32
        %dma_start3A_450 = arith.constant 0 : i32
        %dma_start3A_451 = tpu.memref_slice %arg18[%run_scoped3A_430, %dma_start3A_449, %dma_start3A_450] : memref<2x256x64xf32, #tpu.memory_space<vmem>> -> memref<1x256x64xf32, #tpu.memory_space<vmem>>
        %dma_start3A_452 = tpu.memref_squeeze %dma_start3A_451 : memref<1x256x64xf32, #tpu.memory_space<vmem>> -> memref<256x64xf32, #tpu.memory_space<vmem>>
        tpu.enqueue_dma source(%dma_start3A_452 : memref<256x64xf32, #tpu.memory_space<vmem>>) target(%dma_start3A_448 : memref<256x64xf32, #tpu.memory_space<hbm>>) target_semaphore(%run_scoped3A_442 : memref<!tpu.dma_semaphore, #tpu.memory_space<semaphore_mem>>)
        %dma_wait3A_453 = arith.constant 0 : i32
        %dma_wait3A_454 = arith.constant 0 : i32
        %dma_wait3A_455 = tpu.memref_slice %arg18[%run_scoped3A_430, %dma_wait3A_453, %dma_wait3A_454] : memref<2x256x64xf32, #tpu.memory_space<vmem>> -> memref<1x256x64xf32, #tpu.memory_space<vmem>>
        %dma_wait3A_456 = tpu.memref_squeeze %dma_wait3A_455 : memref<1x256x64xf32, #tpu.memory_space<vmem>> -> memref<256x64xf32, #tpu.memory_space<vmem>>
        %dma_wait3A_457 = tpu.memref_slice %arg14[%add3A_319, %mul3A_429] : memref<163840x128xf32, #tpu.memory_space<hbm>> -> memref<256x64xf32, #tpu.memory_space<hbm>>
        %dma_wait3A_458 = tpu.memref_slice %arg14[%add3A_319, %mul3A_429] : memref<163840x128xf32, #tpu.memory_space<hbm>> -> memref<256x64xf32, #tpu.memory_space<hbm>>
        %dma_wait3A_459 = arith.constant 0 : i32
        %dma_wait3A_460 = arith.constant 0 : i32
        %dma_wait3A_461 = tpu.memref_slice %arg18[%run_scoped3A_430, %dma_wait3A_459, %dma_wait3A_460] : memref<2x256x64xf32, #tpu.memory_space<vmem>> -> memref<1x256x64xf32, #tpu.memory_space<vmem>>
        %dma_wait3A_462 = tpu.memref_squeeze %dma_wait3A_461 : memref<1x256x64xf32, #tpu.memory_space<vmem>> -> memref<256x64xf32, #tpu.memory_space<vmem>>
        tpu.wait_dma2 semaphore(%run_scoped3A_442 : memref<!tpu.dma_semaphore, #tpu.memory_space<semaphore_mem>>) src(%dma_wait3A_462 : memref<256x64xf32, #tpu.memory_space<vmem>>) dst(%dma_wait3A_458 : memref<256x64xf32, #tpu.memory_space<hbm>>)
        tpu.yield
      }) : () -> ()
      %dma_wait3A_431 = arith.constant 1 : i32
      %dma_wait3A_432 = arith.constant 1 : i32
      %dma_wait3A_433 = arith.constant 0 : i32
      %dma_wait3A_434 = tpu.memref_slice %arg19[%dma_wait3A_432, %dma_wait3A_433] : memref<2x256xf32, #tpu.memory_space<vmem>> -> memref<1x256xf32, #tpu.memory_space<vmem>>
      %dma_wait3A_435 = tpu.memref_squeeze %dma_wait3A_434 : memref<1x256xf32, #tpu.memory_space<vmem>> -> memref<256xf32, #tpu.memory_space<vmem>>
      %dma_wait3A_436 = arith.constant 0 : i32
      %dma_wait3A_437 = tpu.memref_slice %arg16[%dma_wait3A_431, %dma_wait3A_436] : memref<2x256xi32, #tpu.memory_space<vmem>> -> memref<1x256xi32, #tpu.memory_space<vmem>>
      %dma_wait3A_438 = tpu.memref_squeeze %dma_wait3A_437 : memref<1x256xi32, #tpu.memory_space<vmem>> -> memref<256xi32, #tpu.memory_space<vmem>>
      %dma_wait3A_439 = arith.constant 0 : i32
      %dma_wait3A_440 = tpu.memref_slice %arg6[%dma_wait3A_439] : memref<100000xf32, #tpu.memory_space<hbm>> -> memref<100000xf32, #tpu.memory_space<hbm>>
      tpu.wait_indirect_dma semaphore(%arg25 : memref<!tpu.dma_semaphore, #tpu.memory_space<semaphore_mem>>) src(%dma_wait3A_440 : memref<100000xf32, #tpu.memory_space<hbm>>) dst(%dma_wait3A_435 : memref<256xf32, #tpu.memory_space<vmem>>)
      %run_scoped3A_441 = arith.constant 1 : i32
      "tpu.region"() ({
        %run_scoped3A_442 = tpu.sem_alloc : memref<!tpu.dma_semaphore, #tpu.memory_space<semaphore_mem>>
        %dma_start3A_443 = arith.constant 0 : i32
        %dma_start3A_444 = tpu.memref_slice %arg19[%run_scoped3A_441, %dma_start3A_443] : memref<2x256xf32, #tpu.memory_space<vmem>> -> memref<1x256xf32, #tpu.memory_space<vmem>>
        %dma_start3A_445 = tpu.memref_squeeze %dma_start3A_444 : memref<1x256xf32, #tpu.memory_space<vmem>> -> memref<256xf32, #tpu.memory_space<vmem>>
        %dma_start3A_446 = tpu.memref_slice %arg15[%add3A_298] : memref<327680xf32, #tpu.memory_space<hbm>> -> memref<256xf32, #tpu.memory_space<hbm>>
        %dma_start3A_447 = tpu.memref_slice %arg15[%add3A_298] : memref<327680xf32, #tpu.memory_space<hbm>> -> memref<256xf32, #tpu.memory_space<hbm>>
        %dma_start3A_448 = arith.constant 0 : i32
        %dma_start3A_449 = tpu.memref_slice %arg19[%run_scoped3A_441, %dma_start3A_448] : memref<2x256xf32, #tpu.memory_space<vmem>> -> memref<1x256xf32, #tpu.memory_space<vmem>>
        %dma_start3A_450 = tpu.memref_squeeze %dma_start3A_449 : memref<1x256xf32, #tpu.memory_space<vmem>> -> memref<256xf32, #tpu.memory_space<vmem>>
        tpu.enqueue_dma source(%dma_start3A_450 : memref<256xf32, #tpu.memory_space<vmem>>) target(%dma_start3A_447 : memref<256xf32, #tpu.memory_space<hbm>>) target_semaphore(%run_scoped3A_442 : memref<!tpu.dma_semaphore, #tpu.memory_space<semaphore_mem>>)
        %dma_wait3A_451 = arith.constant 0 : i32
        %dma_wait3A_452 = tpu.memref_slice %arg19[%run_scoped3A_441, %dma_wait3A_451] : memref<2x256xf32, #tpu.memory_space<vmem>> -> memref<1x256xf32, #tpu.memory_space<vmem>>
        %dma_wait3A_453 = tpu.memref_squeeze %dma_wait3A_452 : memref<1x256xf32, #tpu.memory_space<vmem>> -> memref<256xf32, #tpu.memory_space<vmem>>
        %dma_wait3A_454 = tpu.memref_slice %arg15[%add3A_298] : memref<327680xf32, #tpu.memory_space<hbm>> -> memref<256xf32, #tpu.memory_space<hbm>>
        %dma_wait3A_455 = tpu.memref_slice %arg15[%add3A_298] : memref<327680xf32, #tpu.memory_space<hbm>> -> memref<256xf32, #tpu.memory_space<hbm>>
        %dma_wait3A_456 = arith.constant 0 : i32
        %dma_wait3A_457 = tpu.memref_slice %arg19[%run_scoped3A_441, %dma_wait3A_456] : memref<2x256xf32, #tpu.memory_space<vmem>> -> memref<1x256xf32, #tpu.memory_space<vmem>>
        %dma_wait3A_458 = tpu.memref_squeeze %dma_wait3A_457 : memref<1x256xf32, #tpu.memory_space<vmem>> -> memref<256xf32, #tpu.memory_space<vmem>>
        tpu.wait_dma2 semaphore(%run_scoped3A_442 : memref<!tpu.dma_semaphore, #tpu.memory_space<semaphore_mem>>) src(%dma_wait3A_458 : memref<256xf32, #tpu.memory_space<vmem>>) dst(%dma_wait3A_455 : memref<256xf32, #tpu.memory_space<hbm>>)
        tpu.yield
      }) : () -> ()
    }
    %scan3A_221 = arith.constant 20 : i32
    return
  }
}

module attributes {stable_mosaic.version = 14 : i64} {
  func.func @_tc_body(%arg0: i32, %arg1: memref<256x128xf32, #tpu.memory_space<vmem>>, %arg2: memref<20x256x128xf32, #tpu.memory_space<vmem>>, %arg3: memref<256x128xf32, #tpu.memory_space<vmem>>, %arg4: memref<20x256x128xf32, #tpu.memory_space<vmem>>, %arg5: memref<20x256x128xf32, #tpu.memory_space<vmem>>, %arg6: memref<256x2xf32, #tpu.memory_space<vmem>>, %arg7: memref<256x40xf32, #tpu.memory_space<vmem>>, %arg8: memref<256x40xf32, #tpu.memory_space<vmem>>, %arg9: memref<128x256xf32, #tpu.memory_space<vmem>>, %arg10: memref<128x256xf32, #tpu.memory_space<vmem>>, %arg11: memref<1x256xf32, #tpu.memory_space<vmem>>, %arg12: memref<256x128xf32, #tpu.memory_space<vmem>>, %arg13: memref<1x128xf32, #tpu.memory_space<vmem>>, %arg14: memref<256x2xf32, #tpu.memory_space<vmem>>, %arg15: memref<1x2xf32, #tpu.memory_space<vmem>>, %arg16: memref<128x2xf32, #tpu.memory_space<vmem>>, %arg17: memref<20x128x40xf32, #tpu.memory_space<vmem>>, %arg18: memref<2x40xf32, #tpu.memory_space<vmem>>, %arg19: memref<1x1xf32, #tpu.memory_space<vmem>>, %arg20: memref<1x1xf32, #tpu.memory_space<vmem>>) attributes {dimension_semantics = [#tpu.dimension_semantics<arbitrary>], iteration_bounds = array<i64: 32>, scalar_prefetch = 0 : i64, scratch_operands = 0 : i64, tpu.core_type = #tpu.core_type<tc>, window_params = [{transform_indices = @transform_0, window_bounds = array<i64: 256, 128>}, {transform_indices = @transform_1, window_bounds = array<i64: 20, 256, 128>}, {transform_indices = @transform_2, window_bounds = array<i64: 256, 128>}, {transform_indices = @transform_3, window_bounds = array<i64: 20, 256, 128>}, {transform_indices = @transform_4, window_bounds = array<i64: 20, 256, 128>}, {transform_indices = @transform_5, window_bounds = array<i64: 256, 2>}, {transform_indices = @transform_6, window_bounds = array<i64: 256, 40>}, {transform_indices = @transform_7, window_bounds = array<i64: 256, 40>}, {pipeline_mode = #tpu.pipeline_mode<synchronous>, transform_indices = @transform_8, window_bounds = array<i64: 128, 256>}, {pipeline_mode = #tpu.pipeline_mode<synchronous>, transform_indices = @transform_9, window_bounds = array<i64: 128, 256>}, {pipeline_mode = #tpu.pipeline_mode<synchronous>, transform_indices = @transform_10, window_bounds = array<i64: 1, 256>}, {pipeline_mode = #tpu.pipeline_mode<synchronous>, transform_indices = @transform_11, window_bounds = array<i64: 256, 128>}, {pipeline_mode = #tpu.pipeline_mode<synchronous>, transform_indices = @transform_12, window_bounds = array<i64: 1, 128>}, {pipeline_mode = #tpu.pipeline_mode<synchronous>, transform_indices = @transform_13, window_bounds = array<i64: 256, 2>}, {pipeline_mode = #tpu.pipeline_mode<synchronous>, transform_indices = @transform_14, window_bounds = array<i64: 1, 2>}, {pipeline_mode = #tpu.pipeline_mode<synchronous>, transform_indices = @transform_15, window_bounds = array<i64: 128, 2>}, {pipeline_mode = #tpu.pipeline_mode<synchronous>, transform_indices = @transform_16, window_bounds = array<i64: 20, 128, 40>}, {pipeline_mode = #tpu.pipeline_mode<synchronous>, transform_indices = @transform_17, window_bounds = array<i64: 2, 40>}, {pipeline_mode = #tpu.pipeline_mode<synchronous>, transform_indices = @transform_18, window_bounds = array<i64: 1, 1>}, {pipeline_mode = #tpu.pipeline_mode<synchronous>, transform_indices = @transform_19, window_bounds = array<i64: 1, 1>}]} {
    %get3A = arith.constant 0 : index
    %get3A_0 = arith.constant 0 : index
    %get3A_1 = vector.load %arg1[%get3A, %get3A_0] : memref<256x128xf32, #tpu.memory_space<vmem>>, vector<256x128xf32>
    %get3A_2 = arith.constant 0 : index
    %get3A_3 = arith.constant 0 : index
    %get3A_4 = vector.load %arg9[%get3A_2, %get3A_3] : memref<128x256xf32, #tpu.memory_space<vmem>>, vector<128x256xf32>
    %dot_general3A = arith.constant dense<0.000000e+00> : vector<256x256xf32>
    %dot_general3A_5 = tpu.matmul %get3A_1, %get3A_4, %dot_general3A {dimension_numbers = #tpu.dot_dimension_numbers<[1], [0], [0], [1], [0, 0, 1, 1], [], []>, transpose_lhs_hint = false} : vector<256x128xf32>, vector<128x256xf32>, vector<256x256xf32> -> vector<256x256xf32>
    %get3A_6 = arith.constant 0 : index
    %get3A_7 = arith.constant 0 : index
    %get3A_8 = vector.load %arg11[%get3A_6, %get3A_7] : memref<1x256xf32, #tpu.memory_space<vmem>>, vector<1x256xf32>
    %add3A = vector.broadcast %get3A_8 : vector<1x256xf32> to vector<256x256xf32>
    %add3A_9 = arith.addf %dot_general3A_5, %add3A : vector<256x256xf32>
    %broadcast_in_dim3A = arith.constant 0.000000e+00 : f32
    %broadcast_in_dim3A_10 = vector.broadcast %broadcast_in_dim3A : f32 to vector<256x256xf32>
    %get3A_11 = arith.constant 0 : index
    %get3A_12 = arith.constant 0 : index
    %get3A_13 = vector.load %arg10[%get3A_11, %get3A_12] : memref<128x256xf32, #tpu.memory_space<vmem>>, vector<128x256xf32>
    %get3A_14 = arith.constant 0 : index
    %get3A_15 = arith.constant 0 : index
    %get3A_16 = arith.constant 0 : index
    %get3A_17 = vector.load %arg2[%get3A_14, %get3A_15, %get3A_16] : memref<20x256x128xf32, #tpu.memory_space<vmem>>, vector<1x256x128xf32>
    %get3A_18 = vector.shape_cast %get3A_17 : vector<1x256x128xf32> to vector<256x128xf32>
    %dot_general3A_19 = arith.constant dense<0.000000e+00> : vector<256x256xf32>
    %dot_general3A_20 = tpu.matmul %get3A_18, %get3A_13, %dot_general3A_19 {dimension_numbers = #tpu.dot_dimension_numbers<[1], [0], [0], [1], [0, 0, 1, 1], [], []>, transpose_lhs_hint = false} : vector<256x128xf32>, vector<128x256xf32>, vector<256x256xf32> -> vector<256x256xf32>
    %add3A_21 = arith.addf %add3A_9, %dot_general3A_20 : vector<256x256xf32>
    %max3A = arith.constant 0.000000e+00 : f32
    %max3A_22 = vector.broadcast %max3A : f32 to vector<256x256xf32>
    %max3A_23 = arith.maximumf %add3A_21, %max3A_22 : vector<256x256xf32>
    %add3A_24 = arith.addf %broadcast_in_dim3A_10, %max3A_23 : vector<256x256xf32>
    %get3A_25 = arith.constant 1 : index
    %get3A_26 = arith.constant 0 : index
    %get3A_27 = arith.constant 0 : index
    %get3A_28 = vector.load %arg2[%get3A_25, %get3A_26, %get3A_27] : memref<20x256x128xf32, #tpu.memory_space<vmem>>, vector<1x256x128xf32>
    %get3A_29 = vector.shape_cast %get3A_28 : vector<1x256x128xf32> to vector<256x128xf32>
    %dot_general3A_30 = arith.constant dense<0.000000e+00> : vector<256x256xf32>
    %dot_general3A_31 = tpu.matmul %get3A_29, %get3A_13, %dot_general3A_30 {dimension_numbers = #tpu.dot_dimension_numbers<[1], [0], [0], [1], [0, 0, 1, 1], [], []>, transpose_lhs_hint = false} : vector<256x128xf32>, vector<128x256xf32>, vector<256x256xf32> -> vector<256x256xf32>
    %add3A_32 = arith.addf %add3A_9, %dot_general3A_31 : vector<256x256xf32>
    %max3A_33 = arith.constant 0.000000e+00 : f32
    %max3A_34 = vector.broadcast %max3A_33 : f32 to vector<256x256xf32>
    %max3A_35 = arith.maximumf %add3A_32, %max3A_34 : vector<256x256xf32>
    %add3A_36 = arith.addf %add3A_24, %max3A_35 : vector<256x256xf32>
    %get3A_37 = arith.constant 2 : index
    %get3A_38 = arith.constant 0 : index
    %get3A_39 = arith.constant 0 : index
    %get3A_40 = vector.load %arg2[%get3A_37, %get3A_38, %get3A_39] : memref<20x256x128xf32, #tpu.memory_space<vmem>>, vector<1x256x128xf32>
    %get3A_41 = vector.shape_cast %get3A_40 : vector<1x256x128xf32> to vector<256x128xf32>
    %dot_general3A_42 = arith.constant dense<0.000000e+00> : vector<256x256xf32>
    %dot_general3A_43 = tpu.matmul %get3A_41, %get3A_13, %dot_general3A_42 {dimension_numbers = #tpu.dot_dimension_numbers<[1], [0], [0], [1], [0, 0, 1, 1], [], []>, transpose_lhs_hint = false} : vector<256x128xf32>, vector<128x256xf32>, vector<256x256xf32> -> vector<256x256xf32>
    %add3A_44 = arith.addf %add3A_9, %dot_general3A_43 : vector<256x256xf32>
    %max3A_45 = arith.constant 0.000000e+00 : f32
    %max3A_46 = vector.broadcast %max3A_45 : f32 to vector<256x256xf32>
    %max3A_47 = arith.maximumf %add3A_44, %max3A_46 : vector<256x256xf32>
    %add3A_48 = arith.addf %add3A_36, %max3A_47 : vector<256x256xf32>
    %get3A_49 = arith.constant 3 : index
    %get3A_50 = arith.constant 0 : index
    %get3A_51 = arith.constant 0 : index
    %get3A_52 = vector.load %arg2[%get3A_49, %get3A_50, %get3A_51] : memref<20x256x128xf32, #tpu.memory_space<vmem>>, vector<1x256x128xf32>
    %get3A_53 = vector.shape_cast %get3A_52 : vector<1x256x128xf32> to vector<256x128xf32>
    %dot_general3A_54 = arith.constant dense<0.000000e+00> : vector<256x256xf32>
    %dot_general3A_55 = tpu.matmul %get3A_53, %get3A_13, %dot_general3A_54 {dimension_numbers = #tpu.dot_dimension_numbers<[1], [0], [0], [1], [0, 0, 1, 1], [], []>, transpose_lhs_hint = false} : vector<256x128xf32>, vector<128x256xf32>, vector<256x256xf32> -> vector<256x256xf32>
    %add3A_56 = arith.addf %add3A_9, %dot_general3A_55 : vector<256x256xf32>
    %max3A_57 = arith.constant 0.000000e+00 : f32
    %max3A_58 = vector.broadcast %max3A_57 : f32 to vector<256x256xf32>
    %max3A_59 = arith.maximumf %add3A_56, %max3A_58 : vector<256x256xf32>
    %add3A_60 = arith.addf %add3A_48, %max3A_59 : vector<256x256xf32>
    %get3A_61 = arith.constant 4 : index
    %get3A_62 = arith.constant 0 : index
    %get3A_63 = arith.constant 0 : index
    %get3A_64 = vector.load %arg2[%get3A_61, %get3A_62, %get3A_63] : memref<20x256x128xf32, #tpu.memory_space<vmem>>, vector<1x256x128xf32>
    %get3A_65 = vector.shape_cast %get3A_64 : vector<1x256x128xf32> to vector<256x128xf32>
    %dot_general3A_66 = arith.constant dense<0.000000e+00> : vector<256x256xf32>
    %dot_general3A_67 = tpu.matmul %get3A_65, %get3A_13, %dot_general3A_66 {dimension_numbers = #tpu.dot_dimension_numbers<[1], [0], [0], [1], [0, 0, 1, 1], [], []>, transpose_lhs_hint = false} : vector<256x128xf32>, vector<128x256xf32>, vector<256x256xf32> -> vector<256x256xf32>
    %add3A_68 = arith.addf %add3A_9, %dot_general3A_67 : vector<256x256xf32>
    %max3A_69 = arith.constant 0.000000e+00 : f32
    %max3A_70 = vector.broadcast %max3A_69 : f32 to vector<256x256xf32>
    %max3A_71 = arith.maximumf %add3A_68, %max3A_70 : vector<256x256xf32>
    %add3A_72 = arith.addf %add3A_60, %max3A_71 : vector<256x256xf32>
    %get3A_73 = arith.constant 5 : index
    %get3A_74 = arith.constant 0 : index
    %get3A_75 = arith.constant 0 : index
    %get3A_76 = vector.load %arg2[%get3A_73, %get3A_74, %get3A_75] : memref<20x256x128xf32, #tpu.memory_space<vmem>>, vector<1x256x128xf32>
    %get3A_77 = vector.shape_cast %get3A_76 : vector<1x256x128xf32> to vector<256x128xf32>
    %dot_general3A_78 = arith.constant dense<0.000000e+00> : vector<256x256xf32>
    %dot_general3A_79 = tpu.matmul %get3A_77, %get3A_13, %dot_general3A_78 {dimension_numbers = #tpu.dot_dimension_numbers<[1], [0], [0], [1], [0, 0, 1, 1], [], []>, transpose_lhs_hint = false} : vector<256x128xf32>, vector<128x256xf32>, vector<256x256xf32> -> vector<256x256xf32>
    %add3A_80 = arith.addf %add3A_9, %dot_general3A_79 : vector<256x256xf32>
    %max3A_81 = arith.constant 0.000000e+00 : f32
    %max3A_82 = vector.broadcast %max3A_81 : f32 to vector<256x256xf32>
    %max3A_83 = arith.maximumf %add3A_80, %max3A_82 : vector<256x256xf32>
    %add3A_84 = arith.addf %add3A_72, %max3A_83 : vector<256x256xf32>
    %get3A_85 = arith.constant 6 : index
    %get3A_86 = arith.constant 0 : index
    %get3A_87 = arith.constant 0 : index
    %get3A_88 = vector.load %arg2[%get3A_85, %get3A_86, %get3A_87] : memref<20x256x128xf32, #tpu.memory_space<vmem>>, vector<1x256x128xf32>
    %get3A_89 = vector.shape_cast %get3A_88 : vector<1x256x128xf32> to vector<256x128xf32>
    %dot_general3A_90 = arith.constant dense<0.000000e+00> : vector<256x256xf32>
    %dot_general3A_91 = tpu.matmul %get3A_89, %get3A_13, %dot_general3A_90 {dimension_numbers = #tpu.dot_dimension_numbers<[1], [0], [0], [1], [0, 0, 1, 1], [], []>, transpose_lhs_hint = false} : vector<256x128xf32>, vector<128x256xf32>, vector<256x256xf32> -> vector<256x256xf32>
    %add3A_92 = arith.addf %add3A_9, %dot_general3A_91 : vector<256x256xf32>
    %max3A_93 = arith.constant 0.000000e+00 : f32
    %max3A_94 = vector.broadcast %max3A_93 : f32 to vector<256x256xf32>
    %max3A_95 = arith.maximumf %add3A_92, %max3A_94 : vector<256x256xf32>
    %add3A_96 = arith.addf %add3A_84, %max3A_95 : vector<256x256xf32>
    %get3A_97 = arith.constant 7 : index
    %get3A_98 = arith.constant 0 : index
    %get3A_99 = arith.constant 0 : index
    %get3A_100 = vector.load %arg2[%get3A_97, %get3A_98, %get3A_99] : memref<20x256x128xf32, #tpu.memory_space<vmem>>, vector<1x256x128xf32>
    %get3A_101 = vector.shape_cast %get3A_100 : vector<1x256x128xf32> to vector<256x128xf32>
    %dot_general3A_102 = arith.constant dense<0.000000e+00> : vector<256x256xf32>
    %dot_general3A_103 = tpu.matmul %get3A_101, %get3A_13, %dot_general3A_102 {dimension_numbers = #tpu.dot_dimension_numbers<[1], [0], [0], [1], [0, 0, 1, 1], [], []>, transpose_lhs_hint = false} : vector<256x128xf32>, vector<128x256xf32>, vector<256x256xf32> -> vector<256x256xf32>
    %add3A_104 = arith.addf %add3A_9, %dot_general3A_103 : vector<256x256xf32>
    %max3A_105 = arith.constant 0.000000e+00 : f32
    %max3A_106 = vector.broadcast %max3A_105 : f32 to vector<256x256xf32>
    %max3A_107 = arith.maximumf %add3A_104, %max3A_106 : vector<256x256xf32>
    %add3A_108 = arith.addf %add3A_96, %max3A_107 : vector<256x256xf32>
    %get3A_109 = arith.constant 8 : index
    %get3A_110 = arith.constant 0 : index
    %get3A_111 = arith.constant 0 : index
    %get3A_112 = vector.load %arg2[%get3A_109, %get3A_110, %get3A_111] : memref<20x256x128xf32, #tpu.memory_space<vmem>>, vector<1x256x128xf32>
    %get3A_113 = vector.shape_cast %get3A_112 : vector<1x256x128xf32> to vector<256x128xf32>
    %dot_general3A_114 = arith.constant dense<0.000000e+00> : vector<256x256xf32>
    %dot_general3A_115 = tpu.matmul %get3A_113, %get3A_13, %dot_general3A_114 {dimension_numbers = #tpu.dot_dimension_numbers<[1], [0], [0], [1], [0, 0, 1, 1], [], []>, transpose_lhs_hint = false} : vector<256x128xf32>, vector<128x256xf32>, vector<256x256xf32> -> vector<256x256xf32>
    %add3A_116 = arith.addf %add3A_9, %dot_general3A_115 : vector<256x256xf32>
    %max3A_117 = arith.constant 0.000000e+00 : f32
    %max3A_118 = vector.broadcast %max3A_117 : f32 to vector<256x256xf32>
    %max3A_119 = arith.maximumf %add3A_116, %max3A_118 : vector<256x256xf32>
    %add3A_120 = arith.addf %add3A_108, %max3A_119 : vector<256x256xf32>
    %get3A_121 = arith.constant 9 : index
    %get3A_122 = arith.constant 0 : index
    %get3A_123 = arith.constant 0 : index
    %get3A_124 = vector.load %arg2[%get3A_121, %get3A_122, %get3A_123] : memref<20x256x128xf32, #tpu.memory_space<vmem>>, vector<1x256x128xf32>
    %get3A_125 = vector.shape_cast %get3A_124 : vector<1x256x128xf32> to vector<256x128xf32>
    %dot_general3A_126 = arith.constant dense<0.000000e+00> : vector<256x256xf32>
    %dot_general3A_127 = tpu.matmul %get3A_125, %get3A_13, %dot_general3A_126 {dimension_numbers = #tpu.dot_dimension_numbers<[1], [0], [0], [1], [0, 0, 1, 1], [], []>, transpose_lhs_hint = false} : vector<256x128xf32>, vector<128x256xf32>, vector<256x256xf32> -> vector<256x256xf32>
    %add3A_128 = arith.addf %add3A_9, %dot_general3A_127 : vector<256x256xf32>
    %max3A_129 = arith.constant 0.000000e+00 : f32
    %max3A_130 = vector.broadcast %max3A_129 : f32 to vector<256x256xf32>
    %max3A_131 = arith.maximumf %add3A_128, %max3A_130 : vector<256x256xf32>
    %add3A_132 = arith.addf %add3A_120, %max3A_131 : vector<256x256xf32>
    %get3A_133 = arith.constant 10 : index
    %get3A_134 = arith.constant 0 : index
    %get3A_135 = arith.constant 0 : index
    %get3A_136 = vector.load %arg2[%get3A_133, %get3A_134, %get3A_135] : memref<20x256x128xf32, #tpu.memory_space<vmem>>, vector<1x256x128xf32>
    %get3A_137 = vector.shape_cast %get3A_136 : vector<1x256x128xf32> to vector<256x128xf32>
    %dot_general3A_138 = arith.constant dense<0.000000e+00> : vector<256x256xf32>
    %dot_general3A_139 = tpu.matmul %get3A_137, %get3A_13, %dot_general3A_138 {dimension_numbers = #tpu.dot_dimension_numbers<[1], [0], [0], [1], [0, 0, 1, 1], [], []>, transpose_lhs_hint = false} : vector<256x128xf32>, vector<128x256xf32>, vector<256x256xf32> -> vector<256x256xf32>
    %add3A_140 = arith.addf %add3A_9, %dot_general3A_139 : vector<256x256xf32>
    %max3A_141 = arith.constant 0.000000e+00 : f32
    %max3A_142 = vector.broadcast %max3A_141 : f32 to vector<256x256xf32>
    %max3A_143 = arith.maximumf %add3A_140, %max3A_142 : vector<256x256xf32>
    %add3A_144 = arith.addf %add3A_132, %max3A_143 : vector<256x256xf32>
    %get3A_145 = arith.constant 11 : index
    %get3A_146 = arith.constant 0 : index
    %get3A_147 = arith.constant 0 : index
    %get3A_148 = vector.load %arg2[%get3A_145, %get3A_146, %get3A_147] : memref<20x256x128xf32, #tpu.memory_space<vmem>>, vector<1x256x128xf32>
    %get3A_149 = vector.shape_cast %get3A_148 : vector<1x256x128xf32> to vector<256x128xf32>
    %dot_general3A_150 = arith.constant dense<0.000000e+00> : vector<256x256xf32>
    %dot_general3A_151 = tpu.matmul %get3A_149, %get3A_13, %dot_general3A_150 {dimension_numbers = #tpu.dot_dimension_numbers<[1], [0], [0], [1], [0, 0, 1, 1], [], []>, transpose_lhs_hint = false} : vector<256x128xf32>, vector<128x256xf32>, vector<256x256xf32> -> vector<256x256xf32>
    %add3A_152 = arith.addf %add3A_9, %dot_general3A_151 : vector<256x256xf32>
    %max3A_153 = arith.constant 0.000000e+00 : f32
    %max3A_154 = vector.broadcast %max3A_153 : f32 to vector<256x256xf32>
    %max3A_155 = arith.maximumf %add3A_152, %max3A_154 : vector<256x256xf32>
    %add3A_156 = arith.addf %add3A_144, %max3A_155 : vector<256x256xf32>
    %get3A_157 = arith.constant 12 : index
    %get3A_158 = arith.constant 0 : index
    %get3A_159 = arith.constant 0 : index
    %get3A_160 = vector.load %arg2[%get3A_157, %get3A_158, %get3A_159] : memref<20x256x128xf32, #tpu.memory_space<vmem>>, vector<1x256x128xf32>
    %get3A_161 = vector.shape_cast %get3A_160 : vector<1x256x128xf32> to vector<256x128xf32>
    %dot_general3A_162 = arith.constant dense<0.000000e+00> : vector<256x256xf32>
    %dot_general3A_163 = tpu.matmul %get3A_161, %get3A_13, %dot_general3A_162 {dimension_numbers = #tpu.dot_dimension_numbers<[1], [0], [0], [1], [0, 0, 1, 1], [], []>, transpose_lhs_hint = false} : vector<256x128xf32>, vector<128x256xf32>, vector<256x256xf32> -> vector<256x256xf32>
    %add3A_164 = arith.addf %add3A_9, %dot_general3A_163 : vector<256x256xf32>
    %max3A_165 = arith.constant 0.000000e+00 : f32
    %max3A_166 = vector.broadcast %max3A_165 : f32 to vector<256x256xf32>
    %max3A_167 = arith.maximumf %add3A_164, %max3A_166 : vector<256x256xf32>
    %add3A_168 = arith.addf %add3A_156, %max3A_167 : vector<256x256xf32>
    %get3A_169 = arith.constant 13 : index
    %get3A_170 = arith.constant 0 : index
    %get3A_171 = arith.constant 0 : index
    %get3A_172 = vector.load %arg2[%get3A_169, %get3A_170, %get3A_171] : memref<20x256x128xf32, #tpu.memory_space<vmem>>, vector<1x256x128xf32>
    %get3A_173 = vector.shape_cast %get3A_172 : vector<1x256x128xf32> to vector<256x128xf32>
    %dot_general3A_174 = arith.constant dense<0.000000e+00> : vector<256x256xf32>
    %dot_general3A_175 = tpu.matmul %get3A_173, %get3A_13, %dot_general3A_174 {dimension_numbers = #tpu.dot_dimension_numbers<[1], [0], [0], [1], [0, 0, 1, 1], [], []>, transpose_lhs_hint = false} : vector<256x128xf32>, vector<128x256xf32>, vector<256x256xf32> -> vector<256x256xf32>
    %add3A_176 = arith.addf %add3A_9, %dot_general3A_175 : vector<256x256xf32>
    %max3A_177 = arith.constant 0.000000e+00 : f32
    %max3A_178 = vector.broadcast %max3A_177 : f32 to vector<256x256xf32>
    %max3A_179 = arith.maximumf %add3A_176, %max3A_178 : vector<256x256xf32>
    %add3A_180 = arith.addf %add3A_168, %max3A_179 : vector<256x256xf32>
    %get3A_181 = arith.constant 14 : index
    %get3A_182 = arith.constant 0 : index
    %get3A_183 = arith.constant 0 : index
    %get3A_184 = vector.load %arg2[%get3A_181, %get3A_182, %get3A_183] : memref<20x256x128xf32, #tpu.memory_space<vmem>>, vector<1x256x128xf32>
    %get3A_185 = vector.shape_cast %get3A_184 : vector<1x256x128xf32> to vector<256x128xf32>
    %dot_general3A_186 = arith.constant dense<0.000000e+00> : vector<256x256xf32>
    %dot_general3A_187 = tpu.matmul %get3A_185, %get3A_13, %dot_general3A_186 {dimension_numbers = #tpu.dot_dimension_numbers<[1], [0], [0], [1], [0, 0, 1, 1], [], []>, transpose_lhs_hint = false} : vector<256x128xf32>, vector<128x256xf32>, vector<256x256xf32> -> vector<256x256xf32>
    %add3A_188 = arith.addf %add3A_9, %dot_general3A_187 : vector<256x256xf32>
    %max3A_189 = arith.constant 0.000000e+00 : f32
    %max3A_190 = vector.broadcast %max3A_189 : f32 to vector<256x256xf32>
    %max3A_191 = arith.maximumf %add3A_188, %max3A_190 : vector<256x256xf32>
    %add3A_192 = arith.addf %add3A_180, %max3A_191 : vector<256x256xf32>
    %get3A_193 = arith.constant 15 : index
    %get3A_194 = arith.constant 0 : index
    %get3A_195 = arith.constant 0 : index
    %get3A_196 = vector.load %arg2[%get3A_193, %get3A_194, %get3A_195] : memref<20x256x128xf32, #tpu.memory_space<vmem>>, vector<1x256x128xf32>
    %get3A_197 = vector.shape_cast %get3A_196 : vector<1x256x128xf32> to vector<256x128xf32>
    %dot_general3A_198 = arith.constant dense<0.000000e+00> : vector<256x256xf32>
    %dot_general3A_199 = tpu.matmul %get3A_197, %get3A_13, %dot_general3A_198 {dimension_numbers = #tpu.dot_dimension_numbers<[1], [0], [0], [1], [0, 0, 1, 1], [], []>, transpose_lhs_hint = false} : vector<256x128xf32>, vector<128x256xf32>, vector<256x256xf32> -> vector<256x256xf32>
    %add3A_200 = arith.addf %add3A_9, %dot_general3A_199 : vector<256x256xf32>
    %max3A_201 = arith.constant 0.000000e+00 : f32
    %max3A_202 = vector.broadcast %max3A_201 : f32 to vector<256x256xf32>
    %max3A_203 = arith.maximumf %add3A_200, %max3A_202 : vector<256x256xf32>
    %add3A_204 = arith.addf %add3A_192, %max3A_203 : vector<256x256xf32>
    %get3A_205 = arith.constant 16 : index
    %get3A_206 = arith.constant 0 : index
    %get3A_207 = arith.constant 0 : index
    %get3A_208 = vector.load %arg2[%get3A_205, %get3A_206, %get3A_207] : memref<20x256x128xf32, #tpu.memory_space<vmem>>, vector<1x256x128xf32>
    %get3A_209 = vector.shape_cast %get3A_208 : vector<1x256x128xf32> to vector<256x128xf32>
    %dot_general3A_210 = arith.constant dense<0.000000e+00> : vector<256x256xf32>
    %dot_general3A_211 = tpu.matmul %get3A_209, %get3A_13, %dot_general3A_210 {dimension_numbers = #tpu.dot_dimension_numbers<[1], [0], [0], [1], [0, 0, 1, 1], [], []>, transpose_lhs_hint = false} : vector<256x128xf32>, vector<128x256xf32>, vector<256x256xf32> -> vector<256x256xf32>
    %add3A_212 = arith.addf %add3A_9, %dot_general3A_211 : vector<256x256xf32>
    %max3A_213 = arith.constant 0.000000e+00 : f32
    %max3A_214 = vector.broadcast %max3A_213 : f32 to vector<256x256xf32>
    %max3A_215 = arith.maximumf %add3A_212, %max3A_214 : vector<256x256xf32>
    %add3A_216 = arith.addf %add3A_204, %max3A_215 : vector<256x256xf32>
    %get3A_217 = arith.constant 17 : index
    %get3A_218 = arith.constant 0 : index
    %get3A_219 = arith.constant 0 : index
    %get3A_220 = vector.load %arg2[%get3A_217, %get3A_218, %get3A_219] : memref<20x256x128xf32, #tpu.memory_space<vmem>>, vector<1x256x128xf32>
    %get3A_221 = vector.shape_cast %get3A_220 : vector<1x256x128xf32> to vector<256x128xf32>
    %dot_general3A_222 = arith.constant dense<0.000000e+00> : vector<256x256xf32>
    %dot_general3A_223 = tpu.matmul %get3A_221, %get3A_13, %dot_general3A_222 {dimension_numbers = #tpu.dot_dimension_numbers<[1], [0], [0], [1], [0, 0, 1, 1], [], []>, transpose_lhs_hint = false} : vector<256x128xf32>, vector<128x256xf32>, vector<256x256xf32> -> vector<256x256xf32>
    %add3A_224 = arith.addf %add3A_9, %dot_general3A_223 : vector<256x256xf32>
    %max3A_225 = arith.constant 0.000000e+00 : f32
    %max3A_226 = vector.broadcast %max3A_225 : f32 to vector<256x256xf32>
    %max3A_227 = arith.maximumf %add3A_224, %max3A_226 : vector<256x256xf32>
    %add3A_228 = arith.addf %add3A_216, %max3A_227 : vector<256x256xf32>
    %get3A_229 = arith.constant 18 : index
    %get3A_230 = arith.constant 0 : index
    %get3A_231 = arith.constant 0 : index
    %get3A_232 = vector.load %arg2[%get3A_229, %get3A_230, %get3A_231] : memref<20x256x128xf32, #tpu.memory_space<vmem>>, vector<1x256x128xf32>
    %get3A_233 = vector.shape_cast %get3A_232 : vector<1x256x128xf32> to vector<256x128xf32>
    %dot_general3A_234 = arith.constant dense<0.000000e+00> : vector<256x256xf32>
    %dot_general3A_235 = tpu.matmul %get3A_233, %get3A_13, %dot_general3A_234 {dimension_numbers = #tpu.dot_dimension_numbers<[1], [0], [0], [1], [0, 0, 1, 1], [], []>, transpose_lhs_hint = false} : vector<256x128xf32>, vector<128x256xf32>, vector<256x256xf32> -> vector<256x256xf32>
    %add3A_236 = arith.addf %add3A_9, %dot_general3A_235 : vector<256x256xf32>
    %max3A_237 = arith.constant 0.000000e+00 : f32
    %max3A_238 = vector.broadcast %max3A_237 : f32 to vector<256x256xf32>
    %max3A_239 = arith.maximumf %add3A_236, %max3A_238 : vector<256x256xf32>
    %add3A_240 = arith.addf %add3A_228, %max3A_239 : vector<256x256xf32>
    %get3A_241 = arith.constant 19 : index
    %get3A_242 = arith.constant 0 : index
    %get3A_243 = arith.constant 0 : index
    %get3A_244 = vector.load %arg2[%get3A_241, %get3A_242, %get3A_243] : memref<20x256x128xf32, #tpu.memory_space<vmem>>, vector<1x256x128xf32>
    %get3A_245 = vector.shape_cast %get3A_244 : vector<1x256x128xf32> to vector<256x128xf32>
    %dot_general3A_246 = arith.constant dense<0.000000e+00> : vector<256x256xf32>
    %dot_general3A_247 = tpu.matmul %get3A_245, %get3A_13, %dot_general3A_246 {dimension_numbers = #tpu.dot_dimension_numbers<[1], [0], [0], [1], [0, 0, 1, 1], [], []>, transpose_lhs_hint = false} : vector<256x128xf32>, vector<128x256xf32>, vector<256x256xf32> -> vector<256x256xf32>
    %add3A_248 = arith.addf %add3A_9, %dot_general3A_247 : vector<256x256xf32>
    %max3A_249 = arith.constant 0.000000e+00 : f32
    %max3A_250 = vector.broadcast %max3A_249 : f32 to vector<256x256xf32>
    %max3A_251 = arith.maximumf %add3A_248, %max3A_250 : vector<256x256xf32>
    %add3A_252 = arith.addf %add3A_240, %max3A_251 : vector<256x256xf32>
    %get3A_253 = arith.constant 0 : index
    %get3A_254 = arith.constant 0 : index
    %get3A_255 = vector.load %arg12[%get3A_253, %get3A_254] : memref<256x128xf32, #tpu.memory_space<vmem>>, vector<256x128xf32>
    %dot_general3A_256 = arith.constant dense<0.000000e+00> : vector<256x128xf32>
    %dot_general3A_257 = tpu.matmul %add3A_252, %get3A_255, %dot_general3A_256 {dimension_numbers = #tpu.dot_dimension_numbers<[1], [0], [0], [1], [0, 0, 1, 1], [], []>, transpose_lhs_hint = false} : vector<256x256xf32>, vector<256x128xf32>, vector<256x128xf32> -> vector<256x128xf32>
    %get3A_258 = arith.constant 0 : index
    %get3A_259 = arith.constant 0 : index
    %get3A_260 = vector.load %arg13[%get3A_258, %get3A_259] : memref<1x128xf32, #tpu.memory_space<vmem>>, vector<1x128xf32>
    %add3A_261 = vector.broadcast %get3A_260 : vector<1x128xf32> to vector<256x128xf32>
    %add3A_262 = arith.addf %dot_general3A_257, %add3A_261 : vector<256x128xf32>
    %get3A_263 = arith.constant 0 : index
    %get3A_264 = arith.constant 0 : index
    %get3A_265 = vector.load %arg14[%get3A_263, %get3A_264] : memref<256x2xf32, #tpu.memory_space<vmem>>, vector<256x2xf32>
    %dot_general3A_266 = arith.constant dense<0.000000e+00> : vector<256x2xf32>
    %dot_general3A_267 = tpu.matmul %add3A_252, %get3A_265, %dot_general3A_266 {dimension_numbers = #tpu.dot_dimension_numbers<[1], [0], [0], [1], [0, 0, 1, 1], [], []>, transpose_lhs_hint = false} : vector<256x256xf32>, vector<256x2xf32>, vector<256x2xf32> -> vector<256x2xf32>
    %get3A_268 = arith.constant 0 : index
    %get3A_269 = arith.constant 0 : index
    %get3A_270 = vector.load %arg15[%get3A_268, %get3A_269] : memref<1x2xf32, #tpu.memory_space<vmem>>, vector<1x2xf32>
    %add3A_271 = vector.broadcast %get3A_270 : vector<1x2xf32> to vector<256x2xf32>
    %add3A_272 = arith.addf %dot_general3A_267, %add3A_271 : vector<256x2xf32>
    %max3A_273 = arith.constant 0.000000e+00 : f32
    %max3A_274 = vector.broadcast %max3A_273 : f32 to vector<256x2xf32>
    %max3A_275 = arith.maximumf %add3A_272, %max3A_274 : vector<256x2xf32>
    %abs3A = math.absf %add3A_272 : vector<256x2xf32>
    %neg3A = arith.constant 0.000000e+00 : f32
    %neg3A_276 = vector.broadcast %neg3A : f32 to vector<256x2xf32>
    %neg3A_277 = arith.subf %neg3A_276, %abs3A : vector<256x2xf32>
    %exp3A = math.exp %neg3A_277 : vector<256x2xf32>
    %add3A_278 = arith.constant 1.000000e+00 : f32
    %add3A_279 = vector.broadcast %add3A_278 : f32 to vector<256x2xf32>
    %add3A_280 = arith.addf %add3A_279, %exp3A : vector<256x2xf32>
    %log3A = math.log %add3A_280 : vector<256x2xf32>
    %add3A_281 = arith.addf %max3A_275, %log3A : vector<256x2xf32>
    %add3A_282 = arith.constant 9.99999997E-7 : f32
    %add3A_283 = vector.broadcast %add3A_282 : f32 to vector<256x2xf32>
    %add3A_284 = arith.addf %add3A_281, %add3A_283 : vector<256x2xf32>
    %log3A_285 = math.log %add3A_284 : vector<256x2xf32>
    %mul3A = arith.constant 6.400000e+01 : f32
    %mul3A_286 = vector.broadcast %mul3A : f32 to vector<256x2xf32>
    %mul3A_287 = arith.mulf %mul3A_286, %add3A_284 : vector<256x2xf32>
    %mul3A_288 = arith.mulf %mul3A_287, %add3A_284 : vector<256x2xf32>
    %get3A_289 = arith.constant 0 : index
    %get3A_290 = arith.constant 0 : index
    %get3A_291 = vector.load %arg3[%get3A_289, %get3A_290] : memref<256x128xf32, #tpu.memory_space<vmem>>, vector<256x128xf32>
    %sub3A = arith.subf %add3A_262, %get3A_291 : vector<256x128xf32>
    %mul3A_292 = arith.mulf %sub3A, %sub3A : vector<256x128xf32>
    %get3A_293 = arith.constant 0 : index
    %get3A_294 = arith.constant 0 : index
    %get3A_295 = vector.load %arg16[%get3A_293, %get3A_294] : memref<128x2xf32, #tpu.memory_space<vmem>>, vector<128x2xf32>
    %dot_general3A_296 = arith.constant dense<0.000000e+00> : vector<256x2xf32>
    %dot_general3A_297 = tpu.matmul %mul3A_292, %get3A_295, %dot_general3A_296 {dimension_numbers = #tpu.dot_dimension_numbers<[1], [0], [0], [1], [0, 0, 1, 1], [], []>, transpose_lhs_hint = false} : vector<256x128xf32>, vector<128x2xf32>, vector<256x2xf32> -> vector<256x2xf32>
    %get3A_298 = arith.constant 0 : index
    %get3A_299 = arith.constant 0 : index
    %get3A_300 = vector.load %arg6[%get3A_298, %get3A_299] : memref<256x2xf32, #tpu.memory_space<vmem>>, vector<256x2xf32>
    %sub3A_301 = arith.subf %get3A_300, %log3A_285 : vector<256x2xf32>
    %mul3A_302 = arith.constant 6.400000e+01 : f32
    %mul3A_303 = vector.broadcast %mul3A_302 : f32 to vector<256x2xf32>
    %mul3A_304 = arith.mulf %mul3A_303, %sub3A_301 : vector<256x2xf32>
    %add3A_305 = arith.addf %mul3A_288, %dot_general3A_297 : vector<256x2xf32>
    %mul3A_306 = arith.constant -2.000000e+00 : f32
    %mul3A_307 = vector.broadcast %mul3A_306 : f32 to vector<256x2xf32>
    %mul3A_308 = arith.mulf %mul3A_307, %get3A_300 : vector<256x2xf32>
    %exp3A_309 = math.exp %mul3A_308 : vector<256x2xf32>
    %mul3A_310 = arith.constant 5.000000e-01 : f32
    %mul3A_311 = vector.broadcast %mul3A_310 : f32 to vector<256x2xf32>
    %mul3A_312 = arith.mulf %mul3A_311, %exp3A_309 : vector<256x2xf32>
    %mul3A_313 = arith.mulf %add3A_305, %mul3A_312 : vector<256x2xf32>
    %add3A_314 = arith.addf %mul3A_304, %mul3A_313 : vector<256x2xf32>
    %sub3A_315 = arith.constant 3.200000e+01 : f32
    %sub3A_316 = vector.broadcast %sub3A_315 : f32 to vector<256x2xf32>
    %sub3A_317 = arith.subf %add3A_314, %sub3A_316 : vector<256x2xf32>
    %reduce_sum3A = vector.shape_cast %sub3A_317 : vector<256x2xf32> to vector<1x256x2xf32>
    %reduce_sum3A_318 = arith.constant dense<0.000000e+00> : vector<1xf32>
    %reduce_sum3A_319 = vector.multi_reduction <add>, %reduce_sum3A, %reduce_sum3A_318 [1, 2] : vector<1x256x2xf32> to vector<1xf32>
    %reduce_sum3A_320 = vector.shape_cast %reduce_sum3A_319 : vector<1xf32> to vector<1x1x1xf32>
    %reduce_sum3A_321 = vector.extract %reduce_sum3A_320[0, 0, 0] : f32 from vector<1x1x1xf32>
    %broadcast_in_dim3A_322 = vector.broadcast %reduce_sum3A_321 : f32 to vector<1x1xf32>
    %get3A_323 = arith.constant 0 : index
    %get3A_324 = arith.constant 0 : index
    %get3A_325 = vector.load %arg18[%get3A_323, %get3A_324] : memref<2x40xf32, #tpu.memory_space<vmem>>, vector<2x40xf32>
    %dot_general3A_326 = arith.constant dense<0.000000e+00> : vector<256x40xf32>
    %dot_general3A_327 = tpu.matmul %log3A_285, %get3A_325, %dot_general3A_326 {dimension_numbers = #tpu.dot_dimension_numbers<[1], [0], [0], [1], [0, 0, 1, 1], [], []>, transpose_lhs_hint = false} : vector<256x2xf32>, vector<2x40xf32>, vector<256x40xf32> -> vector<256x40xf32>
    %dot_general3A_328 = arith.constant dense<0.000000e+00> : vector<256x40xf32>
    %dot_general3A_329 = tpu.matmul %mul3A_288, %get3A_325, %dot_general3A_328 {dimension_numbers = #tpu.dot_dimension_numbers<[1], [0], [0], [1], [0, 0, 1, 1], [], []>, transpose_lhs_hint = false} : vector<256x2xf32>, vector<2x40xf32>, vector<256x40xf32> -> vector<256x40xf32>
    %broadcast_in_dim3A_330 = arith.constant 0.000000e+00 : f32
    %broadcast_in_dim3A_331 = vector.broadcast %broadcast_in_dim3A_330 : f32 to vector<256x40xf32>
    %broadcast_in_dim3A_332 = arith.constant 0.000000e+00 : f32
    %broadcast_in_dim3A_333 = vector.broadcast %broadcast_in_dim3A_332 : f32 to vector<256x40xf32>
    %get3A_334 = arith.constant 0 : index
    %get3A_335 = arith.constant 0 : index
    %get3A_336 = arith.constant 0 : index
    %get3A_337 = vector.load %arg17[%get3A_334, %get3A_335, %get3A_336] : memref<20x128x40xf32, #tpu.memory_space<vmem>>, vector<1x128x40xf32>
    %get3A_338 = vector.shape_cast %get3A_337 : vector<1x128x40xf32> to vector<128x40xf32>
    %get3A_339 = arith.constant 0 : index
    %get3A_340 = arith.constant 0 : index
    %get3A_341 = arith.constant 0 : index
    %get3A_342 = vector.load %arg4[%get3A_339, %get3A_340, %get3A_341] : memref<20x256x128xf32, #tpu.memory_space<vmem>>, vector<1x256x128xf32>
    %get3A_343 = vector.shape_cast %get3A_342 : vector<1x256x128xf32> to vector<256x128xf32>
    %sub3A_344 = arith.subf %add3A_262, %get3A_343 : vector<256x128xf32>
    %get3A_345 = arith.constant 0 : index
    %get3A_346 = arith.constant 0 : index
    %get3A_347 = arith.constant 0 : index
    %get3A_348 = vector.load %arg5[%get3A_345, %get3A_346, %get3A_347] : memref<20x256x128xf32, #tpu.memory_space<vmem>>, vector<1x256x128xf32>
    %get3A_349 = vector.shape_cast %get3A_348 : vector<1x256x128xf32> to vector<256x128xf32>
    %sub3A_350 = arith.subf %add3A_262, %get3A_349 : vector<256x128xf32>
    %mul3A_351 = arith.mulf %sub3A_344, %sub3A_344 : vector<256x128xf32>
    %dot_general3A_352 = arith.constant dense<0.000000e+00> : vector<256x40xf32>
    %dot_general3A_353 = tpu.matmul %mul3A_351, %get3A_338, %dot_general3A_352 {dimension_numbers = #tpu.dot_dimension_numbers<[1], [0], [0], [1], [0, 0, 1, 1], [], []>, transpose_lhs_hint = false} : vector<256x128xf32>, vector<128x40xf32>, vector<256x40xf32> -> vector<256x40xf32>
    %add3A_354 = arith.addf %broadcast_in_dim3A_331, %dot_general3A_353 : vector<256x40xf32>
    %mul3A_355 = arith.mulf %sub3A_350, %sub3A_350 : vector<256x128xf32>
    %dot_general3A_356 = arith.constant dense<0.000000e+00> : vector<256x40xf32>
    %dot_general3A_357 = tpu.matmul %mul3A_355, %get3A_338, %dot_general3A_356 {dimension_numbers = #tpu.dot_dimension_numbers<[1], [0], [0], [1], [0, 0, 1, 1], [], []>, transpose_lhs_hint = false} : vector<256x128xf32>, vector<128x40xf32>, vector<256x40xf32> -> vector<256x40xf32>
    %add3A_358 = arith.addf %broadcast_in_dim3A_333, %dot_general3A_357 : vector<256x40xf32>
    %get3A_359 = arith.constant 1 : index
    %get3A_360 = arith.constant 0 : index
    %get3A_361 = arith.constant 0 : index
    %get3A_362 = vector.load %arg17[%get3A_359, %get3A_360, %get3A_361] : memref<20x128x40xf32, #tpu.memory_space<vmem>>, vector<1x128x40xf32>
    %get3A_363 = vector.shape_cast %get3A_362 : vector<1x128x40xf32> to vector<128x40xf32>
    %get3A_364 = arith.constant 1 : index
    %get3A_365 = arith.constant 0 : index
    %get3A_366 = arith.constant 0 : index
    %get3A_367 = vector.load %arg4[%get3A_364, %get3A_365, %get3A_366] : memref<20x256x128xf32, #tpu.memory_space<vmem>>, vector<1x256x128xf32>
    %get3A_368 = vector.shape_cast %get3A_367 : vector<1x256x128xf32> to vector<256x128xf32>
    %sub3A_369 = arith.subf %add3A_262, %get3A_368 : vector<256x128xf32>
    %get3A_370 = arith.constant 1 : index
    %get3A_371 = arith.constant 0 : index
    %get3A_372 = arith.constant 0 : index
    %get3A_373 = vector.load %arg5[%get3A_370, %get3A_371, %get3A_372] : memref<20x256x128xf32, #tpu.memory_space<vmem>>, vector<1x256x128xf32>
    %get3A_374 = vector.shape_cast %get3A_373 : vector<1x256x128xf32> to vector<256x128xf32>
    %sub3A_375 = arith.subf %add3A_262, %get3A_374 : vector<256x128xf32>
    %mul3A_376 = arith.mulf %sub3A_369, %sub3A_369 : vector<256x128xf32>
    %dot_general3A_377 = arith.constant dense<0.000000e+00> : vector<256x40xf32>
    %dot_general3A_378 = tpu.matmul %mul3A_376, %get3A_363, %dot_general3A_377 {dimension_numbers = #tpu.dot_dimension_numbers<[1], [0], [0], [1], [0, 0, 1, 1], [], []>, transpose_lhs_hint = false} : vector<256x128xf32>, vector<128x40xf32>, vector<256x40xf32> -> vector<256x40xf32>
    %add3A_379 = arith.addf %add3A_354, %dot_general3A_378 : vector<256x40xf32>
    %mul3A_380 = arith.mulf %sub3A_375, %sub3A_375 : vector<256x128xf32>
    %dot_general3A_381 = arith.constant dense<0.000000e+00> : vector<256x40xf32>
    %dot_general3A_382 = tpu.matmul %mul3A_380, %get3A_363, %dot_general3A_381 {dimension_numbers = #tpu.dot_dimension_numbers<[1], [0], [0], [1], [0, 0, 1, 1], [], []>, transpose_lhs_hint = false} : vector<256x128xf32>, vector<128x40xf32>, vector<256x40xf32> -> vector<256x40xf32>
    %add3A_383 = arith.addf %add3A_358, %dot_general3A_382 : vector<256x40xf32>
    %get3A_384 = arith.constant 2 : index
    %get3A_385 = arith.constant 0 : index
    %get3A_386 = arith.constant 0 : index
    %get3A_387 = vector.load %arg17[%get3A_384, %get3A_385, %get3A_386] : memref<20x128x40xf32, #tpu.memory_space<vmem>>, vector<1x128x40xf32>
    %get3A_388 = vector.shape_cast %get3A_387 : vector<1x128x40xf32> to vector<128x40xf32>
    %get3A_389 = arith.constant 2 : index
    %get3A_390 = arith.constant 0 : index
    %get3A_391 = arith.constant 0 : index
    %get3A_392 = vector.load %arg4[%get3A_389, %get3A_390, %get3A_391] : memref<20x256x128xf32, #tpu.memory_space<vmem>>, vector<1x256x128xf32>
    %get3A_393 = vector.shape_cast %get3A_392 : vector<1x256x128xf32> to vector<256x128xf32>
    %sub3A_394 = arith.subf %add3A_262, %get3A_393 : vector<256x128xf32>
    %get3A_395 = arith.constant 2 : index
    %get3A_396 = arith.constant 0 : index
    %get3A_397 = arith.constant 0 : index
    %get3A_398 = vector.load %arg5[%get3A_395, %get3A_396, %get3A_397] : memref<20x256x128xf32, #tpu.memory_space<vmem>>, vector<1x256x128xf32>
    %get3A_399 = vector.shape_cast %get3A_398 : vector<1x256x128xf32> to vector<256x128xf32>
    %sub3A_400 = arith.subf %add3A_262, %get3A_399 : vector<256x128xf32>
    %mul3A_401 = arith.mulf %sub3A_394, %sub3A_394 : vector<256x128xf32>
    %dot_general3A_402 = arith.constant dense<0.000000e+00> : vector<256x40xf32>
    %dot_general3A_403 = tpu.matmul %mul3A_401, %get3A_388, %dot_general3A_402 {dimension_numbers = #tpu.dot_dimension_numbers<[1], [0], [0], [1], [0, 0, 1, 1], [], []>, transpose_lhs_hint = false} : vector<256x128xf32>, vector<128x40xf32>, vector<256x40xf32> -> vector<256x40xf32>
    %add3A_404 = arith.addf %add3A_379, %dot_general3A_403 : vector<256x40xf32>
    %mul3A_405 = arith.mulf %sub3A_400, %sub3A_400 : vector<256x128xf32>
    %dot_general3A_406 = arith.constant dense<0.000000e+00> : vector<256x40xf32>
    %dot_general3A_407 = tpu.matmul %mul3A_405, %get3A_388, %dot_general3A_406 {dimension_numbers = #tpu.dot_dimension_numbers<[1], [0], [0], [1], [0, 0, 1, 1], [], []>, transpose_lhs_hint = false} : vector<256x128xf32>, vector<128x40xf32>, vector<256x40xf32> -> vector<256x40xf32>
    %add3A_408 = arith.addf %add3A_383, %dot_general3A_407 : vector<256x40xf32>
    %get3A_409 = arith.constant 3 : index
    %get3A_410 = arith.constant 0 : index
    %get3A_411 = arith.constant 0 : index
    %get3A_412 = vector.load %arg17[%get3A_409, %get3A_410, %get3A_411] : memref<20x128x40xf32, #tpu.memory_space<vmem>>, vector<1x128x40xf32>
    %get3A_413 = vector.shape_cast %get3A_412 : vector<1x128x40xf32> to vector<128x40xf32>
    %get3A_414 = arith.constant 3 : index
    %get3A_415 = arith.constant 0 : index
    %get3A_416 = arith.constant 0 : index
    %get3A_417 = vector.load %arg4[%get3A_414, %get3A_415, %get3A_416] : memref<20x256x128xf32, #tpu.memory_space<vmem>>, vector<1x256x128xf32>
    %get3A_418 = vector.shape_cast %get3A_417 : vector<1x256x128xf32> to vector<256x128xf32>
    %sub3A_419 = arith.subf %add3A_262, %get3A_418 : vector<256x128xf32>
    %get3A_420 = arith.constant 3 : index
    %get3A_421 = arith.constant 0 : index
    %get3A_422 = arith.constant 0 : index
    %get3A_423 = vector.load %arg5[%get3A_420, %get3A_421, %get3A_422] : memref<20x256x128xf32, #tpu.memory_space<vmem>>, vector<1x256x128xf32>
    %get3A_424 = vector.shape_cast %get3A_423 : vector<1x256x128xf32> to vector<256x128xf32>
    %sub3A_425 = arith.subf %add3A_262, %get3A_424 : vector<256x128xf32>
    %mul3A_426 = arith.mulf %sub3A_419, %sub3A_419 : vector<256x128xf32>
    %dot_general3A_427 = arith.constant dense<0.000000e+00> : vector<256x40xf32>
    %dot_general3A_428 = tpu.matmul %mul3A_426, %get3A_413, %dot_general3A_427 {dimension_numbers = #tpu.dot_dimension_numbers<[1], [0], [0], [1], [0, 0, 1, 1], [], []>, transpose_lhs_hint = false} : vector<256x128xf32>, vector<128x40xf32>, vector<256x40xf32> -> vector<256x40xf32>
    %add3A_429 = arith.addf %add3A_404, %dot_general3A_428 : vector<256x40xf32>
    %mul3A_430 = arith.mulf %sub3A_425, %sub3A_425 : vector<256x128xf32>
    %dot_general3A_431 = arith.constant dense<0.000000e+00> : vector<256x40xf32>
    %dot_general3A_432 = tpu.matmul %mul3A_430, %get3A_413, %dot_general3A_431 {dimension_numbers = #tpu.dot_dimension_numbers<[1], [0], [0], [1], [0, 0, 1, 1], [], []>, transpose_lhs_hint = false} : vector<256x128xf32>, vector<128x40xf32>, vector<256x40xf32> -> vector<256x40xf32>
    %add3A_433 = arith.addf %add3A_408, %dot_general3A_432 : vector<256x40xf32>
    %get3A_434 = arith.constant 4 : index
    %get3A_435 = arith.constant 0 : index
    %get3A_436 = arith.constant 0 : index
    %get3A_437 = vector.load %arg17[%get3A_434, %get3A_435, %get3A_436] : memref<20x128x40xf32, #tpu.memory_space<vmem>>, vector<1x128x40xf32>
    %get3A_438 = vector.shape_cast %get3A_437 : vector<1x128x40xf32> to vector<128x40xf32>
    %get3A_439 = arith.constant 4 : index
    %get3A_440 = arith.constant 0 : index
    %get3A_441 = arith.constant 0 : index
    %get3A_442 = vector.load %arg4[%get3A_439, %get3A_440, %get3A_441] : memref<20x256x128xf32, #tpu.memory_space<vmem>>, vector<1x256x128xf32>
    %get3A_443 = vector.shape_cast %get3A_442 : vector<1x256x128xf32> to vector<256x128xf32>
    %sub3A_444 = arith.subf %add3A_262, %get3A_443 : vector<256x128xf32>
    %get3A_445 = arith.constant 4 : index
    %get3A_446 = arith.constant 0 : index
    %get3A_447 = arith.constant 0 : index
    %get3A_448 = vector.load %arg5[%get3A_445, %get3A_446, %get3A_447] : memref<20x256x128xf32, #tpu.memory_space<vmem>>, vector<1x256x128xf32>
    %get3A_449 = vector.shape_cast %get3A_448 : vector<1x256x128xf32> to vector<256x128xf32>
    %sub3A_450 = arith.subf %add3A_262, %get3A_449 : vector<256x128xf32>
    %mul3A_451 = arith.mulf %sub3A_444, %sub3A_444 : vector<256x128xf32>
    %dot_general3A_452 = arith.constant dense<0.000000e+00> : vector<256x40xf32>
    %dot_general3A_453 = tpu.matmul %mul3A_451, %get3A_438, %dot_general3A_452 {dimension_numbers = #tpu.dot_dimension_numbers<[1], [0], [0], [1], [0, 0, 1, 1], [], []>, transpose_lhs_hint = false} : vector<256x128xf32>, vector<128x40xf32>, vector<256x40xf32> -> vector<256x40xf32>
    %add3A_454 = arith.addf %add3A_429, %dot_general3A_453 : vector<256x40xf32>
    %mul3A_455 = arith.mulf %sub3A_450, %sub3A_450 : vector<256x128xf32>
    %dot_general3A_456 = arith.constant dense<0.000000e+00> : vector<256x40xf32>
    %dot_general3A_457 = tpu.matmul %mul3A_455, %get3A_438, %dot_general3A_456 {dimension_numbers = #tpu.dot_dimension_numbers<[1], [0], [0], [1], [0, 0, 1, 1], [], []>, transpose_lhs_hint = false} : vector<256x128xf32>, vector<128x40xf32>, vector<256x40xf32> -> vector<256x40xf32>
    %add3A_458 = arith.addf %add3A_433, %dot_general3A_457 : vector<256x40xf32>
    %get3A_459 = arith.constant 5 : index
    %get3A_460 = arith.constant 0 : index
    %get3A_461 = arith.constant 0 : index
    %get3A_462 = vector.load %arg17[%get3A_459, %get3A_460, %get3A_461] : memref<20x128x40xf32, #tpu.memory_space<vmem>>, vector<1x128x40xf32>
    %get3A_463 = vector.shape_cast %get3A_462 : vector<1x128x40xf32> to vector<128x40xf32>
    %get3A_464 = arith.constant 5 : index
    %get3A_465 = arith.constant 0 : index
    %get3A_466 = arith.constant 0 : index
    %get3A_467 = vector.load %arg4[%get3A_464, %get3A_465, %get3A_466] : memref<20x256x128xf32, #tpu.memory_space<vmem>>, vector<1x256x128xf32>
    %get3A_468 = vector.shape_cast %get3A_467 : vector<1x256x128xf32> to vector<256x128xf32>
    %sub3A_469 = arith.subf %add3A_262, %get3A_468 : vector<256x128xf32>
    %get3A_470 = arith.constant 5 : index
    %get3A_471 = arith.constant 0 : index
    %get3A_472 = arith.constant 0 : index
    %get3A_473 = vector.load %arg5[%get3A_470, %get3A_471, %get3A_472] : memref<20x256x128xf32, #tpu.memory_space<vmem>>, vector<1x256x128xf32>
    %get3A_474 = vector.shape_cast %get3A_473 : vector<1x256x128xf32> to vector<256x128xf32>
    %sub3A_475 = arith.subf %add3A_262, %get3A_474 : vector<256x128xf32>
    %mul3A_476 = arith.mulf %sub3A_469, %sub3A_469 : vector<256x128xf32>
    %dot_general3A_477 = arith.constant dense<0.000000e+00> : vector<256x40xf32>
    %dot_general3A_478 = tpu.matmul %mul3A_476, %get3A_463, %dot_general3A_477 {dimension_numbers = #tpu.dot_dimension_numbers<[1], [0], [0], [1], [0, 0, 1, 1], [], []>, transpose_lhs_hint = false} : vector<256x128xf32>, vector<128x40xf32>, vector<256x40xf32> -> vector<256x40xf32>
    %add3A_479 = arith.addf %add3A_454, %dot_general3A_478 : vector<256x40xf32>
    %mul3A_480 = arith.mulf %sub3A_475, %sub3A_475 : vector<256x128xf32>
    %dot_general3A_481 = arith.constant dense<0.000000e+00> : vector<256x40xf32>
    %dot_general3A_482 = tpu.matmul %mul3A_480, %get3A_463, %dot_general3A_481 {dimension_numbers = #tpu.dot_dimension_numbers<[1], [0], [0], [1], [0, 0, 1, 1], [], []>, transpose_lhs_hint = false} : vector<256x128xf32>, vector<128x40xf32>, vector<256x40xf32> -> vector<256x40xf32>
    %add3A_483 = arith.addf %add3A_458, %dot_general3A_482 : vector<256x40xf32>
    %get3A_484 = arith.constant 6 : index
    %get3A_485 = arith.constant 0 : index
    %get3A_486 = arith.constant 0 : index
    %get3A_487 = vector.load %arg17[%get3A_484, %get3A_485, %get3A_486] : memref<20x128x40xf32, #tpu.memory_space<vmem>>, vector<1x128x40xf32>
    %get3A_488 = vector.shape_cast %get3A_487 : vector<1x128x40xf32> to vector<128x40xf32>
    %get3A_489 = arith.constant 6 : index
    %get3A_490 = arith.constant 0 : index
    %get3A_491 = arith.constant 0 : index
    %get3A_492 = vector.load %arg4[%get3A_489, %get3A_490, %get3A_491] : memref<20x256x128xf32, #tpu.memory_space<vmem>>, vector<1x256x128xf32>
    %get3A_493 = vector.shape_cast %get3A_492 : vector<1x256x128xf32> to vector<256x128xf32>
    %sub3A_494 = arith.subf %add3A_262, %get3A_493 : vector<256x128xf32>
    %get3A_495 = arith.constant 6 : index
    %get3A_496 = arith.constant 0 : index
    %get3A_497 = arith.constant 0 : index
    %get3A_498 = vector.load %arg5[%get3A_495, %get3A_496, %get3A_497] : memref<20x256x128xf32, #tpu.memory_space<vmem>>, vector<1x256x128xf32>
    %get3A_499 = vector.shape_cast %get3A_498 : vector<1x256x128xf32> to vector<256x128xf32>
    %sub3A_500 = arith.subf %add3A_262, %get3A_499 : vector<256x128xf32>
    %mul3A_501 = arith.mulf %sub3A_494, %sub3A_494 : vector<256x128xf32>
    %dot_general3A_502 = arith.constant dense<0.000000e+00> : vector<256x40xf32>
    %dot_general3A_503 = tpu.matmul %mul3A_501, %get3A_488, %dot_general3A_502 {dimension_numbers = #tpu.dot_dimension_numbers<[1], [0], [0], [1], [0, 0, 1, 1], [], []>, transpose_lhs_hint = false} : vector<256x128xf32>, vector<128x40xf32>, vector<256x40xf32> -> vector<256x40xf32>
    %add3A_504 = arith.addf %add3A_479, %dot_general3A_503 : vector<256x40xf32>
    %mul3A_505 = arith.mulf %sub3A_500, %sub3A_500 : vector<256x128xf32>
    %dot_general3A_506 = arith.constant dense<0.000000e+00> : vector<256x40xf32>
    %dot_general3A_507 = tpu.matmul %mul3A_505, %get3A_488, %dot_general3A_506 {dimension_numbers = #tpu.dot_dimension_numbers<[1], [0], [0], [1], [0, 0, 1, 1], [], []>, transpose_lhs_hint = false} : vector<256x128xf32>, vector<128x40xf32>, vector<256x40xf32> -> vector<256x40xf32>
    %add3A_508 = arith.addf %add3A_483, %dot_general3A_507 : vector<256x40xf32>
    %get3A_509 = arith.constant 7 : index
    %get3A_510 = arith.constant 0 : index
    %get3A_511 = arith.constant 0 : index
    %get3A_512 = vector.load %arg17[%get3A_509, %get3A_510, %get3A_511] : memref<20x128x40xf32, #tpu.memory_space<vmem>>, vector<1x128x40xf32>
    %get3A_513 = vector.shape_cast %get3A_512 : vector<1x128x40xf32> to vector<128x40xf32>
    %get3A_514 = arith.constant 7 : index
    %get3A_515 = arith.constant 0 : index
    %get3A_516 = arith.constant 0 : index
    %get3A_517 = vector.load %arg4[%get3A_514, %get3A_515, %get3A_516] : memref<20x256x128xf32, #tpu.memory_space<vmem>>, vector<1x256x128xf32>
    %get3A_518 = vector.shape_cast %get3A_517 : vector<1x256x128xf32> to vector<256x128xf32>
    %sub3A_519 = arith.subf %add3A_262, %get3A_518 : vector<256x128xf32>
    %get3A_520 = arith.constant 7 : index
    %get3A_521 = arith.constant 0 : index
    %get3A_522 = arith.constant 0 : index
    %get3A_523 = vector.load %arg5[%get3A_520, %get3A_521, %get3A_522] : memref<20x256x128xf32, #tpu.memory_space<vmem>>, vector<1x256x128xf32>
    %get3A_524 = vector.shape_cast %get3A_523 : vector<1x256x128xf32> to vector<256x128xf32>
    %sub3A_525 = arith.subf %add3A_262, %get3A_524 : vector<256x128xf32>
    %mul3A_526 = arith.mulf %sub3A_519, %sub3A_519 : vector<256x128xf32>
    %dot_general3A_527 = arith.constant dense<0.000000e+00> : vector<256x40xf32>
    %dot_general3A_528 = tpu.matmul %mul3A_526, %get3A_513, %dot_general3A_527 {dimension_numbers = #tpu.dot_dimension_numbers<[1], [0], [0], [1], [0, 0, 1, 1], [], []>, transpose_lhs_hint = false} : vector<256x128xf32>, vector<128x40xf32>, vector<256x40xf32> -> vector<256x40xf32>
    %add3A_529 = arith.addf %add3A_504, %dot_general3A_528 : vector<256x40xf32>
    %mul3A_530 = arith.mulf %sub3A_525, %sub3A_525 : vector<256x128xf32>
    %dot_general3A_531 = arith.constant dense<0.000000e+00> : vector<256x40xf32>
    %dot_general3A_532 = tpu.matmul %mul3A_530, %get3A_513, %dot_general3A_531 {dimension_numbers = #tpu.dot_dimension_numbers<[1], [0], [0], [1], [0, 0, 1, 1], [], []>, transpose_lhs_hint = false} : vector<256x128xf32>, vector<128x40xf32>, vector<256x40xf32> -> vector<256x40xf32>
    %add3A_533 = arith.addf %add3A_508, %dot_general3A_532 : vector<256x40xf32>
    %get3A_534 = arith.constant 8 : index
    %get3A_535 = arith.constant 0 : index
    %get3A_536 = arith.constant 0 : index
    %get3A_537 = vector.load %arg17[%get3A_534, %get3A_535, %get3A_536] : memref<20x128x40xf32, #tpu.memory_space<vmem>>, vector<1x128x40xf32>
    %get3A_538 = vector.shape_cast %get3A_537 : vector<1x128x40xf32> to vector<128x40xf32>
    %get3A_539 = arith.constant 8 : index
    %get3A_540 = arith.constant 0 : index
    %get3A_541 = arith.constant 0 : index
    %get3A_542 = vector.load %arg4[%get3A_539, %get3A_540, %get3A_541] : memref<20x256x128xf32, #tpu.memory_space<vmem>>, vector<1x256x128xf32>
    %get3A_543 = vector.shape_cast %get3A_542 : vector<1x256x128xf32> to vector<256x128xf32>
    %sub3A_544 = arith.subf %add3A_262, %get3A_543 : vector<256x128xf32>
    %get3A_545 = arith.constant 8 : index
    %get3A_546 = arith.constant 0 : index
    %get3A_547 = arith.constant 0 : index
    %get3A_548 = vector.load %arg5[%get3A_545, %get3A_546, %get3A_547] : memref<20x256x128xf32, #tpu.memory_space<vmem>>, vector<1x256x128xf32>
    %get3A_549 = vector.shape_cast %get3A_548 : vector<1x256x128xf32> to vector<256x128xf32>
    %sub3A_550 = arith.subf %add3A_262, %get3A_549 : vector<256x128xf32>
    %mul3A_551 = arith.mulf %sub3A_544, %sub3A_544 : vector<256x128xf32>
    %dot_general3A_552 = arith.constant dense<0.000000e+00> : vector<256x40xf32>
    %dot_general3A_553 = tpu.matmul %mul3A_551, %get3A_538, %dot_general3A_552 {dimension_numbers = #tpu.dot_dimension_numbers<[1], [0], [0], [1], [0, 0, 1, 1], [], []>, transpose_lhs_hint = false} : vector<256x128xf32>, vector<128x40xf32>, vector<256x40xf32> -> vector<256x40xf32>
    %add3A_554 = arith.addf %add3A_529, %dot_general3A_553 : vector<256x40xf32>
    %mul3A_555 = arith.mulf %sub3A_550, %sub3A_550 : vector<256x128xf32>
    %dot_general3A_556 = arith.constant dense<0.000000e+00> : vector<256x40xf32>
    %dot_general3A_557 = tpu.matmul %mul3A_555, %get3A_538, %dot_general3A_556 {dimension_numbers = #tpu.dot_dimension_numbers<[1], [0], [0], [1], [0, 0, 1, 1], [], []>, transpose_lhs_hint = false} : vector<256x128xf32>, vector<128x40xf32>, vector<256x40xf32> -> vector<256x40xf32>
    %add3A_558 = arith.addf %add3A_533, %dot_general3A_557 : vector<256x40xf32>
    %get3A_559 = arith.constant 9 : index
    %get3A_560 = arith.constant 0 : index
    %get3A_561 = arith.constant 0 : index
    %get3A_562 = vector.load %arg17[%get3A_559, %get3A_560, %get3A_561] : memref<20x128x40xf32, #tpu.memory_space<vmem>>, vector<1x128x40xf32>
    %get3A_563 = vector.shape_cast %get3A_562 : vector<1x128x40xf32> to vector<128x40xf32>
    %get3A_564 = arith.constant 9 : index
    %get3A_565 = arith.constant 0 : index
    %get3A_566 = arith.constant 0 : index
    %get3A_567 = vector.load %arg4[%get3A_564, %get3A_565, %get3A_566] : memref<20x256x128xf32, #tpu.memory_space<vmem>>, vector<1x256x128xf32>
    %get3A_568 = vector.shape_cast %get3A_567 : vector<1x256x128xf32> to vector<256x128xf32>
    %sub3A_569 = arith.subf %add3A_262, %get3A_568 : vector<256x128xf32>
    %get3A_570 = arith.constant 9 : index
    %get3A_571 = arith.constant 0 : index
    %get3A_572 = arith.constant 0 : index
    %get3A_573 = vector.load %arg5[%get3A_570, %get3A_571, %get3A_572] : memref<20x256x128xf32, #tpu.memory_space<vmem>>, vector<1x256x128xf32>
    %get3A_574 = vector.shape_cast %get3A_573 : vector<1x256x128xf32> to vector<256x128xf32>
    %sub3A_575 = arith.subf %add3A_262, %get3A_574 : vector<256x128xf32>
    %mul3A_576 = arith.mulf %sub3A_569, %sub3A_569 : vector<256x128xf32>
    %dot_general3A_577 = arith.constant dense<0.000000e+00> : vector<256x40xf32>
    %dot_general3A_578 = tpu.matmul %mul3A_576, %get3A_563, %dot_general3A_577 {dimension_numbers = #tpu.dot_dimension_numbers<[1], [0], [0], [1], [0, 0, 1, 1], [], []>, transpose_lhs_hint = false} : vector<256x128xf32>, vector<128x40xf32>, vector<256x40xf32> -> vector<256x40xf32>
    %add3A_579 = arith.addf %add3A_554, %dot_general3A_578 : vector<256x40xf32>
    %mul3A_580 = arith.mulf %sub3A_575, %sub3A_575 : vector<256x128xf32>
    %dot_general3A_581 = arith.constant dense<0.000000e+00> : vector<256x40xf32>
    %dot_general3A_582 = tpu.matmul %mul3A_580, %get3A_563, %dot_general3A_581 {dimension_numbers = #tpu.dot_dimension_numbers<[1], [0], [0], [1], [0, 0, 1, 1], [], []>, transpose_lhs_hint = false} : vector<256x128xf32>, vector<128x40xf32>, vector<256x40xf32> -> vector<256x40xf32>
    %add3A_583 = arith.addf %add3A_558, %dot_general3A_582 : vector<256x40xf32>
    %get3A_584 = arith.constant 10 : index
    %get3A_585 = arith.constant 0 : index
    %get3A_586 = arith.constant 0 : index
    %get3A_587 = vector.load %arg17[%get3A_584, %get3A_585, %get3A_586] : memref<20x128x40xf32, #tpu.memory_space<vmem>>, vector<1x128x40xf32>
    %get3A_588 = vector.shape_cast %get3A_587 : vector<1x128x40xf32> to vector<128x40xf32>
    %get3A_589 = arith.constant 10 : index
    %get3A_590 = arith.constant 0 : index
    %get3A_591 = arith.constant 0 : index
    %get3A_592 = vector.load %arg4[%get3A_589, %get3A_590, %get3A_591] : memref<20x256x128xf32, #tpu.memory_space<vmem>>, vector<1x256x128xf32>
    %get3A_593 = vector.shape_cast %get3A_592 : vector<1x256x128xf32> to vector<256x128xf32>
    %sub3A_594 = arith.subf %add3A_262, %get3A_593 : vector<256x128xf32>
    %get3A_595 = arith.constant 10 : index
    %get3A_596 = arith.constant 0 : index
    %get3A_597 = arith.constant 0 : index
    %get3A_598 = vector.load %arg5[%get3A_595, %get3A_596, %get3A_597] : memref<20x256x128xf32, #tpu.memory_space<vmem>>, vector<1x256x128xf32>
    %get3A_599 = vector.shape_cast %get3A_598 : vector<1x256x128xf32> to vector<256x128xf32>
    %sub3A_600 = arith.subf %add3A_262, %get3A_599 : vector<256x128xf32>
    %mul3A_601 = arith.mulf %sub3A_594, %sub3A_594 : vector<256x128xf32>
    %dot_general3A_602 = arith.constant dense<0.000000e+00> : vector<256x40xf32>
    %dot_general3A_603 = tpu.matmul %mul3A_601, %get3A_588, %dot_general3A_602 {dimension_numbers = #tpu.dot_dimension_numbers<[1], [0], [0], [1], [0, 0, 1, 1], [], []>, transpose_lhs_hint = false} : vector<256x128xf32>, vector<128x40xf32>, vector<256x40xf32> -> vector<256x40xf32>
    %add3A_604 = arith.addf %add3A_579, %dot_general3A_603 : vector<256x40xf32>
    %mul3A_605 = arith.mulf %sub3A_600, %sub3A_600 : vector<256x128xf32>
    %dot_general3A_606 = arith.constant dense<0.000000e+00> : vector<256x40xf32>
    %dot_general3A_607 = tpu.matmul %mul3A_605, %get3A_588, %dot_general3A_606 {dimension_numbers = #tpu.dot_dimension_numbers<[1], [0], [0], [1], [0, 0, 1, 1], [], []>, transpose_lhs_hint = false} : vector<256x128xf32>, vector<128x40xf32>, vector<256x40xf32> -> vector<256x40xf32>
    %add3A_608 = arith.addf %add3A_583, %dot_general3A_607 : vector<256x40xf32>
    %get3A_609 = arith.constant 11 : index
    %get3A_610 = arith.constant 0 : index
    %get3A_611 = arith.constant 0 : index
    %get3A_612 = vector.load %arg17[%get3A_609, %get3A_610, %get3A_611] : memref<20x128x40xf32, #tpu.memory_space<vmem>>, vector<1x128x40xf32>
    %get3A_613 = vector.shape_cast %get3A_612 : vector<1x128x40xf32> to vector<128x40xf32>
    %get3A_614 = arith.constant 11 : index
    %get3A_615 = arith.constant 0 : index
    %get3A_616 = arith.constant 0 : index
    %get3A_617 = vector.load %arg4[%get3A_614, %get3A_615, %get3A_616] : memref<20x256x128xf32, #tpu.memory_space<vmem>>, vector<1x256x128xf32>
    %get3A_618 = vector.shape_cast %get3A_617 : vector<1x256x128xf32> to vector<256x128xf32>
    %sub3A_619 = arith.subf %add3A_262, %get3A_618 : vector<256x128xf32>
    %get3A_620 = arith.constant 11 : index
    %get3A_621 = arith.constant 0 : index
    %get3A_622 = arith.constant 0 : index
    %get3A_623 = vector.load %arg5[%get3A_620, %get3A_621, %get3A_622] : memref<20x256x128xf32, #tpu.memory_space<vmem>>, vector<1x256x128xf32>
    %get3A_624 = vector.shape_cast %get3A_623 : vector<1x256x128xf32> to vector<256x128xf32>
    %sub3A_625 = arith.subf %add3A_262, %get3A_624 : vector<256x128xf32>
    %mul3A_626 = arith.mulf %sub3A_619, %sub3A_619 : vector<256x128xf32>
    %dot_general3A_627 = arith.constant dense<0.000000e+00> : vector<256x40xf32>
    %dot_general3A_628 = tpu.matmul %mul3A_626, %get3A_613, %dot_general3A_627 {dimension_numbers = #tpu.dot_dimension_numbers<[1], [0], [0], [1], [0, 0, 1, 1], [], []>, transpose_lhs_hint = false} : vector<256x128xf32>, vector<128x40xf32>, vector<256x40xf32> -> vector<256x40xf32>
    %add3A_629 = arith.addf %add3A_604, %dot_general3A_628 : vector<256x40xf32>
    %mul3A_630 = arith.mulf %sub3A_625, %sub3A_625 : vector<256x128xf32>
    %dot_general3A_631 = arith.constant dense<0.000000e+00> : vector<256x40xf32>
    %dot_general3A_632 = tpu.matmul %mul3A_630, %get3A_613, %dot_general3A_631 {dimension_numbers = #tpu.dot_dimension_numbers<[1], [0], [0], [1], [0, 0, 1, 1], [], []>, transpose_lhs_hint = false} : vector<256x128xf32>, vector<128x40xf32>, vector<256x40xf32> -> vector<256x40xf32>
    %add3A_633 = arith.addf %add3A_608, %dot_general3A_632 : vector<256x40xf32>
    %get3A_634 = arith.constant 12 : index
    %get3A_635 = arith.constant 0 : index
    %get3A_636 = arith.constant 0 : index
    %get3A_637 = vector.load %arg17[%get3A_634, %get3A_635, %get3A_636] : memref<20x128x40xf32, #tpu.memory_space<vmem>>, vector<1x128x40xf32>
    %get3A_638 = vector.shape_cast %get3A_637 : vector<1x128x40xf32> to vector<128x40xf32>
    %get3A_639 = arith.constant 12 : index
    %get3A_640 = arith.constant 0 : index
    %get3A_641 = arith.constant 0 : index
    %get3A_642 = vector.load %arg4[%get3A_639, %get3A_640, %get3A_641] : memref<20x256x128xf32, #tpu.memory_space<vmem>>, vector<1x256x128xf32>
    %get3A_643 = vector.shape_cast %get3A_642 : vector<1x256x128xf32> to vector<256x128xf32>
    %sub3A_644 = arith.subf %add3A_262, %get3A_643 : vector<256x128xf32>
    %get3A_645 = arith.constant 12 : index
    %get3A_646 = arith.constant 0 : index
    %get3A_647 = arith.constant 0 : index
    %get3A_648 = vector.load %arg5[%get3A_645, %get3A_646, %get3A_647] : memref<20x256x128xf32, #tpu.memory_space<vmem>>, vector<1x256x128xf32>
    %get3A_649 = vector.shape_cast %get3A_648 : vector<1x256x128xf32> to vector<256x128xf32>
    %sub3A_650 = arith.subf %add3A_262, %get3A_649 : vector<256x128xf32>
    %mul3A_651 = arith.mulf %sub3A_644, %sub3A_644 : vector<256x128xf32>
    %dot_general3A_652 = arith.constant dense<0.000000e+00> : vector<256x40xf32>
    %dot_general3A_653 = tpu.matmul %mul3A_651, %get3A_638, %dot_general3A_652 {dimension_numbers = #tpu.dot_dimension_numbers<[1], [0], [0], [1], [0, 0, 1, 1], [], []>, transpose_lhs_hint = false} : vector<256x128xf32>, vector<128x40xf32>, vector<256x40xf32> -> vector<256x40xf32>
    %add3A_654 = arith.addf %add3A_629, %dot_general3A_653 : vector<256x40xf32>
    %mul3A_655 = arith.mulf %sub3A_650, %sub3A_650 : vector<256x128xf32>
    %dot_general3A_656 = arith.constant dense<0.000000e+00> : vector<256x40xf32>
    %dot_general3A_657 = tpu.matmul %mul3A_655, %get3A_638, %dot_general3A_656 {dimension_numbers = #tpu.dot_dimension_numbers<[1], [0], [0], [1], [0, 0, 1, 1], [], []>, transpose_lhs_hint = false} : vector<256x128xf32>, vector<128x40xf32>, vector<256x40xf32> -> vector<256x40xf32>
    %add3A_658 = arith.addf %add3A_633, %dot_general3A_657 : vector<256x40xf32>
    %get3A_659 = arith.constant 13 : index
    %get3A_660 = arith.constant 0 : index
    %get3A_661 = arith.constant 0 : index
    %get3A_662 = vector.load %arg17[%get3A_659, %get3A_660, %get3A_661] : memref<20x128x40xf32, #tpu.memory_space<vmem>>, vector<1x128x40xf32>
    %get3A_663 = vector.shape_cast %get3A_662 : vector<1x128x40xf32> to vector<128x40xf32>
    %get3A_664 = arith.constant 13 : index
    %get3A_665 = arith.constant 0 : index
    %get3A_666 = arith.constant 0 : index
    %get3A_667 = vector.load %arg4[%get3A_664, %get3A_665, %get3A_666] : memref<20x256x128xf32, #tpu.memory_space<vmem>>, vector<1x256x128xf32>
    %get3A_668 = vector.shape_cast %get3A_667 : vector<1x256x128xf32> to vector<256x128xf32>
    %sub3A_669 = arith.subf %add3A_262, %get3A_668 : vector<256x128xf32>
    %get3A_670 = arith.constant 13 : index
    %get3A_671 = arith.constant 0 : index
    %get3A_672 = arith.constant 0 : index
    %get3A_673 = vector.load %arg5[%get3A_670, %get3A_671, %get3A_672] : memref<20x256x128xf32, #tpu.memory_space<vmem>>, vector<1x256x128xf32>
    %get3A_674 = vector.shape_cast %get3A_673 : vector<1x256x128xf32> to vector<256x128xf32>
    %sub3A_675 = arith.subf %add3A_262, %get3A_674 : vector<256x128xf32>
    %mul3A_676 = arith.mulf %sub3A_669, %sub3A_669 : vector<256x128xf32>
    %dot_general3A_677 = arith.constant dense<0.000000e+00> : vector<256x40xf32>
    %dot_general3A_678 = tpu.matmul %mul3A_676, %get3A_663, %dot_general3A_677 {dimension_numbers = #tpu.dot_dimension_numbers<[1], [0], [0], [1], [0, 0, 1, 1], [], []>, transpose_lhs_hint = false} : vector<256x128xf32>, vector<128x40xf32>, vector<256x40xf32> -> vector<256x40xf32>
    %add3A_679 = arith.addf %add3A_654, %dot_general3A_678 : vector<256x40xf32>
    %mul3A_680 = arith.mulf %sub3A_675, %sub3A_675 : vector<256x128xf32>
    %dot_general3A_681 = arith.constant dense<0.000000e+00> : vector<256x40xf32>
    %dot_general3A_682 = tpu.matmul %mul3A_680, %get3A_663, %dot_general3A_681 {dimension_numbers = #tpu.dot_dimension_numbers<[1], [0], [0], [1], [0, 0, 1, 1], [], []>, transpose_lhs_hint = false} : vector<256x128xf32>, vector<128x40xf32>, vector<256x40xf32> -> vector<256x40xf32>
    %add3A_683 = arith.addf %add3A_658, %dot_general3A_682 : vector<256x40xf32>
    %get3A_684 = arith.constant 14 : index
    %get3A_685 = arith.constant 0 : index
    %get3A_686 = arith.constant 0 : index
    %get3A_687 = vector.load %arg17[%get3A_684, %get3A_685, %get3A_686] : memref<20x128x40xf32, #tpu.memory_space<vmem>>, vector<1x128x40xf32>
    %get3A_688 = vector.shape_cast %get3A_687 : vector<1x128x40xf32> to vector<128x40xf32>
    %get3A_689 = arith.constant 14 : index
    %get3A_690 = arith.constant 0 : index
    %get3A_691 = arith.constant 0 : index
    %get3A_692 = vector.load %arg4[%get3A_689, %get3A_690, %get3A_691] : memref<20x256x128xf32, #tpu.memory_space<vmem>>, vector<1x256x128xf32>
    %get3A_693 = vector.shape_cast %get3A_692 : vector<1x256x128xf32> to vector<256x128xf32>
    %sub3A_694 = arith.subf %add3A_262, %get3A_693 : vector<256x128xf32>
    %get3A_695 = arith.constant 14 : index
    %get3A_696 = arith.constant 0 : index
    %get3A_697 = arith.constant 0 : index
    %get3A_698 = vector.load %arg5[%get3A_695, %get3A_696, %get3A_697] : memref<20x256x128xf32, #tpu.memory_space<vmem>>, vector<1x256x128xf32>
    %get3A_699 = vector.shape_cast %get3A_698 : vector<1x256x128xf32> to vector<256x128xf32>
    %sub3A_700 = arith.subf %add3A_262, %get3A_699 : vector<256x128xf32>
    %mul3A_701 = arith.mulf %sub3A_694, %sub3A_694 : vector<256x128xf32>
    %dot_general3A_702 = arith.constant dense<0.000000e+00> : vector<256x40xf32>
    %dot_general3A_703 = tpu.matmul %mul3A_701, %get3A_688, %dot_general3A_702 {dimension_numbers = #tpu.dot_dimension_numbers<[1], [0], [0], [1], [0, 0, 1, 1], [], []>, transpose_lhs_hint = false} : vector<256x128xf32>, vector<128x40xf32>, vector<256x40xf32> -> vector<256x40xf32>
    %add3A_704 = arith.addf %add3A_679, %dot_general3A_703 : vector<256x40xf32>
    %mul3A_705 = arith.mulf %sub3A_700, %sub3A_700 : vector<256x128xf32>
    %dot_general3A_706 = arith.constant dense<0.000000e+00> : vector<256x40xf32>
    %dot_general3A_707 = tpu.matmul %mul3A_705, %get3A_688, %dot_general3A_706 {dimension_numbers = #tpu.dot_dimension_numbers<[1], [0], [0], [1], [0, 0, 1, 1], [], []>, transpose_lhs_hint = false} : vector<256x128xf32>, vector<128x40xf32>, vector<256x40xf32> -> vector<256x40xf32>
    %add3A_708 = arith.addf %add3A_683, %dot_general3A_707 : vector<256x40xf32>
    %get3A_709 = arith.constant 15 : index
    %get3A_710 = arith.constant 0 : index
    %get3A_711 = arith.constant 0 : index
    %get3A_712 = vector.load %arg17[%get3A_709, %get3A_710, %get3A_711] : memref<20x128x40xf32, #tpu.memory_space<vmem>>, vector<1x128x40xf32>
    %get3A_713 = vector.shape_cast %get3A_712 : vector<1x128x40xf32> to vector<128x40xf32>
    %get3A_714 = arith.constant 15 : index
    %get3A_715 = arith.constant 0 : index
    %get3A_716 = arith.constant 0 : index
    %get3A_717 = vector.load %arg4[%get3A_714, %get3A_715, %get3A_716] : memref<20x256x128xf32, #tpu.memory_space<vmem>>, vector<1x256x128xf32>
    %get3A_718 = vector.shape_cast %get3A_717 : vector<1x256x128xf32> to vector<256x128xf32>
    %sub3A_719 = arith.subf %add3A_262, %get3A_718 : vector<256x128xf32>
    %get3A_720 = arith.constant 15 : index
    %get3A_721 = arith.constant 0 : index
    %get3A_722 = arith.constant 0 : index
    %get3A_723 = vector.load %arg5[%get3A_720, %get3A_721, %get3A_722] : memref<20x256x128xf32, #tpu.memory_space<vmem>>, vector<1x256x128xf32>
    %get3A_724 = vector.shape_cast %get3A_723 : vector<1x256x128xf32> to vector<256x128xf32>
    %sub3A_725 = arith.subf %add3A_262, %get3A_724 : vector<256x128xf32>
    %mul3A_726 = arith.mulf %sub3A_719, %sub3A_719 : vector<256x128xf32>
    %dot_general3A_727 = arith.constant dense<0.000000e+00> : vector<256x40xf32>
    %dot_general3A_728 = tpu.matmul %mul3A_726, %get3A_713, %dot_general3A_727 {dimension_numbers = #tpu.dot_dimension_numbers<[1], [0], [0], [1], [0, 0, 1, 1], [], []>, transpose_lhs_hint = false} : vector<256x128xf32>, vector<128x40xf32>, vector<256x40xf32> -> vector<256x40xf32>
    %add3A_729 = arith.addf %add3A_704, %dot_general3A_728 : vector<256x40xf32>
    %mul3A_730 = arith.mulf %sub3A_725, %sub3A_725 : vector<256x128xf32>
    %dot_general3A_731 = arith.constant dense<0.000000e+00> : vector<256x40xf32>
    %dot_general3A_732 = tpu.matmul %mul3A_730, %get3A_713, %dot_general3A_731 {dimension_numbers = #tpu.dot_dimension_numbers<[1], [0], [0], [1], [0, 0, 1, 1], [], []>, transpose_lhs_hint = false} : vector<256x128xf32>, vector<128x40xf32>, vector<256x40xf32> -> vector<256x40xf32>
    %add3A_733 = arith.addf %add3A_708, %dot_general3A_732 : vector<256x40xf32>
    %get3A_734 = arith.constant 16 : index
    %get3A_735 = arith.constant 0 : index
    %get3A_736 = arith.constant 0 : index
    %get3A_737 = vector.load %arg17[%get3A_734, %get3A_735, %get3A_736] : memref<20x128x40xf32, #tpu.memory_space<vmem>>, vector<1x128x40xf32>
    %get3A_738 = vector.shape_cast %get3A_737 : vector<1x128x40xf32> to vector<128x40xf32>
    %get3A_739 = arith.constant 16 : index
    %get3A_740 = arith.constant 0 : index
    %get3A_741 = arith.constant 0 : index
    %get3A_742 = vector.load %arg4[%get3A_739, %get3A_740, %get3A_741] : memref<20x256x128xf32, #tpu.memory_space<vmem>>, vector<1x256x128xf32>
    %get3A_743 = vector.shape_cast %get3A_742 : vector<1x256x128xf32> to vector<256x128xf32>
    %sub3A_744 = arith.subf %add3A_262, %get3A_743 : vector<256x128xf32>
    %get3A_745 = arith.constant 16 : index
    %get3A_746 = arith.constant 0 : index
    %get3A_747 = arith.constant 0 : index
    %get3A_748 = vector.load %arg5[%get3A_745, %get3A_746, %get3A_747] : memref<20x256x128xf32, #tpu.memory_space<vmem>>, vector<1x256x128xf32>
    %get3A_749 = vector.shape_cast %get3A_748 : vector<1x256x128xf32> to vector<256x128xf32>
    %sub3A_750 = arith.subf %add3A_262, %get3A_749 : vector<256x128xf32>
    %mul3A_751 = arith.mulf %sub3A_744, %sub3A_744 : vector<256x128xf32>
    %dot_general3A_752 = arith.constant dense<0.000000e+00> : vector<256x40xf32>
    %dot_general3A_753 = tpu.matmul %mul3A_751, %get3A_738, %dot_general3A_752 {dimension_numbers = #tpu.dot_dimension_numbers<[1], [0], [0], [1], [0, 0, 1, 1], [], []>, transpose_lhs_hint = false} : vector<256x128xf32>, vector<128x40xf32>, vector<256x40xf32> -> vector<256x40xf32>
    %add3A_754 = arith.addf %add3A_729, %dot_general3A_753 : vector<256x40xf32>
    %mul3A_755 = arith.mulf %sub3A_750, %sub3A_750 : vector<256x128xf32>
    %dot_general3A_756 = arith.constant dense<0.000000e+00> : vector<256x40xf32>
    %dot_general3A_757 = tpu.matmul %mul3A_755, %get3A_738, %dot_general3A_756 {dimension_numbers = #tpu.dot_dimension_numbers<[1], [0], [0], [1], [0, 0, 1, 1], [], []>, transpose_lhs_hint = false} : vector<256x128xf32>, vector<128x40xf32>, vector<256x40xf32> -> vector<256x40xf32>
    %add3A_758 = arith.addf %add3A_733, %dot_general3A_757 : vector<256x40xf32>
    %get3A_759 = arith.constant 17 : index
    %get3A_760 = arith.constant 0 : index
    %get3A_761 = arith.constant 0 : index
    %get3A_762 = vector.load %arg17[%get3A_759, %get3A_760, %get3A_761] : memref<20x128x40xf32, #tpu.memory_space<vmem>>, vector<1x128x40xf32>
    %get3A_763 = vector.shape_cast %get3A_762 : vector<1x128x40xf32> to vector<128x40xf32>
    %get3A_764 = arith.constant 17 : index
    %get3A_765 = arith.constant 0 : index
    %get3A_766 = arith.constant 0 : index
    %get3A_767 = vector.load %arg4[%get3A_764, %get3A_765, %get3A_766] : memref<20x256x128xf32, #tpu.memory_space<vmem>>, vector<1x256x128xf32>
    %get3A_768 = vector.shape_cast %get3A_767 : vector<1x256x128xf32> to vector<256x128xf32>
    %sub3A_769 = arith.subf %add3A_262, %get3A_768 : vector<256x128xf32>
    %get3A_770 = arith.constant 17 : index
    %get3A_771 = arith.constant 0 : index
    %get3A_772 = arith.constant 0 : index
    %get3A_773 = vector.load %arg5[%get3A_770, %get3A_771, %get3A_772] : memref<20x256x128xf32, #tpu.memory_space<vmem>>, vector<1x256x128xf32>
    %get3A_774 = vector.shape_cast %get3A_773 : vector<1x256x128xf32> to vector<256x128xf32>
    %sub3A_775 = arith.subf %add3A_262, %get3A_774 : vector<256x128xf32>
    %mul3A_776 = arith.mulf %sub3A_769, %sub3A_769 : vector<256x128xf32>
    %dot_general3A_777 = arith.constant dense<0.000000e+00> : vector<256x40xf32>
    %dot_general3A_778 = tpu.matmul %mul3A_776, %get3A_763, %dot_general3A_777 {dimension_numbers = #tpu.dot_dimension_numbers<[1], [0], [0], [1], [0, 0, 1, 1], [], []>, transpose_lhs_hint = false} : vector<256x128xf32>, vector<128x40xf32>, vector<256x40xf32> -> vector<256x40xf32>
    %add3A_779 = arith.addf %add3A_754, %dot_general3A_778 : vector<256x40xf32>
    %mul3A_780 = arith.mulf %sub3A_775, %sub3A_775 : vector<256x128xf32>
    %dot_general3A_781 = arith.constant dense<0.000000e+00> : vector<256x40xf32>
    %dot_general3A_782 = tpu.matmul %mul3A_780, %get3A_763, %dot_general3A_781 {dimension_numbers = #tpu.dot_dimension_numbers<[1], [0], [0], [1], [0, 0, 1, 1], [], []>, transpose_lhs_hint = false} : vector<256x128xf32>, vector<128x40xf32>, vector<256x40xf32> -> vector<256x40xf32>
    %add3A_783 = arith.addf %add3A_758, %dot_general3A_782 : vector<256x40xf32>
    %get3A_784 = arith.constant 18 : index
    %get3A_785 = arith.constant 0 : index
    %get3A_786 = arith.constant 0 : index
    %get3A_787 = vector.load %arg17[%get3A_784, %get3A_785, %get3A_786] : memref<20x128x40xf32, #tpu.memory_space<vmem>>, vector<1x128x40xf32>
    %get3A_788 = vector.shape_cast %get3A_787 : vector<1x128x40xf32> to vector<128x40xf32>
    %get3A_789 = arith.constant 18 : index
    %get3A_790 = arith.constant 0 : index
    %get3A_791 = arith.constant 0 : index
    %get3A_792 = vector.load %arg4[%get3A_789, %get3A_790, %get3A_791] : memref<20x256x128xf32, #tpu.memory_space<vmem>>, vector<1x256x128xf32>
    %get3A_793 = vector.shape_cast %get3A_792 : vector<1x256x128xf32> to vector<256x128xf32>
    %sub3A_794 = arith.subf %add3A_262, %get3A_793 : vector<256x128xf32>
    %get3A_795 = arith.constant 18 : index
    %get3A_796 = arith.constant 0 : index
    %get3A_797 = arith.constant 0 : index
    %get3A_798 = vector.load %arg5[%get3A_795, %get3A_796, %get3A_797] : memref<20x256x128xf32, #tpu.memory_space<vmem>>, vector<1x256x128xf32>
    %get3A_799 = vector.shape_cast %get3A_798 : vector<1x256x128xf32> to vector<256x128xf32>
    %sub3A_800 = arith.subf %add3A_262, %get3A_799 : vector<256x128xf32>
    %mul3A_801 = arith.mulf %sub3A_794, %sub3A_794 : vector<256x128xf32>
    %dot_general3A_802 = arith.constant dense<0.000000e+00> : vector<256x40xf32>
    %dot_general3A_803 = tpu.matmul %mul3A_801, %get3A_788, %dot_general3A_802 {dimension_numbers = #tpu.dot_dimension_numbers<[1], [0], [0], [1], [0, 0, 1, 1], [], []>, transpose_lhs_hint = false} : vector<256x128xf32>, vector<128x40xf32>, vector<256x40xf32> -> vector<256x40xf32>
    %add3A_804 = arith.addf %add3A_779, %dot_general3A_803 : vector<256x40xf32>
    %mul3A_805 = arith.mulf %sub3A_800, %sub3A_800 : vector<256x128xf32>
    %dot_general3A_806 = arith.constant dense<0.000000e+00> : vector<256x40xf32>
    %dot_general3A_807 = tpu.matmul %mul3A_805, %get3A_788, %dot_general3A_806 {dimension_numbers = #tpu.dot_dimension_numbers<[1], [0], [0], [1], [0, 0, 1, 1], [], []>, transpose_lhs_hint = false} : vector<256x128xf32>, vector<128x40xf32>, vector<256x40xf32> -> vector<256x40xf32>
    %add3A_808 = arith.addf %add3A_783, %dot_general3A_807 : vector<256x40xf32>
    %get3A_809 = arith.constant 19 : index
    %get3A_810 = arith.constant 0 : index
    %get3A_811 = arith.constant 0 : index
    %get3A_812 = vector.load %arg17[%get3A_809, %get3A_810, %get3A_811] : memref<20x128x40xf32, #tpu.memory_space<vmem>>, vector<1x128x40xf32>
    %get3A_813 = vector.shape_cast %get3A_812 : vector<1x128x40xf32> to vector<128x40xf32>
    %get3A_814 = arith.constant 19 : index
    %get3A_815 = arith.constant 0 : index
    %get3A_816 = arith.constant 0 : index
    %get3A_817 = vector.load %arg4[%get3A_814, %get3A_815, %get3A_816] : memref<20x256x128xf32, #tpu.memory_space<vmem>>, vector<1x256x128xf32>
    %get3A_818 = vector.shape_cast %get3A_817 : vector<1x256x128xf32> to vector<256x128xf32>
    %sub3A_819 = arith.subf %add3A_262, %get3A_818 : vector<256x128xf32>
    %get3A_820 = arith.constant 19 : index
    %get3A_821 = arith.constant 0 : index
    %get3A_822 = arith.constant 0 : index
    %get3A_823 = vector.load %arg5[%get3A_820, %get3A_821, %get3A_822] : memref<20x256x128xf32, #tpu.memory_space<vmem>>, vector<1x256x128xf32>
    %get3A_824 = vector.shape_cast %get3A_823 : vector<1x256x128xf32> to vector<256x128xf32>
    %sub3A_825 = arith.subf %add3A_262, %get3A_824 : vector<256x128xf32>
    %mul3A_826 = arith.mulf %sub3A_819, %sub3A_819 : vector<256x128xf32>
    %dot_general3A_827 = arith.constant dense<0.000000e+00> : vector<256x40xf32>
    %dot_general3A_828 = tpu.matmul %mul3A_826, %get3A_813, %dot_general3A_827 {dimension_numbers = #tpu.dot_dimension_numbers<[1], [0], [0], [1], [0, 0, 1, 1], [], []>, transpose_lhs_hint = false} : vector<256x128xf32>, vector<128x40xf32>, vector<256x40xf32> -> vector<256x40xf32>
    %add3A_829 = arith.addf %add3A_804, %dot_general3A_828 : vector<256x40xf32>
    %mul3A_830 = arith.mulf %sub3A_825, %sub3A_825 : vector<256x128xf32>
    %dot_general3A_831 = arith.constant dense<0.000000e+00> : vector<256x40xf32>
    %dot_general3A_832 = tpu.matmul %mul3A_830, %get3A_813, %dot_general3A_831 {dimension_numbers = #tpu.dot_dimension_numbers<[1], [0], [0], [1], [0, 0, 1, 1], [], []>, transpose_lhs_hint = false} : vector<256x128xf32>, vector<128x40xf32>, vector<256x40xf32> -> vector<256x40xf32>
    %add3A_833 = arith.addf %add3A_808, %dot_general3A_832 : vector<256x40xf32>
    %get3A_834 = arith.constant 0 : index
    %get3A_835 = arith.constant 0 : index
    %get3A_836 = vector.load %arg7[%get3A_834, %get3A_835] : memref<256x40xf32, #tpu.memory_space<vmem>>, vector<256x40xf32>
    %sub3A_837 = arith.subf %get3A_836, %dot_general3A_327 : vector<256x40xf32>
    %mul3A_838 = arith.constant 6.400000e+01 : f32
    %mul3A_839 = vector.broadcast %mul3A_838 : f32 to vector<256x40xf32>
    %mul3A_840 = arith.mulf %mul3A_839, %sub3A_837 : vector<256x40xf32>
    %add3A_841 = arith.addf %dot_general3A_329, %add3A_829 : vector<256x40xf32>
    %mul3A_842 = arith.constant -2.000000e+00 : f32
    %mul3A_843 = vector.broadcast %mul3A_842 : f32 to vector<256x40xf32>
    %mul3A_844 = arith.mulf %mul3A_843, %get3A_836 : vector<256x40xf32>
    %exp3A_845 = math.exp %mul3A_844 : vector<256x40xf32>
    %mul3A_846 = arith.constant 5.000000e-01 : f32
    %mul3A_847 = vector.broadcast %mul3A_846 : f32 to vector<256x40xf32>
    %mul3A_848 = arith.mulf %mul3A_847, %exp3A_845 : vector<256x40xf32>
    %mul3A_849 = arith.mulf %add3A_841, %mul3A_848 : vector<256x40xf32>
    %add3A_850 = arith.addf %mul3A_840, %mul3A_849 : vector<256x40xf32>
    %sub3A_851 = arith.constant 3.200000e+01 : f32
    %sub3A_852 = vector.broadcast %sub3A_851 : f32 to vector<256x40xf32>
    %sub3A_853 = arith.subf %add3A_850, %sub3A_852 : vector<256x40xf32>
    %get3A_854 = arith.constant 0 : index
    %get3A_855 = arith.constant 0 : index
    %get3A_856 = vector.load %arg8[%get3A_854, %get3A_855] : memref<256x40xf32, #tpu.memory_space<vmem>>, vector<256x40xf32>
    %sub3A_857 = arith.subf %get3A_856, %dot_general3A_327 : vector<256x40xf32>
    %mul3A_858 = arith.constant 6.400000e+01 : f32
    %mul3A_859 = vector.broadcast %mul3A_858 : f32 to vector<256x40xf32>
    %mul3A_860 = arith.mulf %mul3A_859, %sub3A_857 : vector<256x40xf32>
    %add3A_861 = arith.addf %dot_general3A_329, %add3A_833 : vector<256x40xf32>
    %mul3A_862 = arith.constant -2.000000e+00 : f32
    %mul3A_863 = vector.broadcast %mul3A_862 : f32 to vector<256x40xf32>
    %mul3A_864 = arith.mulf %mul3A_863, %get3A_856 : vector<256x40xf32>
    %exp3A_865 = math.exp %mul3A_864 : vector<256x40xf32>
    %mul3A_866 = arith.constant 5.000000e-01 : f32
    %mul3A_867 = vector.broadcast %mul3A_866 : f32 to vector<256x40xf32>
    %mul3A_868 = arith.mulf %mul3A_867, %exp3A_865 : vector<256x40xf32>
    %mul3A_869 = arith.mulf %add3A_861, %mul3A_868 : vector<256x40xf32>
    %add3A_870 = arith.addf %mul3A_860, %mul3A_869 : vector<256x40xf32>
    %sub3A_871 = arith.constant 3.200000e+01 : f32
    %sub3A_872 = vector.broadcast %sub3A_871 : f32 to vector<256x40xf32>
    %sub3A_873 = arith.subf %add3A_870, %sub3A_872 : vector<256x40xf32>
    %sub3A_874 = arith.subf %sub3A_853, %sub3A_873 : vector<256x40xf32>
    %add3A_875 = arith.constant 1.000000e+00 : f32
    %add3A_876 = vector.broadcast %add3A_875 : f32 to vector<256x40xf32>
    %add3A_877 = arith.addf %sub3A_874, %add3A_876 : vector<256x40xf32>
    %max3A_878 = arith.constant 0.000000e+00 : f32
    %max3A_879 = vector.broadcast %max3A_878 : f32 to vector<256x40xf32>
    %max3A_880 = arith.maximumf %add3A_877, %max3A_879 : vector<256x40xf32>
    %reduce_sum3A_881 = vector.shape_cast %max3A_880 : vector<256x40xf32> to vector<1x256x40xf32>
    %reduce_sum3A_882 = arith.constant dense<0.000000e+00> : vector<1xf32>
    %reduce_sum3A_883 = vector.multi_reduction <add>, %reduce_sum3A_881, %reduce_sum3A_882 [1, 2] : vector<1x256x40xf32> to vector<1xf32>
    %reduce_sum3A_884 = vector.shape_cast %reduce_sum3A_883 : vector<1xf32> to vector<1x1x1xf32>
    %reduce_sum3A_885 = vector.extract %reduce_sum3A_884[0, 0, 0] : f32 from vector<1x1x1xf32>
    %broadcast_in_dim3A_886 = vector.broadcast %reduce_sum3A_885 : f32 to vector<1x1xf32>
    %eq3A = arith.constant 0 : i32
    %eq3A_887 = arith.cmpi eq, %arg0, %eq3A : i32
    %convert_element_type3A = arith.extui %eq3A_887 : i1 to i32
    %cond3A = arith.constant 0 : i32
    %cond3A_888 = arith.cmpi ne, %convert_element_type3A, %cond3A : i32
    scf.if %cond3A_888 {
      %swap3A = arith.constant 0 : index
      %swap3A_893 = arith.constant 0 : index
      %swap3A_894 = vector.load %arg19[%swap3A, %swap3A_893] : memref<1x1xf32, #tpu.memory_space<vmem>>, vector<1x1xf32>
      tpu.vector_store %arg19[%swap3A, %swap3A_893], %broadcast_in_dim3A_322 {strides = array<i32>} : memref<1x1xf32, #tpu.memory_space<vmem>>, vector<1x1xf32>,
      %swap3A_895 = arith.constant 0 : index
      %swap3A_896 = arith.constant 0 : index
      %swap3A_897 = vector.load %arg20[%swap3A_895, %swap3A_896] : memref<1x1xf32, #tpu.memory_space<vmem>>, vector<1x1xf32>
      tpu.vector_store %arg20[%swap3A_895, %swap3A_896], %broadcast_in_dim3A_886 {strides = array<i32>} : memref<1x1xf32, #tpu.memory_space<vmem>>, vector<1x1xf32>,
    } else {
    }
    %gt3A = arith.constant 0 : i32
    %gt3A_889 = arith.cmpi sgt, %arg0, %gt3A : i32
    %convert_element_type3A_890 = arith.extui %gt3A_889 : i1 to i32
    %cond3A_891 = arith.constant 0 : i32
    %cond3A_892 = arith.cmpi ne, %convert_element_type3A_890, %cond3A_891 : i32
    scf.if %cond3A_892 {
      %get3A_893 = arith.constant 0 : index
      %get3A_894 = arith.constant 0 : index
      %get3A_895 = vector.load %arg19[%get3A_893, %get3A_894] : memref<1x1xf32, #tpu.memory_space<vmem>>, vector<1x1xf32>
      %add3A_896 = arith.addf %get3A_895, %broadcast_in_dim3A_322 : vector<1x1xf32>
      %swap3A = arith.constant 0 : index
      %swap3A_897 = arith.constant 0 : index
      %swap3A_898 = vector.load %arg19[%swap3A, %swap3A_897] : memref<1x1xf32, #tpu.memory_space<vmem>>, vector<1x1xf32>
      tpu.vector_store %arg19[%swap3A, %swap3A_897], %add3A_896 {strides = array<i32>} : memref<1x1xf32, #tpu.memory_space<vmem>>, vector<1x1xf32>,
      %get3A_899 = arith.constant 0 : index
      %get3A_900 = arith.constant 0 : index
      %get3A_901 = vector.load %arg20[%get3A_899, %get3A_900] : memref<1x1xf32, #tpu.memory_space<vmem>>, vector<1x1xf32>
      %add3A_902 = arith.addf %get3A_901, %broadcast_in_dim3A_886 : vector<1x1xf32>
      %swap3A_903 = arith.constant 0 : index
      %swap3A_904 = arith.constant 0 : index
      %swap3A_905 = vector.load %arg20[%swap3A_903, %swap3A_904] : memref<1x1xf32, #tpu.memory_space<vmem>>, vector<1x1xf32>
      tpu.vector_store %arg20[%swap3A_903, %swap3A_904], %add3A_902 {strides = array<i32>} : memref<1x1xf32, #tpu.memory_space<vmem>>, vector<1x1xf32>,
    } else {
    }
    return
  }
  func.func @transform_0(%arg0: i32) -> (i32, i32) {
    %c0_i32 = arith.constant 0 : i32
    %c0_i32_0 = arith.constant 0 : i32
    return %arg0, %c0_i32 : i32, i32
  }
  func.func @transform_1(%arg0: i32) -> (i32, i32, i32) {
    %c0_i32 = arith.constant 0 : i32
    %c0_i32_0 = arith.constant 0 : i32
    %c0_i32_1 = arith.constant 0 : i32
    return %c0_i32, %arg0, %c0_i32_0 : i32, i32, i32
  }
  func.func @transform_2(%arg0: i32) -> (i32, i32) {
    %c0_i32 = arith.constant 0 : i32
    %c0_i32_0 = arith.constant 0 : i32
    return %arg0, %c0_i32 : i32, i32
  }
  func.func @transform_3(%arg0: i32) -> (i32, i32, i32) {
    %c0_i32 = arith.constant 0 : i32
    %c0_i32_0 = arith.constant 0 : i32
    %c0_i32_1 = arith.constant 0 : i32
    return %c0_i32, %arg0, %c0_i32_0 : i32, i32, i32
  }
  func.func @transform_4(%arg0: i32) -> (i32, i32, i32) {
    %c0_i32 = arith.constant 0 : i32
    %c0_i32_0 = arith.constant 0 : i32
    %c0_i32_1 = arith.constant 0 : i32
    return %c0_i32, %arg0, %c0_i32_0 : i32, i32, i32
  }
  func.func @transform_5(%arg0: i32) -> (i32, i32) {
    %c0_i32 = arith.constant 0 : i32
    %c0_i32_0 = arith.constant 0 : i32
    return %arg0, %c0_i32 : i32, i32
  }
  func.func @transform_6(%arg0: i32) -> (i32, i32) {
    %c0_i32 = arith.constant 0 : i32
    %c0_i32_0 = arith.constant 0 : i32
    return %arg0, %c0_i32 : i32, i32
  }
  func.func @transform_7(%arg0: i32) -> (i32, i32) {
    %c0_i32 = arith.constant 0 : i32
    %c0_i32_0 = arith.constant 0 : i32
    return %arg0, %c0_i32 : i32, i32
  }
  func.func @transform_8(%arg0: i32) -> (i32, i32) {
    %c0_i32 = arith.constant 0 : i32
    %c0_i32_0 = arith.constant 0 : i32
    %c0_i32_1 = arith.constant 0 : i32
    return %c0_i32, %c0_i32_0 : i32, i32
  }
  func.func @transform_9(%arg0: i32) -> (i32, i32) {
    %c0_i32 = arith.constant 0 : i32
    %c0_i32_0 = arith.constant 0 : i32
    %c0_i32_1 = arith.constant 0 : i32
    return %c0_i32, %c0_i32_0 : i32, i32
  }
  func.func @transform_10(%arg0: i32) -> (i32, i32) {
    %c0_i32 = arith.constant 0 : i32
    %c0_i32_0 = arith.constant 0 : i32
    %c0_i32_1 = arith.constant 0 : i32
    return %c0_i32, %c0_i32_0 : i32, i32
  }
  func.func @transform_11(%arg0: i32) -> (i32, i32) {
    %c0_i32 = arith.constant 0 : i32
    %c0_i32_0 = arith.constant 0 : i32
    %c0_i32_1 = arith.constant 0 : i32
    return %c0_i32, %c0_i32_0 : i32, i32
  }
  func.func @transform_12(%arg0: i32) -> (i32, i32) {
    %c0_i32 = arith.constant 0 : i32
    %c0_i32_0 = arith.constant 0 : i32
    %c0_i32_1 = arith.constant 0 : i32
    return %c0_i32, %c0_i32_0 : i32, i32
  }
  func.func @transform_13(%arg0: i32) -> (i32, i32) {
    %c0_i32 = arith.constant 0 : i32
    %c0_i32_0 = arith.constant 0 : i32
    %c0_i32_1 = arith.constant 0 : i32
    return %c0_i32, %c0_i32_0 : i32, i32
  }
  func.func @transform_14(%arg0: i32) -> (i32, i32) {
    %c0_i32 = arith.constant 0 : i32
    %c0_i32_0 = arith.constant 0 : i32
    %c0_i32_1 = arith.constant 0 : i32
    return %c0_i32, %c0_i32_0 : i32, i32
  }
  func.func @transform_15(%arg0: i32) -> (i32, i32) {
    %c0_i32 = arith.constant 0 : i32
    %c0_i32_0 = arith.constant 0 : i32
    %c0_i32_1 = arith.constant 0 : i32
    return %c0_i32, %c0_i32_0 : i32, i32
  }
  func.func @transform_16(%arg0: i32) -> (i32, i32, i32) {
    %c0_i32 = arith.constant 0 : i32
    %c0_i32_0 = arith.constant 0 : i32
    %c0_i32_1 = arith.constant 0 : i32
    %c0_i32_2 = arith.constant 0 : i32
    return %c0_i32, %c0_i32_0, %c0_i32_1 : i32, i32, i32
  }
  func.func @transform_17(%arg0: i32) -> (i32, i32) {
    %c0_i32 = arith.constant 0 : i32
    %c0_i32_0 = arith.constant 0 : i32
    %c0_i32_1 = arith.constant 0 : i32
    return %c0_i32, %c0_i32_0 : i32, i32
  }
  func.func @transform_18(%arg0: i32) -> (i32, i32) {
    %c0_i32 = arith.constant 0 : i32
    %c0_i32_0 = arith.constant 0 : i32
    %c0_i32_1 = arith.constant 0 : i32
    return %c0_i32, %c0_i32_0 : i32, i32
  }
  func.func @transform_19(%arg0: i32) -> (i32, i32) {
    %c0_i32 = arith.constant 0 : i32
    %c0_i32_0 = arith.constant 0 : i32
    %c0_i32_1 = arith.constant 0 : i32
    return %c0_i32, %c0_i32_0 : i32, i32
  }
}

</mosaic_0001>

<sc_bundles>
// kernel: kernel.4.cloned.1.call-start
scs
__scs_entry_jumppad:
0x0: {  	(pc) =	sbr.rel $0x88, $3  }
0x1: {  	(tag) =	ssettag $0x0;
	lr =	simm.s32 $0x1  }
0x2: {  	[smem:$0x3F95] =	sst lr;
	_ =	strace $0xD0000000  }
0x3: {  	_ = 	snop  }
0x4: {  	_ = 	snop  }
0x5: {  	_ = 	snop  }
0x6: {  	_ = 	snop  }
0x7: {  	_ = 	snop  }
__scs_overlays_trampoline_lowered:
0x8: {  	[smem:$0x3FA4] =	sst s0  }
0x9: {  	[smem:$0x3FA5] =	sst s1  }
0xa: {  	[smem:$0x3FA6] =	sst s2  }
0xb: {  	[smem:$0x3FA7] =	sst s3  }
0xc: {  	[smem:$0x3FA8] =	sst s4  }
0xd: {  	[smem:$0x3FA9] =	sst s5  }
0xe: {  	[smem:$0x3FAA] =	sst s6  }
0xf: {  	[smem:$0x3FAB] =	sst s7  }
0x10: {  	[smem:$0x3FAC] =	sst s8  }
0x11: {  	[smem:$0x3FAD] =	sst s9;
	s0 =	simm.s32 @!p0 $0x0  }
0x12: {  	s1 =	sld [smem:$0x3F93];
	s0 =	simm.s32 @p0 $0x1  }
0x13: {  	[smem:$0x3FAE] =	sst s0;
	s0 =	simm.s32 @!p1 $0x0  }
0x14: {  	s2 =	sld [smem:$0x3F92];
	s0 =	simm.s32 @p1 $0x1  }
0x15: {  	[smem:$0x3FAF] =	sst s0;
	s0 =	simm.s32 @!p2 $0x0  }
0x16: {  	s3 =	sld [smem:$0x3FDB];
	s0 =	simm.s32 @p2 $0x1  }
0x17: {  	s4 =	simm.s32 $0x1BF5;
	[smem:$0x3FB1] =	sst s0  }
0x18: {  	s0 =	sld [smem:$0x3F94];
	_ =	swait.ge [sflag:s4], $0x0  }
0x19: {  	s7 =	sld [smem:$0x3F95]  }
0x1a: {  	s8 =	sadd.s32 $0xFFFFE003, lr  }
0x1b: {  	s9 =	sadd.s32 $0xFFFFFEF7, lr;
	s5 =	simm.s32 $0xFFFFFFFF;
	p2 =	slt.u32 s8, $0xFFFFF086  }
0x1c: {  	p1 =	slt.u32 s9, $0xF7A;
	s5 =	simm.s32 @!p2 $0x0  }
0x1d: {  	s5 =	simm.s32 @p1 $0x1;
	p0 =	seq.s32 s7, s2  }
0x1e: {  	s7 =	smul.u32 @!p0 $0xF7A, s2;
	p2 =	seq.s32 @!p0 s5, $0x0  }
0x1f: {  	s9 =	smul.u32 $0xF7A, s1;
	s8 =	simm.s32 @!p0 $0x1BF5;
	p2 =	por !p2, p0  }
0x20: {  	[sflag:s8] =	ssyncset.s32 @!p0 $0xFFFFF086;
	s6 =	sadd.s32 @!p0 s3, s7;
	s7 =	simm.s32 @!p0 $0x108  }
0x21: {  	s3 =	sadd.s32 s3, s9;
	s6 =	sadd.s32 @!p0 $0x88, s6;
	s7 =	simm.s32 @p2 $0x1082  }
0x22: {  	[simem:s7], [sflag:s8] =	dma.local @!p0 [hbm:s6], $0xF7A  }
0x23: {  	s9 =	sor.u32 $0xD0000000, s2;
	s6 =	simm.s32 $0x108;
	_ =	swait.ge @!p0 [sflag:s8], $0x0  }
0x24: {  	s3 =	sadd.s32 $0x88, s3;
	s6 =	simm.s32 @!p1 $0x1082;
	[sflag:s4] =	ssyncset.s32 $0xFFFFF086  }
0x25: {  	[simem:s6], [sflag:s4] =	dma.local [hbm:s3], $0xF7A  }
0x26: {  	[smem:$0x3F95] =	sst s1;
	(tag) =	ssettag s2;
	_ =	strace s9  }
0x27: {  	s1 =	sld [smem:$0x3FA5]  }
0x28: {  	s2 =	sld [smem:$0x3FA6]  }
0x29: {  	s4 =	sld [smem:$0x3FA8]  }
0x2a: {  	p0 =	seq.s32 s5, $0x0;
	s5 =	sld [smem:$0x3FA9]  }
0x2b: {  	s6 =	sld [smem:$0x3FAA]  }
0x2c: {  	s7 =	sld [smem:$0x3FAB]  }
0x2d: {  	s3 =	simm.s32 $0x108;
	s8 =	sld [smem:$0x3FAC]  }
0x2e: {  	s3 =	simm.s32 @!p0 $0x1082;
	s9 =	sld [smem:$0x3FAD]  }
0x2f: {  	lr =	sadd.s32 s0, s3;
	s0 =	sld [smem:$0x3FA4]  }
0x30: {  	s3 =	sld [smem:$0x3FA7]  }
0x31: {  	[smem:$0x3FB0] =	sst s10  }
0x32: {  	s10 =	sld [smem:$0x3FAE];
	_ =	sdelay $0x3  }
0x33: {  	p0 =	seq.s32 s10, $0x1;
	s10 =	sld [smem:$0x3FB0];
	_ =	sdelay $0x3  }
0x34: {  	[smem:$0x3FB0] =	sst s10  }
0x35: {  	s10 =	sld [smem:$0x3FAF];
	_ =	sdelay $0x3  }
0x36: {  	p1 =	seq.s32 s10, $0x1;
	s10 =	sld [smem:$0x3FB0];
	_ =	sdelay $0x3  }
0x37: {  	[smem:$0x3FB0] =	sst s10  }
0x38: {  	s10 =	sld [smem:$0x3FB1]  }
0x39: {  	_ = 	snop;
	(pc) =	sbr.ind lr, $3  }
0x3a: {  	_ = 	snop  }
0x3b: {  	_ = 	snop  }
0x3c: {  	p2 =	seq.s32 s10, $0x1;
	s10 =	sld [smem:$0x3FB0]  }
0x3d: {  	_ =	shalt  }
0x3e: {  	_ =	shalt  }
0x3f: {  	_ =	shalt  }
0x40: {  	_ =	shalt  }
0x41: {  	_ =	shalt  }
0x42: {  	_ =	shalt  }
0x43: {  	_ =	shalt  }
0x44: {  	_ =	shalt  }
0x45: {  	_ =	shalt  }
0x46: {  	_ =	shalt  }
0x47: {  	_ =	shalt  }
0x48: {  	_ =	shalt  }
0x49: {  	_ =	shalt  }
0x4a: {  	_ =	shalt  }
0x4b: {  	_ =	shalt  }
0x4c: {  	_ =	shalt  }
0x4d: {  	_ =	shalt  }
0x4e: {  	_ =	shalt  }
0x4f: {  	_ =	shalt  }
0x50: {  	_ =	shalt  }
0x51: {  	_ =	shalt  }
0x52: {  	_ =	shalt  }
0x53: {  	_ =	shalt  }
0x54: {  	_ =	shalt  }
0x55: {  	_ =	shalt  }
0x56: {  	_ =	shalt  }
0x57: {  	_ =	shalt  }
0x58: {  	_ =	shalt  }
0x59: {  	_ =	shalt  }
0x5a: {  	_ =	shalt  }
0x5b: {  	_ =	shalt  }
0x5c: {  	_ =	shalt  }
0x5d: {  	_ =	shalt  }
0x5e: {  	_ =	shalt  }
0x5f: {  	_ =	shalt  }
0x60: {  	_ =	shalt  }
0x61: {  	_ =	shalt  }
0x62: {  	_ =	shalt  }
0x63: {  	_ =	shalt  }
0x64: {  	_ =	shalt  }
0x65: {  	_ =	shalt  }
0x66: {  	_ =	shalt  }
0x67: {  	_ =	shalt  }
0x68: {  	_ =	shalt  }
0x69: {  	_ =	shalt  }
0x6a: {  	_ =	shalt  }
0x6b: {  	_ =	shalt  }
0x6c: {  	_ =	shalt  }
0x6d: {  	_ =	shalt  }
0x6e: {  	_ =	shalt  }
0x6f: {  	_ =	shalt  }
0x70: {  	_ =	shalt  }
0x71: {  	_ =	shalt  }
0x72: {  	_ =	shalt  }
0x73: {  	_ =	shalt  }
0x74: {  	_ =	shalt  }
0x75: {  	_ =	shalt  }
0x76: {  	_ =	shalt  }
0x77: {  	_ =	shalt  }
0x78: {  	_ =	shalt  }
0x79: {  	_ =	shalt  }
0x7a: {  	_ =	shalt  }
0x7b: {  	_ =	shalt  }
0x7c: {  	_ =	shalt  }
0x7d: {  	_ =	shalt  }
0x7e: {  	_ =	shalt  }
0x7f: {  	_ =	shalt  }
0x80: {  	_ =	shalt  }
0x81: {  	_ =	shalt  }
0x82: {  	_ =	shalt  }
0x83: {  	_ =	shalt  }
0x84: {  	_ =	shalt  }
0x85: {  	_ =	shalt  }
0x86: {  	_ =	shalt  }
0x87: {  	_ =	shalt  }
.Lfunc_end0:
.L_simem_size_0:
called_computation_lowered:
.L_overlay_start_0:
0x88: {  	s2 =	sld [smem:$0x3FD9]  }
0x89: {  	s3 =	sld [smem:$0x3FFE];
	_ =	sdelay $0x1  }
0x8a: {  	s1 =	srdreg.scid  }
0x8b: {  	s0 =	sand.u32 $0x1, s1  }
0x8c: {  	s17 =	sshll.u32 s0, $0xA;
	s2 =	sadd.s32 s3, s2  }
0x8d: {  	s2 =	sadd.s32 s2, s17  }
0x8e: {  	[smem:$0x3FBC] =	sst s2  }
0x8f: {  	_ = 	snop  }
0x90: {  	s2 =	sld [smem:$0x3FC9];
	(tm) =	ssettm $0x1  }
0x91: {  	s18 =	sld [smem:$0x3FFB];
	_ =	sdelay $0x3  }
0x92: {  	_ =	strace s18  }
0x93: {  	s3 =	sld [smem:$0x3FFC];
	_ =	sdelay $0x3  }
0x94: {  	_ =	strace s3  }
0x95: {  	s3 =	sld [smem:$0x3FFD];
	_ =	sdelay $0x3  }
0x96: {  	_ =	strace s3  }
0x97: {  	_ =	strace $0x8FFFFFFF  }
0x98: {  	s19 =	sld [smem:$0x3FDB];
	_ =	sdelay $0x1  }
0x99: {  	s4 =	simm.s32 $_scs_section_size  }
0x9a: {  	s5 =	simm.s32 $_size__tile_overlayer_lowered;
	s6 =	simm.s32 $_tile_overlayer_lowered  }
0x9b: {  	s22 =	simm.s32 $0x1BFF;
	s21 =	sshll.u32 s6, $0x1;
	s3 =	sadd.s32 s4, s19  }
0x9c: {  	s7 =	simm.s32 $0x0;
	s20 =	sshll.u32 s5, $0x1;
	s5 =	sadd.s32 s21, s3  }
0x9d: {  	[timem:s7], [sflag:s22] =	dma.local [hbm:s5], s20  }
0x9e: {  	_ =	swait.ge [sflag:s22], s20  }
0x9f: {  	s4 =	ssub.s32 $0x0, s20;
	[sflag:s22] =	ssyncset.done $0x0  }
0xa0: {  	[sflag:s22] =	ssyncadd.s32 s4;
	_ =	sdelay $0x1  }
0xa1: {  	s23 =	simm.s32 $0x1B8B  }
0xa2: {  	_ =	swait.ge [sflag:s23], $0x1  }
0xa3: {  	[sflag:s23] =	ssyncset.done $0x0  }
0xa4: {  	s25 =	simm.s32 $0x1B8E;
	s24 =	sld [smem:$0x3FFE];
	[sflag:s23] =	ssyncadd.s32 $0xFFFFFFFF  }
0xa5: {  	s26 =	simm.s32 $execute0_lowered;
	[smem:$0x3FD2] =	sst s25  }
0xa6: {  	s5 =	sshll.u32 s26, $0x1;
	_ =	strace $0x80000046;
	[dreg:$0x1] =	wrdreg $0xFFFFFFFF  }
0xa7: {  	s28 =	simm.s32 $_size_execute0_lowered;
	s3 =	sadd.s32 s3, s5;
	[dreg:$0x0] =	wrdreg $0x0  }
0xa8: {  	s5 =	sshll.u32 s28, $0x1;
	[dreg:$0x2] =	wrdreg s3  }
0xa9: {  	[dreg:$0x3] =	wrdreg s5  }
0xaa: {  	[dreg:$0x4] =	wrdreg $0xC0  }
0xab: {  	_ =	task [dreg:s7], $0x5FFFF  }
0xac: {  	[dreg:$0x1] =	wrdreg $0xFFFFFFFF  }
0xad: {  	[dreg:$0x0] =	wrdreg $0x60  }
0xae: {  	[dreg:$0x2] =	wrdreg s2  }
0xaf: {  	[dreg:$0x3] =	wrdreg s24  }
0xb0: {  	[dreg:$0x4] =	wrdreg $0x9  }
0xb1: {  	_ =	task.clear_ibuf [dreg:s7], $0x5FFFF;
	_ =	strace $0x90000046  }
0xb2: {  	s29 =	simm.s32 $0x9;
	_ =	strace $0x80000048  }
0xb3: {  	_ =	swait.ge [sflag:s29], $0x1  }
0xb4: {  	[sflag:s29] =	ssyncadd.s32 $0xFFFFFFFF  }
0xb5: {  	_ =	strace $0x90000048  }
0xb6: {  	_ =	sfence  }
0xb7: {  	s30 =	sld [smem:$0x0];
	_ =	sdelay $0x2  }
0xb8: {  	s31 =	sshll.u32 s1, $0xD;
	s1 =	sshrl.u32 s1, $0x2  }
0xb9: {  	s3 =	sand.u32 $0x4000, s31;
	s1 =	sadd.s32 s1, s30  }
0xba: {  	s0 =	sor.u32 s3, s0;
	s1 =	sshll.u32 s1, $0x11  }
0xbb: {  	s0 =	sor.u32 s1, s0  }
0xbc: {  	s0 =	sadd.s32 $0x8F2B, s0  }
0xbd: {  	[sflag:s0] =	ssyncadd.remote.s32 $0x1  }
0xbe: {  	_ =	sfence.sel $0xFFFF  }
0xbf: {  	[dreg:$0x0] =	wrdreg $0xFFFFFFFF;
	(pc) =	sbr.abs _section_cstart, $3  }
0xc0: {  	[dreg:$0x1] =	wrdreg $0xFFFFFFFF  }
0xc1: {  	_ =	task.clear_ibuf [dreg:s7], $0x2FFFF;
	_ =	strace $0x9FFFFFFF  }
0xc2: {  	(tm) =	ssettm $0x7FFFFFFF  }
0xc3: {  	_ =	shalt  }
tec
execute0_lowered:
.L_overlay_start_1:
0x0: {  	(tag) =	ssettag $0x1  }
0x1: {  	s0 =	rddreg [dreg:$0x0]  }
0x2: {  	s1 =	rddreg [dreg:$0x1];
	s2 =	simm.s32 $0x0;
	s3 =	srdreg.scid  }
0x3: {  	s10 =	stileid.u32;
	s28 =	simm.s32 $0x10300;
	s29 =	simm.s32 $0x1  }
0x4: {  	s30 =	simm.s32 $0x40;
	s31 =	simm.s32 $0x80;
	[smem:$0x7FF] =	sst s2  }
0x5: {  	s6 =	sand.u32 $0x1, s3;
	s3 =	sadd.s32 $0x18A800, s1;
	s5 =	sshll.u32 s10, $0x11  }
0x6: {  	s4 =	sadd.s32 $0x17E00, s1;
	s8 =	sshll.u32 s10, $0x3;
	s9 =	sadd.s32 $0x2F800, s1  }
0x7: {  	s10 =	sshll.u32 s10, $0xA;
	s12 =	sadd.s32 $0x4F800, s1;
	s15 =	sadd.s32 $0x2F000, s1  }
0x8: {  	_ =	strace $0x80000047;
	s7 =	sshll.u32 s6, $0x10;
	s11 =	sshll.u32 s6, $0x9  }
0x9: {  	s6 =	ssub.s32 $0x2, s6;
	s7 =	sor.u32 s7, s5;
	s5 =	sadd.s32 $0x24DE00, s1  }
0xa: {  	s10 =	sor.u32 s11, s10;
	s16 =	sshrl.u32 s6, $0x1;
	s7 =	sor.u32 s8, s7  }
0xb: {  	s13 =	sshll.u32 s10, $0x7;
	s10 =	sshrl.u32 s10, $0x3;
	s6 =	ssub.s32 s6, s16  }
0xc: {  	s7 =	sand.u32 $0xF0040, s7;
	s8 =	sor.u32 s8, s13;
	s17 =	sor.u32 $0x20, s10  }
0xd: {  	s14 =	sadd.s32 s0, s10;
	s20 =	sadd.s32 s15, s10;
	s6 =	smax.u32 s6, $0x1  }
0xe: {  	s7 =	sshrl.u32 s7, $0x3;
	s8 =	sand.u32 $0xF0040, s8;
	[dreg:$0x5] =	wrdreg s14  }
0xf: {  	s0 =	sadd.s32 s0, s17;
	[dreg:$0x9] =	wrdreg s20;
	s23 =	sadd.s32 s15, s17  }
0x10: {  	[dreg:$0xd] =	wrdreg s6;
	s20 =	simm.s32 $0x7;
	s6 =	simm.s32 $0x4  }
0x11: {  	s7 =	sadd.s32 s7, s1;
	s8 =	sshrl.u32 s8, $0x3;
	[dreg:$0x6] =	wrdreg s0  }
0x12: {  	s1 =	sadd.s32 s10, s1;
	[dreg:$0xc] =	wrdreg s23;
	s18 =	sadd.s32 s9, s8  }
0x13: {  	s23 =	simm.s32 $0x8200;
	s19 =	sadd.s32 s12, s8;
	[dreg:$0x7] =	wrdreg s18  }
0x14: {  	s21 =	sor.u32 $0x1000, s8;
	s22 =	sadd.s32 $0xDE00, s1;
	[dreg:$0x8] =	wrdreg s19  }
0x15: {  	s24 =	sadd.s32 $0x1B000, s1;
	s25 =	sadd.s32 $0x312400, s7;
	[dreg:$0x3] =	wrdreg s22  }
0x16: {  	s26 =	sadd.s32 $0x592400, s7;
	s17 =	sadd.s32 $0x3E00, s1;
	[dreg:$0x4] =	wrdreg s24  }
0x17: {  	s8 =	sadd.s32 s9, s21;
	s0 =	sadd.s32 s12, s21;
	[dreg:$0xe] =	wrdreg s25  }
0x18: {  	[dreg:$0xf] =	wrdreg s26;
	s18 =	sadd.s32 $0x25000, s1;
	s19 =	sadd.s32 $0x812400, s7  }
0x19: {  	s21 =	simm.s32 $0x100;
	s22 =	simm.s32 $0x200;
	s24 =	simm.s32 $0x10200  }
0x1a: {  	s25 =	simm.s32 $0x4200;
	s26 =	simm.s32 $0xC200;
	s1 =	simm.s32 $0x3  }
0x1b: {  	s7 =	simm.s32 $0x5;
	s9 =	simm.s32 $0x0;
	[dreg:$0xa] =	wrdreg s8  }
0x1c: {  	[dreg:$0xb] =	wrdreg s0;
	s0 =	simm.s32 $0x2;
	s8 =	simm.s32 $0x6  }
.LBB2_1:
0x1d: {  	s10 =	rddreg [dreg:$0x5]  }
0x1e: {  	[tilespmem:s2], [sflag:$0x7] =	stream.linear.gather [hbm4b:s10+s2], $0x100, $0x38;
	[tilespmem:$0x10400] =	vst v63  }
0x1f: {  	_ =	swait.ge [sflag:s20], $0x100  }
0x20: {  	[sflag:s20] =	ssyncset.done $0x0  }
0x21: {  	[sflag:s20] =	ssyncadd.s32 $0xFFFFFF00  }
0x22: {  	[tilespmem:s22], [sflag:$0x1] =	stream.indirect.gather [hbm4b:s5+s21], $0x40, s2, s21, $0xb8;
	[tilespmem:$0x10400] =	vst v63  }
0x23: {  	_ = 	snop  }
0x24: {  	[tilespmem:s23], [sflag:$0x2] =	stream.indirect.gather [hbm4b:s3+s21], $0x40, s2, s21, $0xb8;
	[tilespmem:$0x10400] =	vst v63  }
0x25: {  	_ = 	snop  }
0x26: {  	[tilespmem:s24], [sflag:$0x3] =	stream.indirect.gather [hbm4b:s4+s21], $0x1, s2, s21, $0xb8;
	[tilespmem:$0x10400] =	vst v63  }
0x27: {  	s16 =	rddreg [dreg:$0x6]  }
0x28: {  	[tilespmem:s21], [sflag:$0x7] =	stream.linear.gather [hbm4b:s16+s2], $0x100, $0x38;
	[tilespmem:$0x10400] =	vst v63  }
0x29: {  	_ =	swait.ge [sflag:s20], $0x100  }
0x2a: {  	[sflag:s20] =	ssyncset.done $0x0  }
0x2b: {  	[sflag:s20] =	ssyncadd.s32 $0xFFFFFF00  }
0x2c: {  	[tilespmem:s25], [sflag:$0x4] =	stream.indirect.gather [hbm4b:s5+s21], $0x40, s21, s21, $0xb8;
	[tilespmem:$0x10400] =	vst v63  }
0x2d: {  	_ = 	snop  }
0x2e: {  	[tilespmem:s26], [sflag:$0x5] =	stream.indirect.gather [hbm4b:s3+s21], $0x40, s21, s21, $0xb8;
	[tilespmem:$0x10400] =	vst v63  }
0x2f: {  	_ = 	snop  }
0x30: {  	[tilespmem:s28], [sflag:$0x6] =	stream.indirect.gather [hbm4b:s4+s21], $0x1, s21, s21, $0xb8;
	[tilespmem:$0x10400] =	vst v63  }
0x31: {  	_ =	swait.ge [sflag:s29], $0x4000  }
0x32: {  	[sflag:s29] =	ssyncset.done $0x0  }
0x33: {  	s11 =	rddreg [dreg:$0x7];
	[sflag:s29] =	ssyncadd.s32 $0xFFFFC000  }
0x34: {  	[hbm4b:s11+s30] =	stream.strided.scatter [tilespmem:s22], [sflag:$0x7], $0x4000, s31, s30, $0x38;
	[tilespmem:$0x10400] =	vst v63  }
0x35: {  	_ =	swait.ge [sflag:s20], $0x4000  }
0x36: {  	[sflag:s20] =	ssyncset.done $0x0  }
0x37: {  	[sflag:s20] =	ssyncadd.s32 $0xFFFFC000  }
0x38: {  	_ =	swait.ge [sflag:s0], $0x4000  }
0x39: {  	[sflag:s0] =	ssyncset.done $0x0  }
0x3a: {  	s12 =	rddreg [dreg:$0x8];
	[sflag:s0] =	ssyncadd.s32 $0xFFFFC000  }
0x3b: {  	[hbm4b:s12+s30] =	stream.strided.scatter [tilespmem:s23], [sflag:$0x7], $0x4000, s31, s30, $0x38;
	[tilespmem:$0x10400] =	vst v63  }
0x3c: {  	_ =	swait.ge [sflag:s20], $0x4000  }
0x3d: {  	[sflag:s20] =	ssyncset.done $0x0  }
0x3e: {  	[sflag:s20] =	ssyncadd.s32 $0xFFFFC000  }
0x3f: {  	_ =	swait.ge [sflag:s1], $0x100  }
0x40: {  	[sflag:s1] =	ssyncset.done $0x0  }
0x41: {  	s13 =	rddreg [dreg:$0x9];
	[sflag:s1] =	ssyncadd.s32 $0xFFFFFF00  }
0x42: {  	[hbm4b:s13+s2] =	stream.linear.scatter [tilespmem:s24], [sflag:$0x7], $0x100, $0x38;
	[tilespmem:$0x10400] =	vst v63  }
0x43: {  	_ =	swait.ge [sflag:s20], $0x100  }
0x44: {  	[sflag:s20] =	ssyncset.done $0x0  }
0x45: {  	[sflag:s20] =	ssyncadd.s32 $0xFFFFFF00  }
0x46: {  	_ =	swait.ge [sflag:s6], $0x4000  }
0x47: {  	[sflag:s6] =	ssyncset.done $0x0  }
0x48: {  	s14 =	rddreg [dreg:$0xa];
	[sflag:s6] =	ssyncadd.s32 $0xFFFFC000  }
0x49: {  	[hbm4b:s14+s30] =	stream.strided.scatter [tilespmem:s25], [sflag:$0x7], $0x4000, s31, s30, $0x38;
	[tilespmem:$0x10400] =	vst v63  }
0x4a: {  	_ =	swait.ge [sflag:s20], $0x4000  }
0x4b: {  	[sflag:s20] =	ssyncset.done $0x0  }
0x4c: {  	[sflag:s20] =	ssyncadd.s32 $0xFFFFC000  }
0x4d: {  	_ =	swait.ge [sflag:s7], $0x4000  }
0x4e: {  	[sflag:s7] =	ssyncset.done $0x0  }
0x4f: {  	s15 =	rddreg [dreg:$0xb];
	[sflag:s7] =	ssyncadd.s32 $0xFFFFC000  }
0x50: {  	[hbm4b:s15+s30] =	stream.strided.scatter [tilespmem:s26], [sflag:$0x7], $0x4000, s31, s30, $0x38;
	[tilespmem:$0x10400] =	vst v63  }
0x51: {  	_ =	swait.ge [sflag:s20], $0x4000  }
0x52: {  	[sflag:s20] =	ssyncset.done $0x0  }
0x53: {  	[sflag:s20] =	ssyncadd.s32 $0xFFFFC000  }
0x54: {  	_ =	swait.ge [sflag:s8], $0x100  }
0x55: {  	[sflag:s8] =	ssyncset.done $0x0  }
0x56: {  	s16 =	rddreg [dreg:$0xc];
	[sflag:s8] =	ssyncadd.s32 $0xFFFFFF00  }
0x57: {  	[hbm4b:s16+s2] =	stream.linear.scatter [tilespmem:s28], [sflag:$0x7], $0x100, $0x38;
	[tilespmem:$0x10400] =	vst v63  }
0x58: {  	_ =	swait.ge [sflag:s20], $0x100  }
0x59: {  	s11 =	rddreg [dreg:$0x3];
	[sflag:s20] =	ssyncset.done $0x0  }
0x5a: {  	[sflag:s20] =	ssyncadd.s32 $0xFFFFFF00;
	s10 =	sadd.s32 $0x0, s11  }
0x5b: {  	[tilespmem:s2], [sflag:$0x7] =	stream.linear.gather [hbm4b:s10+s2], $0x100, $0x38;
	[tilespmem:$0x10400] =	vst v63  }
0x5c: {  	_ =	swait.ge [sflag:s20], $0x100  }
0x5d: {  	[sflag:s20] =	ssyncset.done $0x0  }
0x5e: {  	[sflag:s20] =	ssyncadd.s32 $0xFFFFFF00  }
0x5f: {  	[tilespmem:s22], [sflag:$0x1] =	stream.indirect.gather [hbm4b:s5+s21], $0x40, s2, s21, $0xb8;
	[tilespmem:$0x10400] =	vst v63  }
0x60: {  	_ = 	snop  }
0x61: {  	[tilespmem:s23], [sflag:$0x2] =	stream.indirect.gather [hbm4b:s3+s21], $0x40, s2, s21, $0xb8;
	[tilespmem:$0x10400] =	vst v63  }
0x62: {  	_ = 	snop  }
0x63: {  	[tilespmem:s24], [sflag:$0x3] =	stream.indirect.gather [hbm4b:s4+s21], $0x1, s2, s21, $0xb8;
	[tilespmem:$0x10400] =	vst v63  }
0x64: {  	s10 =	sadd.s32 $0x20, s10  }
0x65: {  	[tilespmem:s21], [sflag:$0x7] =	stream.linear.gather [hbm4b:s10+s2], $0x100, $0x38;
	[tilespmem:$0x10400] =	vst v63  }
0x66: {  	_ =	swait.ge [sflag:s20], $0x100  }
0x67: {  	[sflag:s20] =	ssyncset.done $0x0  }
0x68: {  	[sflag:s20] =	ssyncadd.s32 $0xFFFFFF00  }
0x69: {  	[tilespmem:s25], [sflag:$0x4] =	stream.indirect.gather [hbm4b:s5+s21], $0x40, s21, s21, $0xb8;
	[tilespmem:$0x10400] =	vst v63  }
0x6a: {  	_ = 	snop  }
0x6b: {  	[tilespmem:s26], [sflag:$0x5] =	stream.indirect.gather [hbm4b:s3+s21], $0x40, s21, s21, $0xb8;
	[tilespmem:$0x10400] =	vst v63  }
0x6c: {  	_ = 	snop  }
0x6d: {  	[tilespmem:s28], [sflag:$0x6] =	stream.indirect.gather [hbm4b:s4+s21], $0x1, s21, s21, $0xb8;
	[tilespmem:$0x10400] =	vst v63  }
0x6e: {  	_ =	swait.ge [sflag:s29], $0x4000  }
0x6f: {  	[sflag:s29] =	ssyncset.done $0x0;
	s15 =	rddreg [dreg:$0xe]  }
0x70: {  	[sflag:s29] =	ssyncadd.s32 $0xFFFFC000;
	s12 =	sadd.s32 $0xFFFFF000, s15  }
0x71: {  	[hbm4b:s12+s30] =	stream.strided.scatter [tilespmem:s22], [sflag:$0x7], $0x4000, s31, s30, $0x38;
	[tilespmem:$0x10400] =	vst v63  }
0x72: {  	_ =	swait.ge [sflag:s20], $0x4000  }
0x73: {  	[sflag:s20] =	ssyncset.done $0x0  }
0x74: {  	[sflag:s20] =	ssyncadd.s32 $0xFFFFC000  }
0x75: {  	_ =	swait.ge [sflag:s0], $0x4000  }
0x76: {  	[sflag:s0] =	ssyncset.done $0x0;
	s16 =	rddreg [dreg:$0xf]  }
0x77: {  	[sflag:s0] =	ssyncadd.s32 $0xFFFFC000;
	s13 =	sadd.s32 $0xFFFFF000, s16  }
0x78: {  	[hbm4b:s13+s30] =	stream.strided.scatter [tilespmem:s23], [sflag:$0x7], $0x4000, s31, s30, $0x38;
	[tilespmem:$0x10400] =	vst v63  }
0x79: {  	_ =	swait.ge [sflag:s20], $0x4000  }
0x7a: {  	[sflag:s20] =	ssyncset.done $0x0  }
0x7b: {  	[sflag:s20] =	ssyncadd.s32 $0xFFFFC000  }
0x7c: {  	_ =	swait.ge [sflag:s1], $0x100  }
0x7d: {  	s14 =	rddreg [dreg:$0x4];
	[sflag:s1] =	ssyncset.done $0x0  }
0x7e: {  	[sflag:s1] =	ssyncadd.s32 $0xFFFFFF00;
	s10 =	sadd.s32 $0x0, s14  }
0x7f: {  	[hbm4b:s10+s2] =	stream.linear.scatter [tilespmem:s24], [sflag:$0x7], $0x100, $0x38;
	[tilespmem:$0x10400] =	vst v63  }
0x80: {  	_ =	swait.ge [sflag:s20], $0x100  }
0x81: {  	[sflag:s20] =	ssyncset.done $0x0  }
0x82: {  	[sflag:s20] =	ssyncadd.s32 $0xFFFFFF00  }
0x83: {  	_ =	swait.ge [sflag:s6], $0x4000  }
0x84: {  	[sflag:s6] =	ssyncset.done $0x0  }
0x85: {  	[sflag:s6] =	ssyncadd.s32 $0xFFFFC000  }
0x86: {  	[hbm4b:s15+s30] =	stream.strided.scatter [tilespmem:s25], [sflag:$0x7], $0x4000, s31, s30, $0x38;
	[tilespmem:$0x10400] =	vst v63  }
0x87: {  	_ =	swait.ge [sflag:s20], $0x4000  }
0x88: {  	[sflag:s20] =	ssyncset.done $0x0  }
0x89: {  	[sflag:s20] =	ssyncadd.s32 $0xFFFFC000  }
0x8a: {  	_ =	swait.ge [sflag:s7], $0x4000  }
0x8b: {  	[sflag:s7] =	ssyncset.done $0x0  }
0x8c: {  	[sflag:s7] =	ssyncadd.s32 $0xFFFFC000  }
0x8d: {  	[hbm4b:s16+s30] =	stream.strided.scatter [tilespmem:s26], [sflag:$0x7], $0x4000, s31, s30, $0x38;
	[tilespmem:$0x10400] =	vst v63  }
0x8e: {  	_ =	swait.ge [sflag:s20], $0x4000  }
0x8f: {  	[sflag:s20] =	ssyncset.done $0x0  }
0x90: {  	[sflag:s20] =	ssyncadd.s32 $0xFFFFC000  }
0x91: {  	_ =	swait.ge [sflag:s8], $0x100  }
0x92: {  	[sflag:s8] =	ssyncset.done $0x0  }
0x93: {  	s10 =	sadd.s32 $0x20, s10;
	[sflag:s8] =	ssyncadd.s32 $0xFFFFFF00  }
0x94: {  	[hbm4b:s10+s2] =	stream.linear.scatter [tilespmem:s28], [sflag:$0x7], $0x100, $0x38;
	[tilespmem:$0x10400] =	vst v63  }
0x95: {  	s11 =	simm.s32 $0x800;
	_ =	swait.ge [sflag:s20], $0x100  }
0x96: {  	s14 =	simm.s32 $0x1000;
	s12 =	rddreg [dreg:$0x3];
	[sflag:s20] =	ssyncset.done $0x0  }
.LBB2_2:
0x97: {  	[sflag:s20] =	ssyncadd.s32 $0xFFFFFF00;
	s12 =	sadd.s32 s11, s12;
	s10 =	simm.s32 $0x0  }
0x98: {  	[tilespmem:s10], [sflag:$0x7] =	stream.linear.gather [hbm4b:s12+s10], $0x100, $0x38;
	[tilespmem:$0x10400] =	vst v63  }
0x99: {  	_ =	swait.ge [sflag:s20], $0x100  }
0x9a: {  	[sflag:s20] =	ssyncset.done $0x0  }
0x9b: {  	[sflag:s20] =	ssyncadd.s32 $0xFFFFFF00  }
0x9c: {  	[tilespmem:s22], [sflag:$0x1] =	stream.indirect.gather [hbm4b:s5+s21], $0x40, s10, s21, $0xb8;
	[tilespmem:$0x10400] =	vst v63  }
0x9d: {  	_ = 	snop  }
0x9e: {  	[tilespmem:s23], [sflag:$0x2] =	stream.indirect.gather [hbm4b:s3+s21], $0x40, s10, s21, $0xb8;
	[tilespmem:$0x10400] =	vst v63  }
0x9f: {  	_ = 	snop  }
0xa0: {  	[tilespmem:s24], [sflag:$0x3] =	stream.indirect.gather [hbm4b:s4+s21], $0x1, s10, s21, $0xb8;
	[tilespmem:$0x10400] =	vst v63  }
0xa1: {  	s12 =	sadd.s32 $0x20, s12  }
0xa2: {  	[tilespmem:s21], [sflag:$0x7] =	stream.linear.gather [hbm4b:s12+s10], $0x100, $0x38;
	[tilespmem:$0x10400] =	vst v63  }
0xa3: {  	_ =	swait.ge [sflag:s20], $0x100  }
0xa4: {  	[sflag:s20] =	ssyncset.done $0x0  }
0xa5: {  	[sflag:s20] =	ssyncadd.s32 $0xFFFFFF00  }
0xa6: {  	[tilespmem:s25], [sflag:$0x4] =	stream.indirect.gather [hbm4b:s5+s21], $0x40, s21, s21, $0xb8;
	[tilespmem:$0x10400] =	vst v63  }
0xa7: {  	_ = 	snop  }
0xa8: {  	[tilespmem:s26], [sflag:$0x5] =	stream.indirect.gather [hbm4b:s3+s21], $0x40, s21, s21, $0xb8;
	[tilespmem:$0x10400] =	vst v63  }
0xa9: {  	_ = 	snop  }
0xaa: {  	[tilespmem:s28], [sflag:$0x6] =	stream.indirect.gather [hbm4b:s4+s21], $0x1, s21, s21, $0xb8;
	[tilespmem:$0x10400] =	vst v63  }
0xab: {  	_ =	swait.ge [sflag:s29], $0x4000  }
0xac: {  	s15 =	sadd.s32 $0x20000, s15;
	[sflag:s29] =	ssyncset.done $0x0  }
0xad: {  	s12 =	sadd.s32 $0xFFFFF000, s15;
	[sflag:s29] =	ssyncadd.s32 $0xFFFFC000  }
0xae: {  	[hbm4b:s12+s30] =	stream.strided.scatter [tilespmem:s22], [sflag:$0x7], $0x4000, s31, s30, $0x38;
	[tilespmem:$0x10400] =	vst v63  }
0xaf: {  	_ =	swait.ge [sflag:s20], $0x4000  }
0xb0: {  	[sflag:s20] =	ssyncset.done $0x0  }
0xb1: {  	[sflag:s20] =	ssyncadd.s32 $0xFFFFC000  }
0xb2: {  	_ =	swait.ge [sflag:s0], $0x4000  }
0xb3: {  	s16 =	sadd.s32 $0x20000, s16;
	[sflag:s0] =	ssyncset.done $0x0  }
0xb4: {  	s12 =	sadd.s32 $0xFFFFF000, s16;
	[sflag:s0] =	ssyncadd.s32 $0xFFFFC000  }
0xb5: {  	[hbm4b:s12+s30] =	stream.strided.scatter [tilespmem:s23], [sflag:$0x7], $0x4000, s31, s30, $0x38;
	[tilespmem:$0x10400] =	vst v63  }
0xb6: {  	_ =	swait.ge [sflag:s20], $0x4000  }
0xb7: {  	[sflag:s20] =	ssyncset.done $0x0  }
0xb8: {  	[sflag:s20] =	ssyncadd.s32 $0xFFFFC000  }
0xb9: {  	_ =	swait.ge [sflag:s1], $0x100  }
0xba: {  	s12 =	rddreg [dreg:$0x4];
	[sflag:s1] =	ssyncset.done $0x0  }
0xbb: {  	[sflag:s1] =	ssyncadd.s32 $0xFFFFFF00;
	s12 =	sadd.s32 s11, s12  }
0xbc: {  	[hbm4b:s12+s10] =	stream.linear.scatter [tilespmem:s24], [sflag:$0x7], $0x100, $0x38;
	[tilespmem:$0x10400] =	vst v63  }
0xbd: {  	_ =	swait.ge [sflag:s20], $0x100  }
0xbe: {  	[sflag:s20] =	ssyncset.done $0x0  }
0xbf: {  	[sflag:s20] =	ssyncadd.s32 $0xFFFFFF00  }
0xc0: {  	_ =	swait.ge [sflag:s6], $0x4000  }
0xc1: {  	[sflag:s6] =	ssyncset.done $0x0  }
0xc2: {  	[sflag:s6] =	ssyncadd.s32 $0xFFFFC000  }
0xc3: {  	[hbm4b:s15+s30] =	stream.strided.scatter [tilespmem:s25], [sflag:$0x7], $0x4000, s31, s30, $0x38;
	[tilespmem:$0x10400] =	vst v63  }
0xc4: {  	_ =	swait.ge [sflag:s20], $0x4000  }
0xc5: {  	[sflag:s20] =	ssyncset.done $0x0  }
0xc6: {  	[sflag:s20] =	ssyncadd.s32 $0xFFFFC000  }
0xc7: {  	_ =	swait.ge [sflag:s7], $0x4000  }
0xc8: {  	[sflag:s7] =	ssyncset.done $0x0  }
0xc9: {  	[sflag:s7] =	ssyncadd.s32 $0xFFFFC000  }
0xca: {  	[hbm4b:s16+s30] =	stream.strided.scatter [tilespmem:s26], [sflag:$0x7], $0x4000, s31, s30, $0x38;
	[tilespmem:$0x10400] =	vst v63  }
0xcb: {  	_ =	swait.ge [sflag:s20], $0x4000  }
0xcc: {  	[sflag:s20] =	ssyncset.done $0x0  }
0xcd: {  	[sflag:s20] =	ssyncadd.s32 $0xFFFFC000  }
0xce: {  	p0 =	sne.s32 s14, $0x9800;
	_ =	swait.ge [sflag:s8], $0x100  }
.Ltmp0:
0xcf: {  	[sflag:s8] =	ssyncset.done $0x0;
	(pc) =	sbr.rel @p0 .LBB2_2-.Ltmp0, $4  }
0xd0: {  	s12 =	sadd.s32 $0x20, s12;
	[sflag:s8] =	ssyncadd.s32 $0xFFFFFF00  }
0xd1: {  	[hbm4b:s12+s10] =	stream.linear.scatter [tilespmem:s28], [sflag:$0x7], $0x100, $0x38;
	[tilespmem:$0x10400] =	vst v63  }
0xd2: {  	s13 =	smov.u32 s14;
	s14 =	sadd.s32 $0x800, s14;
	_ =	swait.ge [sflag:s20], $0x100  }
0xd3: {  	s11 =	smov.u32 s13;
	s12 =	rddreg [dreg:$0x3];
	[sflag:s20] =	ssyncset.done $0x0  }
0xd4: {  	[sflag:s20] =	ssyncadd.s32 $0xFFFFFF00;
	s12 =	sadd.s32 s11, s12  }
0xd5: {  	[tilespmem:s10], [sflag:$0x7] =	stream.linear.gather [hbm4b:s12+s10], $0x100, $0x38;
	[tilespmem:$0x10400] =	vst v63  }
0xd6: {  	_ =	swait.ge [sflag:s20], $0x100  }
0xd7: {  	[sflag:s20] =	ssyncset.done $0x0  }
0xd8: {  	[sflag:s20] =	ssyncadd.s32 $0xFFFFFF00  }
0xd9: {  	[tilespmem:s22], [sflag:$0x1] =	stream.indirect.gather [hbm4b:s5+s21], $0x40, s10, s21, $0xb8;
	[tilespmem:$0x10400] =	vst v63  }
0xda: {  	_ = 	snop  }
0xdb: {  	[tilespmem:s23], [sflag:$0x2] =	stream.indirect.gather [hbm4b:s3+s21], $0x40, s10, s21, $0xb8;
	[tilespmem:$0x10400] =	vst v63  }
0xdc: {  	_ = 	snop  }
0xdd: {  	[tilespmem:s24], [sflag:$0x3] =	stream.indirect.gather [hbm4b:s4+s21], $0x1, s10, s21, $0xb8;
	[tilespmem:$0x10400] =	vst v63  }
0xde: {  	s12 =	sadd.s32 $0x20, s12  }
0xdf: {  	[tilespmem:s21], [sflag:$0x7] =	stream.linear.gather [hbm4b:s12+s10], $0x100, $0x38;
	[tilespmem:$0x10400] =	vst v63  }
0xe0: {  	_ =	swait.ge [sflag:s20], $0x100  }
0xe1: {  	[sflag:s20] =	ssyncset.done $0x0  }
0xe2: {  	[sflag:s20] =	ssyncadd.s32 $0xFFFFFF00  }
0xe3: {  	[tilespmem:s25], [sflag:$0x4] =	stream.indirect.gather [hbm4b:s5+s21], $0x40, s21, s21, $0xb8;
	[tilespmem:$0x10400] =	vst v63  }
0xe4: {  	_ = 	snop  }
0xe5: {  	[tilespmem:s26], [sflag:$0x5] =	stream.indirect.gather [hbm4b:s3+s21], $0x40, s21, s21, $0xb8;
	[tilespmem:$0x10400] =	vst v63  }
0xe6: {  	_ = 	snop  }
0xe7: {  	[tilespmem:s28], [sflag:$0x6] =	stream.indirect.gather [hbm4b:s4+s21], $0x1, s21, s21, $0xb8;
	[tilespmem:$0x10400] =	vst v63  }
0xe8: {  	_ =	swait.ge [sflag:s29], $0x4000  }
0xe9: {  	s12 =	sadd.s32 $0x20000, s15;
	[sflag:s29] =	ssyncset.done $0x0  }
0xea: {  	s13 =	sadd.s32 $0xFFFFF000, s12;
	[sflag:s29] =	ssyncadd.s32 $0xFFFFC000  }
0xeb: {  	[hbm4b:s13+s30] =	stream.strided.scatter [tilespmem:s22], [sflag:$0x7], $0x4000, s31, s30, $0x38;
	[tilespmem:$0x10400] =	vst v63  }
0xec: {  	_ =	swait.ge [sflag:s20], $0x4000  }
0xed: {  	[sflag:s20] =	ssyncset.done $0x0  }
0xee: {  	[sflag:s20] =	ssyncadd.s32 $0xFFFFC000  }
0xef: {  	_ =	swait.ge [sflag:s0], $0x4000  }
0xf0: {  	s13 =	sadd.s32 $0x20000, s16;
	[sflag:s0] =	ssyncset.done $0x0  }
0xf1: {  	s14 =	sadd.s32 $0xFFFFF000, s13;
	[sflag:s0] =	ssyncadd.s32 $0xFFFFC000  }
0xf2: {  	[hbm4b:s14+s30] =	stream.strided.scatter [tilespmem:s23], [sflag:$0x7], $0x4000, s31, s30, $0x38;
	[tilespmem:$0x10400] =	vst v63  }
0xf3: {  	_ =	swait.ge [sflag:s20], $0x4000  }
0xf4: {  	[sflag:s20] =	ssyncset.done $0x0  }
0xf5: {  	[sflag:s20] =	ssyncadd.s32 $0xFFFFC000  }
0xf6: {  	_ =	swait.ge [sflag:s1], $0x100  }
0xf7: {  	s15 =	rddreg [dreg:$0x4];
	[sflag:s1] =	ssyncset.done $0x0  }
0xf8: {  	[sflag:s1] =	ssyncadd.s32 $0xFFFFFF00;
	s16 =	sadd.s32 s11, s15  }
0xf9: {  	[hbm4b:s16+s10] =	stream.linear.scatter [tilespmem:s24], [sflag:$0x7], $0x100, $0x38;
	[tilespmem:$0x10400] =	vst v63  }
0xfa: {  	_ =	swait.ge [sflag:s20], $0x100  }
0xfb: {  	[sflag:s20] =	ssyncset.done $0x0  }
0xfc: {  	[sflag:s20] =	ssyncadd.s32 $0xFFFFFF00  }
0xfd: {  	_ =	swait.ge [sflag:s6], $0x4000  }
0xfe: {  	[sflag:s6] =	ssyncset.done $0x0  }
0xff: {  	[sflag:s6] =	ssyncadd.s32 $0xFFFFC000  }
0x100: {  	[hbm4b:s12+s30] =	stream.strided.scatter [tilespmem:s25], [sflag:$0x7], $0x4000, s31, s30, $0x38;
	[tilespmem:$0x10400] =	vst v63  }
0x101: {  	_ =	swait.ge [sflag:s20], $0x4000  }
0x102: {  	[sflag:s20] =	ssyncset.done $0x0  }
0x103: {  	[sflag:s20] =	ssyncadd.s32 $0xFFFFC000  }
0x104: {  	_ =	swait.ge [sflag:s7], $0x4000  }
0x105: {  	[sflag:s7] =	ssyncset.done $0x0  }
0x106: {  	[sflag:s7] =	ssyncadd.s32 $0xFFFFC000  }
0x107: {  	[hbm4b:s13+s30] =	stream.strided.scatter [tilespmem:s26], [sflag:$0x7], $0x4000, s31, s30, $0x38;
	[tilespmem:$0x10400] =	vst v63  }
0x108: {  	_ =	swait.ge [sflag:s20], $0x4000  }
0x109: {  	[sflag:s20] =	ssyncset.done $0x0  }
0x10a: {  	[sflag:s20] =	ssyncadd.s32 $0xFFFFC000  }
0x10b: {  	_ =	swait.ge [sflag:s8], $0x100  }
0x10c: {  	p1 =	por $0x1, $0x1;
	[sflag:s8] =	ssyncset.done $0x0  }
.Ltmp1:
0x10d: {  	s11 =	sadd.s32 $0x20, s16;
	[sflag:s8] =	ssyncadd.s32 $0xFFFFFF00;
	(pc) =	sbr.rel @!p1 .LBB2_8-.Ltmp1, $4  }
0x10e: {  	[hbm4b:s11+s10] =	stream.linear.scatter [tilespmem:s28], [sflag:$0x7], $0x100, $0x38;
	[tilespmem:$0x10400] =	vst v63  }
0x10f: {  	_ =	swait.ge [sflag:s20], $0x100  }
0x110: {  	p0 =	por $0x0, $0x0;
	[sflag:s20] =	ssyncset.done $0x0  }
0x111: {  	s14 =	smov.u32 s19;
	s11 =	simm.s32 $0x800;
	[sflag:s20] =	ssyncadd.s32 $0xFFFFFF00  }
0x112: {  	s10 =	sadd.s32 $0x0, s17  }
0x113: {  	[tilespmem:s2], [sflag:$0x7] =	stream.linear.gather [hbm4b:s10+s2], $0x100, $0x38;
	[tilespmem:$0x10400] =	vst v63  }
0x114: {  	_ =	swait.ge [sflag:s20], $0x100  }
0x115: {  	[sflag:s20] =	ssyncset.done $0x0  }
0x116: {  	[sflag:s20] =	ssyncadd.s32 $0xFFFFFF00  }
0x117: {  	[tilespmem:s23], [sflag:$0x2] =	stream.indirect.gather [hbm4b:s3+s21], $0x40, s2, s21, $0xb8;
	[tilespmem:$0x10400] =	vst v63  }
0x118: {  	_ = 	snop  }
0x119: {  	[tilespmem:s24], [sflag:$0x3] =	stream.indirect.gather [hbm4b:s4+s21], $0x1, s2, s21, $0xb8;
	[tilespmem:$0x10400] =	vst v63  }
0x11a: {  	s10 =	sadd.s32 $0x20, s10  }
0x11b: {  	[tilespmem:s21], [sflag:$0x7] =	stream.linear.gather [hbm4b:s10+s2], $0x100, $0x38;
	[tilespmem:$0x10400] =	vst v63  }
0x11c: {  	_ =	swait.ge [sflag:s20], $0x100  }
0x11d: {  	[sflag:s20] =	ssyncset.done $0x0  }
0x11e: {  	[sflag:s20] =	ssyncadd.s32 $0xFFFFFF00  }
0x11f: {  	[tilespmem:s26], [sflag:$0x5] =	stream.indirect.gather [hbm4b:s3+s21], $0x40, s21, s21, $0xb8;
	[tilespmem:$0x10400] =	vst v63  }
0x120: {  	_ = 	snop  }
0x121: {  	[tilespmem:s28], [sflag:$0x6] =	stream.indirect.gather [hbm4b:s4+s21], $0x1, s21, s21, $0xb8;
	[tilespmem:$0x10400] =	vst v63  }
0x122: {  	_ =	swait.ge [sflag:s0], $0x4000  }
0x123: {  	[sflag:s0] =	ssyncset.done $0x0  }
0x124: {  	s15 =	sadd.s32 $0xFFFFF000, s19;
	[sflag:s0] =	ssyncadd.s32 $0xFFFFC000  }
0x125: {  	[hbm4b:s15+s30] =	stream.strided.scatter [tilespmem:s23], [sflag:$0x7], $0x4000, s31, s30, $0x38;
	[tilespmem:$0x10400] =	vst v63  }
0x126: {  	_ =	swait.ge [sflag:s20], $0x4000  }
0x127: {  	[sflag:s20] =	ssyncset.done $0x0  }
0x128: {  	[sflag:s20] =	ssyncadd.s32 $0xFFFFC000  }
0x129: {  	_ =	swait.ge [sflag:s1], $0x100  }
0x12a: {  	[sflag:s1] =	ssyncset.done $0x0  }
0x12b: {  	s16 =	sadd.s32 $0x0, s18;
	[sflag:s1] =	ssyncadd.s32 $0xFFFFFF00  }
0x12c: {  	[hbm4b:s16+s2] =	stream.linear.scatter [tilespmem:s24], [sflag:$0x7], $0x100, $0x38;
	[tilespmem:$0x10400] =	vst v63  }
0x12d: {  	_ =	swait.ge [sflag:s20], $0x100  }
0x12e: {  	[sflag:s20] =	ssyncset.done $0x0  }
0x12f: {  	[sflag:s20] =	ssyncadd.s32 $0xFFFFFF00  }
0x130: {  	_ =	swait.ge [sflag:s7], $0x4000  }
0x131: {  	[sflag:s7] =	ssyncset.done $0x0  }
0x132: {  	[sflag:s7] =	ssyncadd.s32 $0xFFFFC000  }
0x133: {  	[hbm4b:s19+s30] =	stream.strided.scatter [tilespmem:s26], [sflag:$0x7], $0x4000, s31, s30, $0x38;
	[tilespmem:$0x10400] =	vst v63  }
0x134: {  	_ =	swait.ge [sflag:s20], $0x4000  }
0x135: {  	[sflag:s20] =	ssyncset.done $0x0  }
0x136: {  	[sflag:s20] =	ssyncadd.s32 $0xFFFFC000  }
0x137: {  	p1 =	por $0x1, $0x1;
	_ =	swait.ge [sflag:s8], $0x100  }
.Ltmp2:
0x138: {  	[sflag:s8] =	ssyncset.done $0x0;
	(pc) =	sbr.rel @!p1 .LBB2_5-.Ltmp2, $4  }
0x139: {  	s10 =	sadd.s32 $0x20, s16;
	[sflag:s8] =	ssyncadd.s32 $0xFFFFFF00  }
0x13a: {  	[hbm4b:s10+s2] =	stream.linear.scatter [tilespmem:s28], [sflag:$0x7], $0x100, $0x38;
	[tilespmem:$0x10400] =	vst v63  }
0x13b: {  	s12 =	simm.s32 $0x1000;
	_ =	swait.ge [sflag:s20], $0x100  }
0x13c: {  	s14 =	sadd.s32 $0x20000, s19;
	p0 =	por $0x1, $0x1;
	[sflag:s20] =	ssyncset.done $0x0  }
.LBB2_6:
0x13d: {  	s13 =	sadd.s32 s11, s17  }
0x13e: {  	[sflag:s20] =	ssyncadd.s32 $0xFFFFFF00;
	s15 =	smov.u32 s12;
	s10 =	sadd.s32 $0x800, s12  }
0x13f: {  	[tilespmem:s2], [sflag:$0x7] =	stream.linear.gather [hbm4b:s13+s2], $0x100, $0x38;
	[tilespmem:$0x10400] =	vst v63  }
0x140: {  	p1 =	sne.s32 s12, $0x9800;
	_ =	swait.ge [sflag:s20], $0x100  }
0x141: {  	[sflag:s20] =	ssyncset.done $0x0  }
0x142: {  	[sflag:s20] =	ssyncadd.s32 $0xFFFFFF00  }
0x143: {  	[tilespmem:s23], [sflag:$0x2] =	stream.indirect.gather [hbm4b:s3+s21], $0x40, s2, s21, $0xb8;
	[tilespmem:$0x10400] =	vst v63  }
0x144: {  	_ = 	snop  }
0x145: {  	[tilespmem:s24], [sflag:$0x3] =	stream.indirect.gather [hbm4b:s4+s21], $0x1, s2, s21, $0xb8;
	[tilespmem:$0x10400] =	vst v63  }
0x146: {  	s12 =	sadd.s32 $0x20, s13  }
0x147: {  	[tilespmem:s21], [sflag:$0x7] =	stream.linear.gather [hbm4b:s12+s2], $0x100, $0x38;
	[tilespmem:$0x10400] =	vst v63  }
0x148: {  	_ =	swait.ge [sflag:s20], $0x100  }
0x149: {  	[sflag:s20] =	ssyncset.done $0x0  }
0x14a: {  	[sflag:s20] =	ssyncadd.s32 $0xFFFFFF00  }
0x14b: {  	[tilespmem:s26], [sflag:$0x5] =	stream.indirect.gather [hbm4b:s3+s21], $0x40, s21, s21, $0xb8;
	[tilespmem:$0x10400] =	vst v63  }
0x14c: {  	_ = 	snop  }
0x14d: {  	[tilespmem:s28], [sflag:$0x6] =	stream.indirect.gather [hbm4b:s4+s21], $0x1, s21, s21, $0xb8;
	[tilespmem:$0x10400] =	vst v63  }
0x14e: {  	_ =	swait.ge [sflag:s0], $0x4000  }
0x14f: {  	[sflag:s0] =	ssyncset.done $0x0  }
0x150: {  	s12 =	sadd.s32 $0xFFFFF000, s14;
	[sflag:s0] =	ssyncadd.s32 $0xFFFFC000  }
0x151: {  	[hbm4b:s12+s30] =	stream.strided.scatter [tilespmem:s23], [sflag:$0x7], $0x4000, s31, s30, $0x38;
	[tilespmem:$0x10400] =	vst v63  }
0x152: {  	_ =	swait.ge [sflag:s20], $0x4000  }
0x153: {  	[sflag:s20] =	ssyncset.done $0x0  }
0x154: {  	[sflag:s20] =	ssyncadd.s32 $0xFFFFC000  }
0x155: {  	_ =	swait.ge [sflag:s1], $0x100  }
0x156: {  	[sflag:s1] =	ssyncset.done $0x0  }
0x157: {  	s12 =	sadd.s32 s11, s18;
	s11 =	smov.u32 s15;
	[sflag:s1] =	ssyncadd.s32 $0xFFFFFF00  }
0x158: {  	[hbm4b:s12+s2] =	stream.linear.scatter [tilespmem:s24], [sflag:$0x7], $0x100, $0x38;
	[tilespmem:$0x10400] =	vst v63  }
0x159: {  	_ =	swait.ge [sflag:s20], $0x100  }
0x15a: {  	[sflag:s20] =	ssyncset.done $0x0  }
0x15b: {  	[sflag:s20] =	ssyncadd.s32 $0xFFFFFF00  }
0x15c: {  	_ =	swait.ge [sflag:s7], $0x4000  }
0x15d: {  	[sflag:s7] =	ssyncset.done $0x0  }
0x15e: {  	[sflag:s7] =	ssyncadd.s32 $0xFFFFC000  }
0x15f: {  	[hbm4b:s14+s30] =	stream.strided.scatter [tilespmem:s26], [sflag:$0x7], $0x4000, s31, s30, $0x38;
	[tilespmem:$0x10400] =	vst v63  }
0x160: {  	_ =	swait.ge [sflag:s20], $0x4000  }
0x161: {  	[sflag:s20] =	ssyncset.done $0x0  }
0x162: {  	[sflag:s20] =	ssyncadd.s32 $0xFFFFC000  }
0x163: {  	_ =	swait.ge [sflag:s8], $0x100  }
.Ltmp3:
0x164: {  	[sflag:s8] =	ssyncset.done $0x0;
	(pc) =	sbr.rel @p1 .LBB2_6-.Ltmp3, $4  }
0x165: {  	s12 =	sadd.s32 $0x20, s12;
	[sflag:s8] =	ssyncadd.s32 $0xFFFFFF00  }
0x166: {  	[hbm4b:s12+s2] =	stream.linear.scatter [tilespmem:s28], [sflag:$0x7], $0x100, $0x38;
	[tilespmem:$0x10400] =	vst v63  }
0x167: {  	_ =	swait.ge [sflag:s20], $0x100  }
0x168: {  	s14 =	sadd.s32 $0x20000, s14;
	s12 =	smov.u32 s10;
	[sflag:s20] =	ssyncset.done $0x0  }
0x169: {  	s10 =	smov.u32 s11  }
.LBB2_8:
0x16a: {  	s11 =	sadd.s32 s10, s17;
	[sflag:s20] =	ssyncadd.s32 @p0 $0xFFFFFF00  }
0x16b: {  	[tilespmem:s2], [sflag:$0x7] =	stream.linear.gather [hbm4b:s11+s2], $0x100, $0x38;
	[tilespmem:$0x10400] =	vst v63  }
0x16c: {  	_ =	swait.ge [sflag:s20], $0x100  }
0x16d: {  	[sflag:s20] =	ssyncset.done $0x0  }
0x16e: {  	[sflag:s20] =	ssyncadd.s32 $0xFFFFFF00  }
0x16f: {  	[tilespmem:s23], [sflag:$0x2] =	stream.indirect.gather [hbm4b:s3+s21], $0x40, s2, s21, $0xb8;
	[tilespmem:$0x10400] =	vst v63  }
0x170: {  	_ = 	snop  }
0x171: {  	[tilespmem:s24], [sflag:$0x3] =	stream.indirect.gather [hbm4b:s4+s21], $0x1, s2, s21, $0xb8;
	[tilespmem:$0x10400] =	vst v63  }
0x172: {  	s11 =	sadd.s32 $0x20, s11  }
0x173: {  	[tilespmem:s21], [sflag:$0x7] =	stream.linear.gather [hbm4b:s11+s2], $0x100, $0x38;
	[tilespmem:$0x10400] =	vst v63  }
0x174: {  	_ =	swait.ge [sflag:s20], $0x100  }
0x175: {  	[sflag:s20] =	ssyncset.done $0x0  }
0x176: {  	[sflag:s20] =	ssyncadd.s32 $0xFFFFFF00  }
0x177: {  	[tilespmem:s26], [sflag:$0x5] =	stream.indirect.gather [hbm4b:s3+s21], $0x40, s21, s21, $0xb8;
	[tilespmem:$0x10400] =	vst v63  }
0x178: {  	_ = 	snop  }
0x179: {  	[tilespmem:s28], [sflag:$0x6] =	stream.indirect.gather [hbm4b:s4+s21], $0x1, s21, s21, $0xb8;
	[tilespmem:$0x10400] =	vst v63  }
0x17a: {  	_ =	swait.ge [sflag:s0], $0x4000  }
0x17b: {  	[sflag:s0] =	ssyncset.done $0x0  }
0x17c: {  	s13 =	sadd.s32 $0xFFFFF000, s14;
	[sflag:s0] =	ssyncadd.s32 $0xFFFFC000  }
0x17d: {  	[hbm4b:s13+s30] =	stream.strided.scatter [tilespmem:s23], [sflag:$0x7], $0x4000, s31, s30, $0x38;
	[tilespmem:$0x10400] =	vst v63  }
0x17e: {  	_ =	swait.ge [sflag:s20], $0x4000  }
0x17f: {  	[sflag:s20] =	ssyncset.done $0x0  }
0x180: {  	[sflag:s20] =	ssyncadd.s32 $0xFFFFC000  }
0x181: {  	_ =	swait.ge [sflag:s1], $0x100  }
0x182: {  	[sflag:s1] =	ssyncset.done $0x0  }
0x183: {  	s15 =	sadd.s32 s10, s18;
	[sflag:s1] =	ssyncadd.s32 $0xFFFFFF00  }
0x184: {  	[hbm4b:s15+s2] =	stream.linear.scatter [tilespmem:s24], [sflag:$0x7], $0x100, $0x38;
	[tilespmem:$0x10400] =	vst v63  }
0x185: {  	_ =	swait.ge [sflag:s20], $0x100  }
0x186: {  	[sflag:s20] =	ssyncset.done $0x0  }
0x187: {  	[sflag:s20] =	ssyncadd.s32 $0xFFFFFF00  }
0x188: {  	_ =	swait.ge [sflag:s7], $0x4000  }
0x189: {  	[sflag:s7] =	ssyncset.done $0x0  }
0x18a: {  	[sflag:s7] =	ssyncadd.s32 $0xFFFFC000  }
0x18b: {  	[hbm4b:s14+s30] =	stream.strided.scatter [tilespmem:s26], [sflag:$0x7], $0x4000, s31, s30, $0x38;
	[tilespmem:$0x10400] =	vst v63  }
0x18c: {  	_ =	swait.ge [sflag:s20], $0x4000  }
0x18d: {  	[sflag:s20] =	ssyncset.done $0x0  }
0x18e: {  	[sflag:s20] =	ssyncadd.s32 $0xFFFFC000  }
0x18f: {  	_ =	swait.ge [sflag:s8], $0x100  }
0x190: {  	[sflag:s8] =	ssyncset.done $0x0  }
0x191: {  	s10 =	sadd.s32 $0x20, s15;
	[sflag:s8] =	ssyncadd.s32 $0xFFFFFF00  }
0x192: {  	[hbm4b:s10+s2] =	stream.linear.scatter [tilespmem:s28], [sflag:$0x7], $0x100, $0x38;
	[tilespmem:$0x10400] =	vst v63  }
0x193: {  	_ =	swait.ge [sflag:s20], $0x100  }
0x194: {  	s9 =	sadd.s32 $0x1, s9;
	s16 =	rddreg [dreg:$0xd]  }
0x195: {  	p0 =	sne.s32 s9, s16  }
.Ltmp4:
0x196: {  	_ = 	snop;
	(pc) =	sbr.rel @p0 .LBB2_1-.Ltmp4, $4  }
.Ltmp5:
0x197: {  	_ = 	snop;
	(pc) =	sbr.rel @!p0 .LBB2_9-.Ltmp5, $4  }
0x198: {  	_ = 	snop  }
0x199: {  	[sflag:s20] =	ssyncset.done $0x0  }
0x19a: {  	[sflag:s20] =	ssyncadd.s32 $0xFFFFFF00  }
0x19b: {  	_ = 	snop  }
.LBB2_5:
.Ltmp6:
0x19c: {  	(pc) =	sbr.rel .LBB2_8-.Ltmp6, $2  }
0x19d: {  	_ =	sdelay $0x2  }
0x19e: {  	s10 =	simm.s32 $0x800  }
.LBB2_9:
0x19f: {  	_ =	sfence.sel $0x180000  }
0x1a0: {  	[bflag:$0x0] =	sbarrier.arrive $0xFFFF  }
0x1a1: {  	_ =	strace $0x90000047  }
0x1a2: {  	s0 =	stileid.u32;
	[bflag:$0x2] =	sbarrier.arrive $0xFFFF  }
0x1a3: {  	p0 =	sne.s32 s0, $0x0;
	s0 =	rddreg [dreg:$0x2]  }
0x1a4: {  	s0 =	sadd.s32 @!p0 $0x100000, s0  }
0x1a5: {  	[sflag:s0] =	ssyncadd.tile.s32 @!p0 $0x1;
	_ =	shalt  }
.Lfunc_end2:
_tile_overlayer_lowered:
.L_overlay_start_2:
0x1a6: {  	(tag) =	ssettag $0x2  }
0x1a7: {  	s0 =	rddreg [dreg:$0x0];
	s2 =	stileid.u32  }
0x1a8: {  	s1 =	rddreg [dreg:$0x1];
	p0 =	sne.s32 s2, $0x0  }
0x1a9: {  	s3 =	rddreg [dreg:$0x2];
	[bflag:$0x3] =	sbarrier.arrive $0xFFFF;
	s2 =	simm.s32 @!p0 $0x1C07  }
0x1aa: {  	[timem:s3], [sflag:s2] =	dma.local @!p0 [hbm:s0], s1  }
0x1ab: {  	s0 =	simm.s32 @!p0 $0x7  }
0x1ac: {  	_ =	swait.ge @!p0 [sflag:s0], s1  }
0x1ad: {  	s1 =	ssub.s32 @!p0 $0x0, s1;
	[sflag:s0] =	ssyncset.done @!p0 $0x0  }
0x1ae: {  	[sflag:s0] =	ssyncadd.s32 @!p0 s1  }
0x1af: {  	[bflag:$0x3] =	sbarrier.arrive $0xFFFF  }
0x1b0: {  	_ =	shalt  }

</sc_bundles>
